<compile_context>
chip_gen: v7x
topology: tpu7x:2x2x1
jax: 0.10.2.dev20260603
libtpu: 0.0.44.dev20260713+nightly
codegen_flags: <defaults>
</compile_context>

<pallas_src>
import functools

import jax
import jax.numpy as jnp
from jax import lax
from jax.experimental import pallas as pl
from jax.experimental.pallas import tpu as pltpu
from jax.experimental.pallas import tpu_sc as plsc

KNN = 8
EPS = 1e-5
B = 8
N = 2048
BN = B * N
ROWS = 256
NB = N // ROWS
H = lax.Precision.HIGHEST
F32 = jnp.float32
BF16 = jnp.bfloat16


def _lrelu(v):
    return jnp.where(v >= 0, v, 0.2 * v)


def _knn_front(xT, wrT):
    D = xT.shape[1]
    has_res = wrT is not None

    def body(xrow_ref, xfull_ref, *rest):
        if has_res:
            wr_ref, idx_ref, r_ref = rest
        else:
            (idx_ref,) = rest
        xr = xrow_ref[...]
        xf = xfull_ref[...]
        dot = lax.dot_general(xr.astype(BF16), xf.astype(BF16),
                              (((1,), (1,)), ((), ())),
                              preferred_element_type=F32)
        xxr = jnp.sum(xr * xr, axis=1, keepdims=True)
        ones = jnp.ones((1, D), F32)
        xxf = lax.dot_general(ones, xf * xf, (((1,), (1,)), ((), ())),
                              precision=H, preferred_element_type=F32)
        pd = 2.0 * dot - xxr - xxf
        iota = lax.broadcasted_iota(jnp.int32, (ROWS, N), 1).astype(F32)
        boff = pl.program_id(0) * N
        big = jnp.float32(N)
        for r in range(KNN):
            m = jnp.max(pd, axis=1, keepdims=True)
            cand = jnp.where(pd == m, iota, big)
            j = jnp.min(cand, axis=1, keepdims=True)
            idx_ref[:, r:r + 1] = j.astype(jnp.int32) + boff
            pd = jnp.where(cand == j, -jnp.inf, pd)
        if has_res:
            r_ref[...] = lax.dot_general(
                xr.astype(BF16), wr_ref[...], (((1,), (0,)), ((), ())),
                preferred_element_type=F32)

    in_specs = [
        pl.BlockSpec((ROWS, D), lambda b, i: (b * NB + i, 0)),
        pl.BlockSpec((N, D), lambda b, i: (b, 0)),
    ]
    operands = [xT, xT]
    out_shape = [jax.ShapeDtypeStruct((BN, KNN), jnp.int32)]
    out_specs = [pl.BlockSpec((ROWS, KNN), lambda b, i: (b * NB + i, 0))]
    if has_res:
        O = wrT.shape[1]
        in_specs.append(pl.BlockSpec((D, O), lambda b, i: (0, 0)))
        operands.append(wrT.astype(BF16))
        out_shape.append(jax.ShapeDtypeStruct((BN, O), F32))
        out_specs.append(pl.BlockSpec((ROWS, O), lambda b, i: (b * NB + i, 0)))
    res = pl.pallas_call(
        body, grid=(B, NB), in_specs=in_specs, out_specs=out_specs,
        out_shape=out_shape)(*operands)
    return res if has_res else (res[0], None)


def _sc_gather(xT, idxf):
    D = xT.shape[1]
    info = plsc.get_sparse_core_info()
    NC, NS = info.num_cores, info.num_subcores
    NW = NC * NS
    P = BN // NW
    C = 16
    NCH = P // C
    mesh = plsc.VectorSubcoreMesh(core_axis_name="c", subcore_axis_name="s")

    CR = C * KNN

    @functools.partial(
        pl.kernel, mesh=mesh,
        out_type=jax.ShapeDtypeStruct((BN * KNN, D), F32),
        scratch_types=[
            pltpu.VMEM((NCH, CR), jnp.int32),
            pltpu.VMEM((CR, D), F32),
            pltpu.VMEM((CR, D), F32),
            pltpu.SemaphoreType.DMA,
            pltpu.SemaphoreType.DMA,
            pltpu.SemaphoreType.DMA,
            pltpu.SemaphoreType.DMA,
        ])
    def sc_fn(x_hbm, idx_hbm, nb_hbm, idx_all, rows0, rows1,
              gsem0, gsem1, wsem0, wsem1):
        wid = lax.axis_index("s") * NC + lax.axis_index("c")
        base0 = wid * P * KNN
        rows = (rows0, rows1)
        gsem = (gsem0, gsem1)
        wsem = (wsem0, wsem1)

        pltpu.sync_copy(idx_hbm.at[pl.ds(wid * NCH, NCH)], idx_all)
        pltpu.async_copy(x_hbm.at[idx_all.at[0]], rows0, gsem0)

        def chunk(ci, _):
            base = base0 + ci * CR
            for p in range(2):
                @pl.when(lax.rem(ci, 2) == p)
                def _():
                    pltpu.make_async_copy(
                        x_hbm.at[idx_all.at[ci]], rows[p], gsem[p]).wait()

                    @pl.when(ci + 1 < NCH)
                    def _():
                        @pl.when(ci > 0)
                        def _():
                            pltpu.make_async_copy(
                                rows[1 - p], nb_hbm.at[pl.ds(base, CR)],
                                wsem[1 - p]).wait()
                        pltpu.async_copy(
                            x_hbm.at[idx_all.at[ci + 1]], rows[1 - p],
                            gsem[1 - p])
                    pltpu.async_copy(
                        rows[p], nb_hbm.at[pl.ds(base, CR)], wsem[p])
            return 0

        lax.fori_loop(0, NCH, chunk, 0)
        pltpu.make_async_copy(rows0, nb_hbm.at[pl.ds(base0, CR)],
                              wsem0).wait()
        pltpu.make_async_copy(rows1, nb_hbm.at[pl.ds(base0, CR)],
                              wsem1).wait()

    return sc_fn(xT, idxf.reshape(BN * KNN // CR, CR))


def _edge_conv(nb, xT, w2dT):
    D = xT.shape[1]
    O = w2dT.shape[1]
    W = w2dT.shape[0]
    d_lo = W // 2

    def body(nb_ref, x_ref, w_ref, m_ref, s_ref):
        center = x_ref[...]
        crep = jnp.broadcast_to(center[:, None, :], (ROWS, KNN, D))
        crep = crep.reshape(ROWS * KNN, D)
        diff = nb_ref[...] - crep
        feat = jnp.concatenate(
            [diff[:, :d_lo].astype(BF16),
             crep[:, :W - d_lo].astype(BF16)], axis=1)
        e = lax.dot_general(feat, w_ref[...], (((1,), (0,)), ((), ())),
                            preferred_element_type=F32)
        m_ref[...] = jnp.max(e.reshape(ROWS, KNN, O), axis=1)
        bs = jnp.sum(e, axis=0, keepdims=True)
        bs2 = jnp.sum(e * e, axis=0, keepdims=True)
        upd = jnp.concatenate([bs, bs2, jnp.zeros((6, O), F32)], axis=0)
        first = (pl.program_id(0) == 0) & (pl.program_id(1) == 0)

        @pl.when(first)
        def _():
            s_ref[...] = upd

        @pl.when(jnp.logical_not(first))
        def _():
            s_ref[...] = s_ref[...] + upd

    return pl.pallas_call(
        body, grid=(B, NB),
        in_specs=[
            pl.BlockSpec((ROWS * KNN, D), lambda b, i: (b * NB + i, 0)),
            pl.BlockSpec((ROWS, D), lambda b, i: (b * NB + i, 0)),
            pl.BlockSpec((W, O), lambda b, i: (0, 0)),
        ],
        out_specs=[pl.BlockSpec((ROWS, O), lambda b, i: (b * NB + i, 0)),
                   pl.BlockSpec((8, O), lambda b, i: (0, 0))],
        out_shape=[jax.ShapeDtypeStruct((BN, O), F32),
                   jax.ShapeDtypeStruct((8, O), F32)],
    )(nb, xT, w2dT)


def _edge_update(M, sacc, resT):
    O = M.shape[1]
    has_res = resT is not None
    cnt = float(BN * KNN)

    def body(m_ref, s_ref, *rest):
        if has_res:
            r_ref, o_ref = rest
        else:
            (o_ref,) = rest
        s = s_ref[...]
        mean = s[0:1] / cnt
        inv = lax.rsqrt(s[1:2] / cnt - mean * mean + EPS)
        out = _lrelu((m_ref[...] - mean) * inv)
        if has_res:
            out = out + r_ref[...]
        o_ref[...] = out

    specs = [
        pl.BlockSpec((ROWS, O), lambda b, i: (b * NB + i, 0)),
        pl.BlockSpec((8, O), lambda b, i: (0, 0)),
    ]
    operands = [M, sacc]
    if has_res:
        specs.append(pl.BlockSpec((ROWS, O), lambda b, i: (b * NB + i, 0)))
        operands.append(resT)
    return pl.pallas_call(
        body, grid=(B, NB), in_specs=specs,
        out_specs=pl.BlockSpec((ROWS, O), lambda b, i: (b * NB + i, 0)),
        out_shape=jax.ShapeDtypeStruct((BN, O), F32))(*operands)


def _conv5(x1, x2, x3, x4, w51T, w52T, w53T, w54T):
    CO = w51T.shape[1]

    def body(x1_ref, x2_ref, x3_ref, x4_ref, wa_ref, wb_ref, wc_ref, wd_ref,
             o_ref, s_ref):
        def bdot(xr, wr):
            return lax.dot_general(xr[...].astype(BF16), wr[...],
                                   (((1,), (0,)), ((), ())),
                                   preferred_element_type=F32)
        o = bdot(x1_ref, wa_ref) + bdot(x2_ref, wb_ref)
        o = o + bdot(x3_ref, wc_ref) + bdot(x4_ref, wd_ref)
        o_ref[...] = o
        bs = jnp.sum(o, axis=0, keepdims=True)
        bs2 = jnp.sum(o * o, axis=0, keepdims=True)
        upd = jnp.concatenate([bs, bs2, jnp.zeros((6, CO), F32)], axis=0)
        first = (pl.program_id(0) == 0) & (pl.program_id(1) == 0)

        @pl.when(first)
        def _():
            s_ref[...] = upd

        @pl.when(jnp.logical_not(first))
        def _():
            s_ref[...] = s_ref[...] + upd

    def xspec(d):
        return pl.BlockSpec((ROWS, d), lambda b, i: (b * NB + i, 0))

    def wspec(d):
        return pl.BlockSpec((d, CO), lambda b, i: (0, 0))

    return pl.pallas_call(
        body, grid=(B, NB),
        in_specs=[xspec(128), xspec(128), xspec(256), xspec(512),
                  wspec(128), wspec(128), wspec(256), wspec(512)],
        out_specs=[pl.BlockSpec((ROWS, CO), lambda b, i: (b * NB + i, 0)),
                   pl.BlockSpec((8, CO), lambda b, i: (0, 0))],
        out_shape=[jax.ShapeDtypeStruct((BN, CO), F32),
                   jax.ShapeDtypeStruct((8, CO), F32)],
    )(x1, x2, x3, x4, w51T.astype(BF16), w52T.astype(BF16),
      w53T.astype(BF16), w54T.astype(BF16))


def _norm_pool(out, sacc):
    CO = out.shape[1]
    cnt = float(BN)

    def body(o_ref, s_ref, p_ref):
        s = s_ref[...]
        mean = s[0:1] / cnt
        inv = lax.rsqrt(s[1:2] / cnt - mean * mean + EPS)
        xcn = _lrelu((o_ref[...] - mean) * inv)
        bm = jnp.max(xcn, axis=0, keepdims=True)
        bs = jnp.sum(xcn, axis=0, keepdims=True)
        z = jnp.zeros((6, CO), F32)
        i = pl.program_id(1)

        @pl.when(i == 0)
        def _():
            p_ref[...] = jnp.concatenate([bm, bs, z], axis=0)[None]

        @pl.when(i != 0)
        def _():
            prev = p_ref[0]
            p_ref[...] = jnp.concatenate(
                [jnp.maximum(prev[0:1], bm), prev[1:2] + bs, z], axis=0)[None]

    return pl.pallas_call(
        body, grid=(B, NB),
        in_specs=[pl.BlockSpec((ROWS, CO), lambda b, i: (b * NB + i, 0)),
                  pl.BlockSpec((8, CO), lambda b, i: (0, 0))],
        out_specs=pl.BlockSpec((1, 8, CO), lambda b, i: (b, 0, 0)),
        out_shape=jax.ShapeDtypeStruct((B, 8, CO), F32))(out, sacc)


def _head(pooled, lin_wT, lin_b2):
    CO = pooled.shape[2]
    FD = lin_wT.shape[0]
    CB = 512
    NCB = lin_wT.shape[1] // CB

    def body(p_ref, w_ref, b_ref, y_ref):
        p1 = p_ref[:, 0, :].astype(BF16)
        p2 = (p_ref[:, 1, :] / float(N)).astype(BF16)
        w = w_ref[...]
        y = lax.dot_general(p1, w[:CO], (((1,), (0,)), ((), ())),
                            preferred_element_type=F32)
        y += lax.dot_general(p2, w[CO:], (((1,), (0,)), ((), ())),
                             preferred_element_type=F32)
        y += b_ref[...]
        mean = jnp.mean(y, axis=0, keepdims=True)
        inv = lax.rsqrt(jnp.mean(y * y, axis=0, keepdims=True)
                        - mean * mean + EPS)
        y_ref[...] = jnp.maximum((y - mean) * inv, 0.0)

    return pl.pallas_call(
        body, grid=(NCB,),
        in_specs=[pl.BlockSpec((B, 8, CO), lambda j: (0, 0, 0)),
                  pl.BlockSpec((FD, CB), lambda j: (0, j)),
                  pl.BlockSpec((1, CB), lambda j: (0, j))],
        out_specs=pl.BlockSpec((B, CB), lambda j: (0, j)),
        out_shape=jax.ShapeDtypeStruct((B, lin_wT.shape[1]), F32),
    )(pooled, lin_wT.astype(BF16), lin_b2)


def _edge_layer(xT, w, d, wrT, pad_to=None):
    wa, wb = w[:, :d], w[:, d:]
    w2dT = jnp.concatenate([wa.T, wb.T], axis=0)
    if pad_to is not None:
        zpad = jnp.zeros((pad_to - d, w.shape[0]), w.dtype)
        w2dT = jnp.concatenate([wa.T, zpad, wb.T, zpad], axis=0)
    idx, resT = _knn_front(xT, wrT)
    nb = _sc_gather(xT, idx.reshape(BN * KNN))
    M, sacc = _edge_conv(nb, xT, w2dT.astype(BF16))
    return _edge_update(M, sacc, resT)


def kernel(x, w1, w2, w3, w4, w5, rw1, rw2, rw3, lin_w, lin_b):
    xT = jnp.transpose(x, (0, 2, 1)).reshape(BN, 3)
    xT = jnp.pad(xT, ((0, 0), (0, 125)))
    x1 = _edge_layer(xT, w1, 3, None, pad_to=128)
    x2 = _edge_layer(x1, w2, 128, rw1.T)
    x3 = _edge_layer(x2, w3, 128, rw2.T)
    x4 = _edge_layer(x3, w4, 256, rw3.T)
    out, sacc = _conv5(x1, x2, x3, x4,
                       w5[:, :128].T, w5[:, 128:256].T,
                       w5[:, 256:512].T, w5[:, 512:].T)
    pooled = _norm_pool(out, sacc)
    return _head(pooled, lin_w.T, lin_b[None, :])

# --- scband reference (transcript-rebuilt; emitter-appended) ---
"""Pipeline reference for scband-spare-net-encode-25211458027806 (READ-ONLY COPY).

The authoritative reference and input builder live on the scoring server;
editing this copy changes nothing except your own understanding.
"""

import jax, jax.numpy as jnp
import numpy as np

K = 8
EPS = 1e-5


def knn_idx(x, k):
    # x: (b, d, n)
    inner = -2.0 * jnp.einsum('bdn,bdm->bnm', x, x)
    xx = jnp.sum(x * x, axis=1, keepdims=True)
    pd = -xx - inner - jnp.transpose(xx, (0, 2, 1))
    _, idx = jax.lax.top_k(pd, k)
    return idx  # (b, n, k)


def get_graph_feature(x, k):
    b, d, n = x.shape
    idx = knn_idx(x, k)
    xt = jnp.transpose(x, (0, 2, 1))  # (b, n, d)
    nb = jax.vmap(lambda pts, ii: pts[ii])(xt, idx)  # (b, n, k, d) gather
    xc = jnp.broadcast_to(xt[:, :, None, :], (b, n, k, d))
    feat = jnp.concatenate([nb - xc, xc], axis=3)
    return jnp.transpose(feat, (0, 3, 1, 2))  # (b, 2d, n, k)


def bn2d(x):
    m = jnp.mean(x, axis=(0, 2, 3), keepdims=True)
    v = jnp.var(x, axis=(0, 2, 3), keepdims=True)
    return (x - m) / jnp.sqrt(v + EPS)


def bn1d(x):
    axes = (0, 2) if x.ndim == 3 else (0,)
    m = jnp.mean(x, axis=axes, keepdims=True)
    v = jnp.var(x, axis=axes, keepdims=True)
    return (x - m) / jnp.sqrt(v + EPS)


def lrelu(x):
    return jnp.where(x >= 0, x, 0.2 * x)


def conv2d(x, w):
    return jnp.einsum('bcnk,oc->bonk', x, w)


def conv1d(x, w):
    return jnp.einsum('bcn,oc->bon', x, w)


def setup_inputs(seed: int = 0) -> dict:
    key = jax.random.key(seed)
    ks = jax.random.split(key, 12)
    hide, out = 2048, 4096
    x = jax.random.normal(ks[0], (8, 3, 2048), jnp.float32)

    def w(k_, o, i):
        return jax.random.normal(k_, (o, i), jnp.float32) * (1.0 / np.sqrt(i))

    return {
        'x': x,
        'w1': w(ks[1], hide // 16, 6),
        'w2': w(ks[2], hide // 16, hide // 8),
        'w3': w(ks[3], hide // 8, hide // 8),
        'w4': w(ks[4], hide // 4, hide // 4),
        'w5': w(ks[5], out // 2, hide // 2),
        'rw1': w(ks[6], hide // 16, hide // 16),
        'rw2': w(ks[7], hide // 8, hide // 16),
        'rw3': w(ks[8], hide // 4, hide // 8),
        'lin_w': w(ks[9], out, out),
        'lin_b': jnp.zeros((out,), jnp.float32),
    }


def reference(x, w1, w2, w3, w4, w5, rw1, rw2, rw3, lin_w, lin_b):
    # EdgeConvResFeat (use_SElayer=False), then SpareNetEncode linear+bn+relu
    f = get_graph_feature(x, K)
    f = lrelu(bn2d(conv2d(f, w1)))
    x1 = jnp.max(f, axis=-1)
    x2_res = conv1d(x1, rw1)
    f = get_graph_feature(x1, K)
    f = lrelu(bn2d(conv2d(f, w2)))
    x2 = jnp.max(f, axis=-1) + x2_res
    x3_res = conv1d(x2, rw2)
    f = get_graph_feature(x2, K)
    f = lrelu(bn2d(conv2d(f, w3)))
    x3 = jnp.max(f, axis=-1) + x3_res
    x4_res = conv1d(x3, rw3)
    f = get_graph_feature(x3, K)
    f = lrelu(bn2d(conv2d(f, w4)))
    x4 = jnp.max(f, axis=-1) + x4_res
    xc = jnp.concatenate([x1, x2, x3, x4], axis=1)
    xc = lrelu(bn1d(conv1d(xc, w5)))
    p1 = jnp.max(xc, axis=-1)
    p2 = jnp.mean(xc, axis=-1)
    feat = jnp.concatenate([p1, p2], axis=1)  # (b, 4096)
    y = feat @ lin_w.T + lin_b
    y = jax.nn.relu(bn1d(y))
    return y

if __name__ == "__main__":
    import jax
    _d = setup_inputs()
    print(jax.jit(kernel)(*tuple(_d.values())))

</pallas_src>

<mosaic_0001>
#map = affine_map<(d0, d1) -> (0, 0)>
module attributes {stable_mosaic.version = 14 : i64} {
  func.func @sc_fn(%arg0: i32, %arg1: i32, %arg2: memref<16384x128xf32, #tpu.memory_space<hbm>>, %arg3: memref<1024x128xi32, #tpu.memory_space<hbm>>, %arg4: memref<131072x128xf32, #tpu.memory_space<hbm>>, %arg5: memref<32x128xi32, #tpu.memory_space<vmem>>, %arg6: memref<128x128xf32, #tpu.memory_space<vmem>>, %arg7: memref<128x128xf32, #tpu.memory_space<vmem>>, %arg8: memref<!tpu.dma_semaphore, #tpu.memory_space<semaphore_mem>>, %arg9: memref<!tpu.dma_semaphore, #tpu.memory_space<semaphore_mem>>, %arg10: memref<!tpu.dma_semaphore, #tpu.memory_space<semaphore_mem>>, %arg11: memref<!tpu.dma_semaphore, #tpu.memory_space<semaphore_mem>>) attributes {dimension_semantics = [#tpu.dimension_semantics<core_parallel>, #tpu.dimension_semantics<subcore_parallel>], iteration_bounds = array<i64: 2, 16>, scalar_prefetch = 0 : i64, scratch_operands = 7 : i64, tpu.core_type = #tpu.core_type<sc_vector_subcore>, window_params = [{transform_indices = #map}, {transform_indices = #map}, {transform_indices = #map}]} {
    %mul3A = arith.constant 2 : i32
    %mul3A_0 = arith.muli %arg1, %mul3A : i32
    %add3A = arith.addi %mul3A_0, %arg0 : i32
    %mul3A_1 = arith.constant 512 : i32
    %mul3A_2 = arith.muli %add3A, %mul3A_1 : i32
    %mul3A_3 = arith.constant 8 : i32
    %mul3A_4 = arith.muli %mul3A_2, %mul3A_3 : i32
    %mul3A_5 = arith.constant 32 : i32
    %mul3A_6 = arith.muli %add3A, %mul3A_5 : i32
    "tpu.region"() ({
      %run_scoped3A = tpu.sem_alloc : memref<!tpu.dma_semaphore, #tpu.memory_space<semaphore_mem>>
      %dma_start3A_26 = arith.constant 0 : i32
      %dma_start3A_27 = tpu.memref_slice %arg3[%mul3A_6, %dma_start3A_26] : memref<1024x128xi32, #tpu.memory_space<hbm>> -> memref<32x128xi32, #tpu.memory_space<hbm>>
      %dma_start3A_28 = arith.constant 0 : i32
      %dma_start3A_29 = tpu.memref_slice %arg3[%mul3A_6, %dma_start3A_28] : memref<1024x128xi32, #tpu.memory_space<hbm>> -> memref<32x128xi32, #tpu.memory_space<hbm>>
      tpu.enqueue_dma source(%dma_start3A_29 : memref<32x128xi32, #tpu.memory_space<hbm>>) target(%arg5 : memref<32x128xi32, #tpu.memory_space<vmem>>) target_semaphore(%run_scoped3A : memref<!tpu.dma_semaphore, #tpu.memory_space<semaphore_mem>>)
      %dma_wait3A_30 = arith.constant 0 : i32
      %dma_wait3A_31 = tpu.memref_slice %arg3[%mul3A_6, %dma_wait3A_30] : memref<1024x128xi32, #tpu.memory_space<hbm>> -> memref<32x128xi32, #tpu.memory_space<hbm>>
      %dma_wait3A_32 = arith.constant 0 : i32
      %dma_wait3A_33 = tpu.memref_slice %arg3[%mul3A_6, %dma_wait3A_32] : memref<1024x128xi32, #tpu.memory_space<hbm>> -> memref<32x128xi32, #tpu.memory_space<hbm>>
      tpu.wait_dma2 semaphore(%run_scoped3A : memref<!tpu.dma_semaphore, #tpu.memory_space<semaphore_mem>>) src(%dma_wait3A_33 : memref<32x128xi32, #tpu.memory_space<hbm>>) dst(%arg5 : memref<32x128xi32, #tpu.memory_space<vmem>>)
      tpu.yield
    }) : () -> ()
    %dma_start3A = arith.constant 0 : i32
    %dma_start3A_7 = arith.constant 0 : i32
    %dma_start3A_8 = tpu.memref_slice %arg5[%dma_start3A, %dma_start3A_7] : memref<32x128xi32, #tpu.memory_space<vmem>> -> memref<1x128xi32, #tpu.memory_space<vmem>>
    %dma_start3A_9 = tpu.memref_squeeze %dma_start3A_8 : memref<1x128xi32, #tpu.memory_space<vmem>> -> memref<128xi32, #tpu.memory_space<vmem>>
    %dma_start3A_10 = arith.constant 0 : i32
    %dma_start3A_11 = arith.constant 0 : i32
    %dma_start3A_12 = tpu.memref_slice %arg2[%dma_start3A_10, %dma_start3A_11] : memref<16384x128xf32, #tpu.memory_space<hbm>> -> memref<16384x128xf32, #tpu.memory_space<hbm>>
    tpu.enqueue_indirect_dma source(%dma_start3A_12 : memref<16384x128xf32, #tpu.memory_space<hbm>>) target(%arg6 : memref<128x128xf32, #tpu.memory_space<vmem>>) offsets(%dma_start3A_9 : memref<128xi32, #tpu.memory_space<vmem>>) semaphore(%arg8 : memref<!tpu.dma_semaphore, #tpu.memory_space<semaphore_mem>>)
    %scan3A = arith.constant 0 : i32
    %scan3A_13 = arith.constant 0 : i32
    %scan3A_14 = arith.constant 32 : i32
    %scan3A_15 = arith.addi %scan3A_13, %scan3A_14 : i32
    %scan3A_16 = arith.constant 1 : i32
    %scan3A_17 = scf.for %scan3A_26 = %scan3A_13 to %scan3A_15 step %scan3A_16 iter_args(%scan3A_27 = %scan3A) -> (i32)  : i32 {
      %mul3A_28 = arith.constant 128 : i32
      %mul3A_29 = arith.muli %scan3A_26, %mul3A_28 : i32
      %add3A_30 = arith.addi %mul3A_4, %mul3A_29 : i32
      %rem3A = arith.constant 2 : i32
      %rem3A_31 = arith.remsi %scan3A_26, %rem3A : i32
      %eq3A = arith.constant 0 : i32
      %eq3A_32 = arith.cmpi eq, %rem3A_31, %eq3A : i32
      %convert_element_type3A = arith.extui %eq3A_32 : i1 to i32
      %cond3A = arith.constant 0 : i32
      %cond3A_33 = arith.cmpi ne, %convert_element_type3A, %cond3A : i32
      scf.if %cond3A_33 {
        %dma_wait3A_42 = arith.constant 0 : i32
        %dma_wait3A_43 = tpu.memref_slice %arg5[%scan3A_26, %dma_wait3A_42] : memref<32x128xi32, #tpu.memory_space<vmem>> -> memref<1x128xi32, #tpu.memory_space<vmem>>
        %dma_wait3A_44 = tpu.memref_squeeze %dma_wait3A_43 : memref<1x128xi32, #tpu.memory_space<vmem>> -> memref<128xi32, #tpu.memory_space<vmem>>
        %dma_wait3A_45 = arith.constant 0 : i32
        %dma_wait3A_46 = arith.constant 0 : i32
        %dma_wait3A_47 = tpu.memref_slice %arg2[%dma_wait3A_45, %dma_wait3A_46] : memref<16384x128xf32, #tpu.memory_space<hbm>> -> memref<16384x128xf32, #tpu.memory_space<hbm>>
        tpu.wait_indirect_dma semaphore(%arg8 : memref<!tpu.dma_semaphore, #tpu.memory_space<semaphore_mem>>) src(%dma_wait3A_47 : memref<16384x128xf32, #tpu.memory_space<hbm>>) dst(%arg6 : memref<128x128xf32, #tpu.memory_space<vmem>>)
        %add3A_48 = arith.constant 1 : i32
        %add3A_49 = arith.addi %scan3A_26, %add3A_48 : i32
        %lt3A = arith.constant 32 : i32
        %lt3A_50 = arith.cmpi slt, %add3A_49, %lt3A : i32
        %convert_element_type3A_51 = arith.extui %lt3A_50 : i1 to i32
        %cond3A_52 = arith.constant 0 : i32
        %cond3A_53 = arith.cmpi ne, %convert_element_type3A_51, %cond3A_52 : i32
        scf.if %cond3A_53 {
          %gt3A = arith.constant 0 : i32
          %gt3A_58 = arith.cmpi sgt, %scan3A_26, %gt3A : i32
          %convert_element_type3A_59 = arith.extui %gt3A_58 : i1 to i32
          %cond3A_60 = arith.constant 0 : i32
          %cond3A_61 = arith.cmpi ne, %convert_element_type3A_59, %cond3A_60 : i32
          scf.if %cond3A_61 {
            %dma_wait3A_70 = arith.constant 0 : i32
            %dma_wait3A_71 = tpu.memref_slice %arg4[%add3A_30, %dma_wait3A_70] : memref<131072x128xf32, #tpu.memory_space<hbm>> -> memref<128x128xf32, #tpu.memory_space<hbm>>
            %dma_wait3A_72 = arith.constant 0 : i32
            %dma_wait3A_73 = tpu.memref_slice %arg4[%add3A_30, %dma_wait3A_72] : memref<131072x128xf32, #tpu.memory_space<hbm>> -> memref<128x128xf32, #tpu.memory_space<hbm>>
            tpu.wait_dma2 semaphore(%arg11 : memref<!tpu.dma_semaphore, #tpu.memory_space<semaphore_mem>>) src(%arg7 : memref<128x128xf32, #tpu.memory_space<vmem>>) dst(%dma_wait3A_73 : memref<128x128xf32, #tpu.memory_space<hbm>>)
          } else {
          }
          %add3A_62 = arith.constant 1 : i32
          %add3A_63 = arith.addi %scan3A_26, %add3A_62 : i32
          %dma_start3A_64 = arith.constant 0 : i32
          %dma_start3A_65 = tpu.memref_slice %arg5[%add3A_63, %dma_start3A_64] : memref<32x128xi32, #tpu.memory_space<vmem>> -> memref<1x128xi32, #tpu.memory_space<vmem>>
          %dma_start3A_66 = tpu.memref_squeeze %dma_start3A_65 : memref<1x128xi32, #tpu.memory_space<vmem>> -> memref<128xi32, #tpu.memory_space<vmem>>
          %dma_start3A_67 = arith.constant 0 : i32
          %dma_start3A_68 = arith.constant 0 : i32
          %dma_start3A_69 = tpu.memref_slice %arg2[%dma_start3A_67, %dma_start3A_68] : memref<16384x128xf32, #tpu.memory_space<hbm>> -> memref<16384x128xf32, #tpu.memory_space<hbm>>
          tpu.enqueue_indirect_dma source(%dma_start3A_69 : memref<16384x128xf32, #tpu.memory_space<hbm>>) target(%arg7 : memref<128x128xf32, #tpu.memory_space<vmem>>) offsets(%dma_start3A_66 : memref<128xi32, #tpu.memory_space<vmem>>) semaphore(%arg9 : memref<!tpu.dma_semaphore, #tpu.memory_space<semaphore_mem>>)
        } else {
        }
        %dma_start3A_54 = arith.constant 0 : i32
        %dma_start3A_55 = tpu.memref_slice %arg4[%add3A_30, %dma_start3A_54] : memref<131072x128xf32, #tpu.memory_space<hbm>> -> memref<128x128xf32, #tpu.memory_space<hbm>>
        %dma_start3A_56 = arith.constant 0 : i32
        %dma_start3A_57 = tpu.memref_slice %arg4[%add3A_30, %dma_start3A_56] : memref<131072x128xf32, #tpu.memory_space<hbm>> -> memref<128x128xf32, #tpu.memory_space<hbm>>
        tpu.enqueue_dma source(%arg6 : memref<128x128xf32, #tpu.memory_space<vmem>>) target(%dma_start3A_57 : memref<128x128xf32, #tpu.memory_space<hbm>>) target_semaphore(%arg10 : memref<!tpu.dma_semaphore, #tpu.memory_space<semaphore_mem>>)
      } else {
      }
      %rem3A_34 = arith.constant 2 : i32
      %rem3A_35 = arith.remsi %scan3A_26, %rem3A_34 : i32
      %eq3A_36 = arith.constant 1 : i32
      %eq3A_37 = arith.cmpi eq, %rem3A_35, %eq3A_36 : i32
      %convert_element_type3A_38 = arith.extui %eq3A_37 : i1 to i32
      %cond3A_39 = arith.constant 0 : i32
      %cond3A_40 = arith.cmpi ne, %convert_element_type3A_38, %cond3A_39 : i32
      scf.if %cond3A_40 {
        %dma_wait3A_42 = arith.constant 0 : i32
        %dma_wait3A_43 = tpu.memref_slice %arg5[%scan3A_26, %dma_wait3A_42] : memref<32x128xi32, #tpu.memory_space<vmem>> -> memref<1x128xi32, #tpu.memory_space<vmem>>
        %dma_wait3A_44 = tpu.memref_squeeze %dma_wait3A_43 : memref<1x128xi32, #tpu.memory_space<vmem>> -> memref<128xi32, #tpu.memory_space<vmem>>
        %dma_wait3A_45 = arith.constant 0 : i32
        %dma_wait3A_46 = arith.constant 0 : i32
        %dma_wait3A_47 = tpu.memref_slice %arg2[%dma_wait3A_45, %dma_wait3A_46] : memref<16384x128xf32, #tpu.memory_space<hbm>> -> memref<16384x128xf32, #tpu.memory_space<hbm>>
        tpu.wait_indirect_dma semaphore(%arg9 : memref<!tpu.dma_semaphore, #tpu.memory_space<semaphore_mem>>) src(%dma_wait3A_47 : memref<16384x128xf32, #tpu.memory_space<hbm>>) dst(%arg7 : memref<128x128xf32, #tpu.memory_space<vmem>>)
        %add3A_48 = arith.constant 1 : i32
        %add3A_49 = arith.addi %scan3A_26, %add3A_48 : i32
        %lt3A = arith.constant 32 : i32
        %lt3A_50 = arith.cmpi slt, %add3A_49, %lt3A : i32
        %convert_element_type3A_51 = arith.extui %lt3A_50 : i1 to i32
        %cond3A_52 = arith.constant 0 : i32
        %cond3A_53 = arith.cmpi ne, %convert_element_type3A_51, %cond3A_52 : i32
        scf.if %cond3A_53 {
          %gt3A = arith.constant 0 : i32
          %gt3A_58 = arith.cmpi sgt, %scan3A_26, %gt3A : i32
          %convert_element_type3A_59 = arith.extui %gt3A_58 : i1 to i32
          %cond3A_60 = arith.constant 0 : i32
          %cond3A_61 = arith.cmpi ne, %convert_element_type3A_59, %cond3A_60 : i32
          scf.if %cond3A_61 {
            %dma_wait3A_70 = arith.constant 0 : i32
            %dma_wait3A_71 = tpu.memref_slice %arg4[%add3A_30, %dma_wait3A_70] : memref<131072x128xf32, #tpu.memory_space<hbm>> -> memref<128x128xf32, #tpu.memory_space<hbm>>
            %dma_wait3A_72 = arith.constant 0 : i32
            %dma_wait3A_73 = tpu.memref_slice %arg4[%add3A_30, %dma_wait3A_72] : memref<131072x128xf32, #tpu.memory_space<hbm>> -> memref<128x128xf32, #tpu.memory_space<hbm>>
            tpu.wait_dma2 semaphore(%arg10 : memref<!tpu.dma_semaphore, #tpu.memory_space<semaphore_mem>>) src(%arg6 : memref<128x128xf32, #tpu.memory_space<vmem>>) dst(%dma_wait3A_73 : memref<128x128xf32, #tpu.memory_space<hbm>>)
          } else {
          }
          %add3A_62 = arith.constant 1 : i32
          %add3A_63 = arith.addi %scan3A_26, %add3A_62 : i32
          %dma_start3A_64 = arith.constant 0 : i32
          %dma_start3A_65 = tpu.memref_slice %arg5[%add3A_63, %dma_start3A_64] : memref<32x128xi32, #tpu.memory_space<vmem>> -> memref<1x128xi32, #tpu.memory_space<vmem>>
          %dma_start3A_66 = tpu.memref_squeeze %dma_start3A_65 : memref<1x128xi32, #tpu.memory_space<vmem>> -> memref<128xi32, #tpu.memory_space<vmem>>
          %dma_start3A_67 = arith.constant 0 : i32
          %dma_start3A_68 = arith.constant 0 : i32
          %dma_start3A_69 = tpu.memref_slice %arg2[%dma_start3A_67, %dma_start3A_68] : memref<16384x128xf32, #tpu.memory_space<hbm>> -> memref<16384x128xf32, #tpu.memory_space<hbm>>
          tpu.enqueue_indirect_dma source(%dma_start3A_69 : memref<16384x128xf32, #tpu.memory_space<hbm>>) target(%arg6 : memref<128x128xf32, #tpu.memory_space<vmem>>) offsets(%dma_start3A_66 : memref<128xi32, #tpu.memory_space<vmem>>) semaphore(%arg8 : memref<!tpu.dma_semaphore, #tpu.memory_space<semaphore_mem>>)
        } else {
        }
        %dma_start3A_54 = arith.constant 0 : i32
        %dma_start3A_55 = tpu.memref_slice %arg4[%add3A_30, %dma_start3A_54] : memref<131072x128xf32, #tpu.memory_space<hbm>> -> memref<128x128xf32, #tpu.memory_space<hbm>>
        %dma_start3A_56 = arith.constant 0 : i32
        %dma_start3A_57 = tpu.memref_slice %arg4[%add3A_30, %dma_start3A_56] : memref<131072x128xf32, #tpu.memory_space<hbm>> -> memref<128x128xf32, #tpu.memory_space<hbm>>
        tpu.enqueue_dma source(%arg7 : memref<128x128xf32, #tpu.memory_space<vmem>>) target(%dma_start3A_57 : memref<128x128xf32, #tpu.memory_space<hbm>>) target_semaphore(%arg11 : memref<!tpu.dma_semaphore, #tpu.memory_space<semaphore_mem>>)
      } else {
      }
      %scan3A_41 = arith.constant 0 : i32
      scf.yield %scan3A_41 : i32
    }
    %scan3A_18 = arith.constant 32 : i32
    %dma_wait3A = arith.constant 0 : i32
    %dma_wait3A_19 = tpu.memref_slice %arg4[%mul3A_4, %dma_wait3A] : memref<131072x128xf32, #tpu.memory_space<hbm>> -> memref<128x128xf32, #tpu.memory_space<hbm>>
    %dma_wait3A_20 = arith.constant 0 : i32
    %dma_wait3A_21 = tpu.memref_slice %arg4[%mul3A_4, %dma_wait3A_20] : memref<131072x128xf32, #tpu.memory_space<hbm>> -> memref<128x128xf32, #tpu.memory_space<hbm>>
    tpu.wait_dma2 semaphore(%arg10 : memref<!tpu.dma_semaphore, #tpu.memory_space<semaphore_mem>>) src(%arg6 : memref<128x128xf32, #tpu.memory_space<vmem>>) dst(%dma_wait3A_21 : memref<128x128xf32, #tpu.memory_space<hbm>>)
    %dma_wait3A_22 = arith.constant 0 : i32
    %dma_wait3A_23 = tpu.memref_slice %arg4[%mul3A_4, %dma_wait3A_22] : memref<131072x128xf32, #tpu.memory_space<hbm>> -> memref<128x128xf32, #tpu.memory_space<hbm>>
    %dma_wait3A_24 = arith.constant 0 : i32
    %dma_wait3A_25 = tpu.memref_slice %arg4[%mul3A_4, %dma_wait3A_24] : memref<131072x128xf32, #tpu.memory_space<hbm>> -> memref<128x128xf32, #tpu.memory_space<hbm>>
    tpu.wait_dma2 semaphore(%arg11 : memref<!tpu.dma_semaphore, #tpu.memory_space<semaphore_mem>>) src(%arg7 : memref<128x128xf32, #tpu.memory_space<vmem>>) dst(%dma_wait3A_25 : memref<128x128xf32, #tpu.memory_space<hbm>>)
    return
  }
}

#map = affine_map<(d0, d1) -> (0, 0)>
module attributes {stable_mosaic.version = 14 : i64} {
  func.func @sc_fn(%arg0: i32, %arg1: i32, %arg2: memref<16384x128xf32, #tpu.memory_space<hbm>>, %arg3: memref<1024x128xi32, #tpu.memory_space<hbm>>, %arg4: memref<131072x128xf32, #tpu.memory_space<hbm>>, %arg5: memref<32x128xi32, #tpu.memory_space<vmem>>, %arg6: memref<128x128xf32, #tpu.memory_space<vmem>>, %arg7: memref<128x128xf32, #tpu.memory_space<vmem>>, %arg8: memref<!tpu.dma_semaphore, #tpu.memory_space<semaphore_mem>>, %arg9: memref<!tpu.dma_semaphore, #tpu.memory_space<semaphore_mem>>, %arg10: memref<!tpu.dma_semaphore, #tpu.memory_space<semaphore_mem>>, %arg11: memref<!tpu.dma_semaphore, #tpu.memory_space<semaphore_mem>>) attributes {dimension_semantics = [#tpu.dimension_semantics<core_parallel>, #tpu.dimension_semantics<subcore_parallel>], iteration_bounds = array<i64: 2, 16>, scalar_prefetch = 0 : i64, scratch_operands = 7 : i64, tpu.core_type = #tpu.core_type<sc_vector_subcore>, window_params = [{transform_indices = #map}, {transform_indices = #map}, {transform_indices = #map}]} {
    %mul3A = arith.constant 2 : i32
    %mul3A_0 = arith.muli %arg1, %mul3A : i32
    %add3A = arith.addi %mul3A_0, %arg0 : i32
    %mul3A_1 = arith.constant 512 : i32
    %mul3A_2 = arith.muli %add3A, %mul3A_1 : i32
    %mul3A_3 = arith.constant 8 : i32
    %mul3A_4 = arith.muli %mul3A_2, %mul3A_3 : i32
    %mul3A_5 = arith.constant 32 : i32
    %mul3A_6 = arith.muli %add3A, %mul3A_5 : i32
    "tpu.region"() ({
      %run_scoped3A = tpu.sem_alloc : memref<!tpu.dma_semaphore, #tpu.memory_space<semaphore_mem>>
      %dma_start3A_26 = arith.constant 0 : i32
      %dma_start3A_27 = tpu.memref_slice %arg3[%mul3A_6, %dma_start3A_26] : memref<1024x128xi32, #tpu.memory_space<hbm>> -> memref<32x128xi32, #tpu.memory_space<hbm>>
      %dma_start3A_28 = arith.constant 0 : i32
      %dma_start3A_29 = tpu.memref_slice %arg3[%mul3A_6, %dma_start3A_28] : memref<1024x128xi32, #tpu.memory_space<hbm>> -> memref<32x128xi32, #tpu.memory_space<hbm>>
      tpu.enqueue_dma source(%dma_start3A_29 : memref<32x128xi32, #tpu.memory_space<hbm>>) target(%arg5 : memref<32x128xi32, #tpu.memory_space<vmem>>) target_semaphore(%run_scoped3A : memref<!tpu.dma_semaphore, #tpu.memory_space<semaphore_mem>>)
      %dma_wait3A_30 = arith.constant 0 : i32
      %dma_wait3A_31 = tpu.memref_slice %arg3[%mul3A_6, %dma_wait3A_30] : memref<1024x128xi32, #tpu.memory_space<hbm>> -> memref<32x128xi32, #tpu.memory_space<hbm>>
      %dma_wait3A_32 = arith.constant 0 : i32
      %dma_wait3A_33 = tpu.memref_slice %arg3[%mul3A_6, %dma_wait3A_32] : memref<1024x128xi32, #tpu.memory_space<hbm>> -> memref<32x128xi32, #tpu.memory_space<hbm>>
      tpu.wait_dma2 semaphore(%run_scoped3A : memref<!tpu.dma_semaphore, #tpu.memory_space<semaphore_mem>>) src(%dma_wait3A_33 : memref<32x128xi32, #tpu.memory_space<hbm>>) dst(%arg5 : memref<32x128xi32, #tpu.memory_space<vmem>>)
      tpu.yield
    }) : () -> ()
    %dma_start3A = arith.constant 0 : i32
    %dma_start3A_7 = arith.constant 0 : i32
    %dma_start3A_8 = tpu.memref_slice %arg5[%dma_start3A, %dma_start3A_7] : memref<32x128xi32, #tpu.memory_space<vmem>> -> memref<1x128xi32, #tpu.memory_space<vmem>>
    %dma_start3A_9 = tpu.memref_squeeze %dma_start3A_8 : memref<1x128xi32, #tpu.memory_space<vmem>> -> memref<128xi32, #tpu.memory_space<vmem>>
    %dma_start3A_10 = arith.constant 0 : i32
    %dma_start3A_11 = arith.constant 0 : i32
    %dma_start3A_12 = tpu.memref_slice %arg2[%dma_start3A_10, %dma_start3A_11] : memref<16384x128xf32, #tpu.memory_space<hbm>> -> memref<16384x128xf32, #tpu.memory_space<hbm>>
    tpu.enqueue_indirect_dma source(%dma_start3A_12 : memref<16384x128xf32, #tpu.memory_space<hbm>>) target(%arg6 : memref<128x128xf32, #tpu.memory_space<vmem>>) offsets(%dma_start3A_9 : memref<128xi32, #tpu.memory_space<vmem>>) semaphore(%arg8 : memref<!tpu.dma_semaphore, #tpu.memory_space<semaphore_mem>>)
    %scan3A = arith.constant 0 : i32
    %scan3A_13 = arith.constant 0 : i32
    %scan3A_14 = arith.constant 32 : i32
    %scan3A_15 = arith.addi %scan3A_13, %scan3A_14 : i32
    %scan3A_16 = arith.constant 1 : i32
    %scan3A_17 = scf.for %scan3A_26 = %scan3A_13 to %scan3A_15 step %scan3A_16 iter_args(%scan3A_27 = %scan3A) -> (i32)  : i32 {
      %mul3A_28 = arith.constant 128 : i32
      %mul3A_29 = arith.muli %scan3A_26, %mul3A_28 : i32
      %add3A_30 = arith.addi %mul3A_4, %mul3A_29 : i32
      %rem3A = arith.constant 2 : i32
      %rem3A_31 = arith.remsi %scan3A_26, %rem3A : i32
      %eq3A = arith.constant 0 : i32
      %eq3A_32 = arith.cmpi eq, %rem3A_31, %eq3A : i32
      %convert_element_type3A = arith.extui %eq3A_32 : i1 to i32
      %cond3A = arith.constant 0 : i32
      %cond3A_33 = arith.cmpi ne, %convert_element_type3A, %cond3A : i32
      scf.if %cond3A_33 {
        %dma_wait3A_42 = arith.constant 0 : i32
        %dma_wait3A_43 = tpu.memref_slice %arg5[%scan3A_26, %dma_wait3A_42] : memref<32x128xi32, #tpu.memory_space<vmem>> -> memref<1x128xi32, #tpu.memory_space<vmem>>
        %dma_wait3A_44 = tpu.memref_squeeze %dma_wait3A_43 : memref<1x128xi32, #tpu.memory_space<vmem>> -> memref<128xi32, #tpu.memory_space<vmem>>
        %dma_wait3A_45 = arith.constant 0 : i32
        %dma_wait3A_46 = arith.constant 0 : i32
        %dma_wait3A_47 = tpu.memref_slice %arg2[%dma_wait3A_45, %dma_wait3A_46] : memref<16384x128xf32, #tpu.memory_space<hbm>> -> memref<16384x128xf32, #tpu.memory_space<hbm>>
        tpu.wait_indirect_dma semaphore(%arg8 : memref<!tpu.dma_semaphore, #tpu.memory_space<semaphore_mem>>) src(%dma_wait3A_47 : memref<16384x128xf32, #tpu.memory_space<hbm>>) dst(%arg6 : memref<128x128xf32, #tpu.memory_space<vmem>>)
        %add3A_48 = arith.constant 1 : i32
        %add3A_49 = arith.addi %scan3A_26, %add3A_48 : i32
        %lt3A = arith.constant 32 : i32
        %lt3A_50 = arith.cmpi slt, %add3A_49, %lt3A : i32
        %convert_element_type3A_51 = arith.extui %lt3A_50 : i1 to i32
        %cond3A_52 = arith.constant 0 : i32
        %cond3A_53 = arith.cmpi ne, %convert_element_type3A_51, %cond3A_52 : i32
        scf.if %cond3A_53 {
          %gt3A = arith.constant 0 : i32
          %gt3A_58 = arith.cmpi sgt, %scan3A_26, %gt3A : i32
          %convert_element_type3A_59 = arith.extui %gt3A_58 : i1 to i32
          %cond3A_60 = arith.constant 0 : i32
          %cond3A_61 = arith.cmpi ne, %convert_element_type3A_59, %cond3A_60 : i32
          scf.if %cond3A_61 {
            %dma_wait3A_70 = arith.constant 0 : i32
            %dma_wait3A_71 = tpu.memref_slice %arg4[%add3A_30, %dma_wait3A_70] : memref<131072x128xf32, #tpu.memory_space<hbm>> -> memref<128x128xf32, #tpu.memory_space<hbm>>
            %dma_wait3A_72 = arith.constant 0 : i32
            %dma_wait3A_73 = tpu.memref_slice %arg4[%add3A_30, %dma_wait3A_72] : memref<131072x128xf32, #tpu.memory_space<hbm>> -> memref<128x128xf32, #tpu.memory_space<hbm>>
            tpu.wait_dma2 semaphore(%arg11 : memref<!tpu.dma_semaphore, #tpu.memory_space<semaphore_mem>>) src(%arg7 : memref<128x128xf32, #tpu.memory_space<vmem>>) dst(%dma_wait3A_73 : memref<128x128xf32, #tpu.memory_space<hbm>>)
          } else {
          }
          %add3A_62 = arith.constant 1 : i32
          %add3A_63 = arith.addi %scan3A_26, %add3A_62 : i32
          %dma_start3A_64 = arith.constant 0 : i32
          %dma_start3A_65 = tpu.memref_slice %arg5[%add3A_63, %dma_start3A_64] : memref<32x128xi32, #tpu.memory_space<vmem>> -> memref<1x128xi32, #tpu.memory_space<vmem>>
          %dma_start3A_66 = tpu.memref_squeeze %dma_start3A_65 : memref<1x128xi32, #tpu.memory_space<vmem>> -> memref<128xi32, #tpu.memory_space<vmem>>
          %dma_start3A_67 = arith.constant 0 : i32
          %dma_start3A_68 = arith.constant 0 : i32
          %dma_start3A_69 = tpu.memref_slice %arg2[%dma_start3A_67, %dma_start3A_68] : memref<16384x128xf32, #tpu.memory_space<hbm>> -> memref<16384x128xf32, #tpu.memory_space<hbm>>
          tpu.enqueue_indirect_dma source(%dma_start3A_69 : memref<16384x128xf32, #tpu.memory_space<hbm>>) target(%arg7 : memref<128x128xf32, #tpu.memory_space<vmem>>) offsets(%dma_start3A_66 : memref<128xi32, #tpu.memory_space<vmem>>) semaphore(%arg9 : memref<!tpu.dma_semaphore, #tpu.memory_space<semaphore_mem>>)
        } else {
        }
        %dma_start3A_54 = arith.constant 0 : i32
        %dma_start3A_55 = tpu.memref_slice %arg4[%add3A_30, %dma_start3A_54] : memref<131072x128xf32, #tpu.memory_space<hbm>> -> memref<128x128xf32, #tpu.memory_space<hbm>>
        %dma_start3A_56 = arith.constant 0 : i32
        %dma_start3A_57 = tpu.memref_slice %arg4[%add3A_30, %dma_start3A_56] : memref<131072x128xf32, #tpu.memory_space<hbm>> -> memref<128x128xf32, #tpu.memory_space<hbm>>
        tpu.enqueue_dma source(%arg6 : memref<128x128xf32, #tpu.memory_space<vmem>>) target(%dma_start3A_57 : memref<128x128xf32, #tpu.memory_space<hbm>>) target_semaphore(%arg10 : memref<!tpu.dma_semaphore, #tpu.memory_space<semaphore_mem>>)
      } else {
      }
      %rem3A_34 = arith.constant 2 : i32
      %rem3A_35 = arith.remsi %scan3A_26, %rem3A_34 : i32
      %eq3A_36 = arith.constant 1 : i32
      %eq3A_37 = arith.cmpi eq, %rem3A_35, %eq3A_36 : i32
      %convert_element_type3A_38 = arith.extui %eq3A_37 : i1 to i32
      %cond3A_39 = arith.constant 0 : i32
      %cond3A_40 = arith.cmpi ne, %convert_element_type3A_38, %cond3A_39 : i32
      scf.if %cond3A_40 {
        %dma_wait3A_42 = arith.constant 0 : i32
        %dma_wait3A_43 = tpu.memref_slice %arg5[%scan3A_26, %dma_wait3A_42] : memref<32x128xi32, #tpu.memory_space<vmem>> -> memref<1x128xi32, #tpu.memory_space<vmem>>
        %dma_wait3A_44 = tpu.memref_squeeze %dma_wait3A_43 : memref<1x128xi32, #tpu.memory_space<vmem>> -> memref<128xi32, #tpu.memory_space<vmem>>
        %dma_wait3A_45 = arith.constant 0 : i32
        %dma_wait3A_46 = arith.constant 0 : i32
        %dma_wait3A_47 = tpu.memref_slice %arg2[%dma_wait3A_45, %dma_wait3A_46] : memref<16384x128xf32, #tpu.memory_space<hbm>> -> memref<16384x128xf32, #tpu.memory_space<hbm>>
        tpu.wait_indirect_dma semaphore(%arg9 : memref<!tpu.dma_semaphore, #tpu.memory_space<semaphore_mem>>) src(%dma_wait3A_47 : memref<16384x128xf32, #tpu.memory_space<hbm>>) dst(%arg7 : memref<128x128xf32, #tpu.memory_space<vmem>>)
        %add3A_48 = arith.constant 1 : i32
        %add3A_49 = arith.addi %scan3A_26, %add3A_48 : i32
        %lt3A = arith.constant 32 : i32
        %lt3A_50 = arith.cmpi slt, %add3A_49, %lt3A : i32
        %convert_element_type3A_51 = arith.extui %lt3A_50 : i1 to i32
        %cond3A_52 = arith.constant 0 : i32
        %cond3A_53 = arith.cmpi ne, %convert_element_type3A_51, %cond3A_52 : i32
        scf.if %cond3A_53 {
          %gt3A = arith.constant 0 : i32
          %gt3A_58 = arith.cmpi sgt, %scan3A_26, %gt3A : i32
          %convert_element_type3A_59 = arith.extui %gt3A_58 : i1 to i32
          %cond3A_60 = arith.constant 0 : i32
          %cond3A_61 = arith.cmpi ne, %convert_element_type3A_59, %cond3A_60 : i32
          scf.if %cond3A_61 {
            %dma_wait3A_70 = arith.constant 0 : i32
            %dma_wait3A_71 = tpu.memref_slice %arg4[%add3A_30, %dma_wait3A_70] : memref<131072x128xf32, #tpu.memory_space<hbm>> -> memref<128x128xf32, #tpu.memory_space<hbm>>
            %dma_wait3A_72 = arith.constant 0 : i32
            %dma_wait3A_73 = tpu.memref_slice %arg4[%add3A_30, %dma_wait3A_72] : memref<131072x128xf32, #tpu.memory_space<hbm>> -> memref<128x128xf32, #tpu.memory_space<hbm>>
            tpu.wait_dma2 semaphore(%arg10 : memref<!tpu.dma_semaphore, #tpu.memory_space<semaphore_mem>>) src(%arg6 : memref<128x128xf32, #tpu.memory_space<vmem>>) dst(%dma_wait3A_73 : memref<128x128xf32, #tpu.memory_space<hbm>>)
          } else {
          }
          %add3A_62 = arith.constant 1 : i32
          %add3A_63 = arith.addi %scan3A_26, %add3A_62 : i32
          %dma_start3A_64 = arith.constant 0 : i32
          %dma_start3A_65 = tpu.memref_slice %arg5[%add3A_63, %dma_start3A_64] : memref<32x128xi32, #tpu.memory_space<vmem>> -> memref<1x128xi32, #tpu.memory_space<vmem>>
          %dma_start3A_66 = tpu.memref_squeeze %dma_start3A_65 : memref<1x128xi32, #tpu.memory_space<vmem>> -> memref<128xi32, #tpu.memory_space<vmem>>
          %dma_start3A_67 = arith.constant 0 : i32
          %dma_start3A_68 = arith.constant 0 : i32
          %dma_start3A_69 = tpu.memref_slice %arg2[%dma_start3A_67, %dma_start3A_68] : memref<16384x128xf32, #tpu.memory_space<hbm>> -> memref<16384x128xf32, #tpu.memory_space<hbm>>
          tpu.enqueue_indirect_dma source(%dma_start3A_69 : memref<16384x128xf32, #tpu.memory_space<hbm>>) target(%arg6 : memref<128x128xf32, #tpu.memory_space<vmem>>) offsets(%dma_start3A_66 : memref<128xi32, #tpu.memory_space<vmem>>) semaphore(%arg8 : memref<!tpu.dma_semaphore, #tpu.memory_space<semaphore_mem>>)
        } else {
        }
        %dma_start3A_54 = arith.constant 0 : i32
        %dma_start3A_55 = tpu.memref_slice %arg4[%add3A_30, %dma_start3A_54] : memref<131072x128xf32, #tpu.memory_space<hbm>> -> memref<128x128xf32, #tpu.memory_space<hbm>>
        %dma_start3A_56 = arith.constant 0 : i32
        %dma_start3A_57 = tpu.memref_slice %arg4[%add3A_30, %dma_start3A_56] : memref<131072x128xf32, #tpu.memory_space<hbm>> -> memref<128x128xf32, #tpu.memory_space<hbm>>
        tpu.enqueue_dma source(%arg7 : memref<128x128xf32, #tpu.memory_space<vmem>>) target(%dma_start3A_57 : memref<128x128xf32, #tpu.memory_space<hbm>>) target_semaphore(%arg11 : memref<!tpu.dma_semaphore, #tpu.memory_space<semaphore_mem>>)
      } else {
      }
      %scan3A_41 = arith.constant 0 : i32
      scf.yield %scan3A_41 : i32
    }
    %scan3A_18 = arith.constant 32 : i32
    %dma_wait3A = arith.constant 0 : i32
    %dma_wait3A_19 = tpu.memref_slice %arg4[%mul3A_4, %dma_wait3A] : memref<131072x128xf32, #tpu.memory_space<hbm>> -> memref<128x128xf32, #tpu.memory_space<hbm>>
    %dma_wait3A_20 = arith.constant 0 : i32
    %dma_wait3A_21 = tpu.memref_slice %arg4[%mul3A_4, %dma_wait3A_20] : memref<131072x128xf32, #tpu.memory_space<hbm>> -> memref<128x128xf32, #tpu.memory_space<hbm>>
    tpu.wait_dma2 semaphore(%arg10 : memref<!tpu.dma_semaphore, #tpu.memory_space<semaphore_mem>>) src(%arg6 : memref<128x128xf32, #tpu.memory_space<vmem>>) dst(%dma_wait3A_21 : memref<128x128xf32, #tpu.memory_space<hbm>>)
    %dma_wait3A_22 = arith.constant 0 : i32
    %dma_wait3A_23 = tpu.memref_slice %arg4[%mul3A_4, %dma_wait3A_22] : memref<131072x128xf32, #tpu.memory_space<hbm>> -> memref<128x128xf32, #tpu.memory_space<hbm>>
    %dma_wait3A_24 = arith.constant 0 : i32
    %dma_wait3A_25 = tpu.memref_slice %arg4[%mul3A_4, %dma_wait3A_24] : memref<131072x128xf32, #tpu.memory_space<hbm>> -> memref<128x128xf32, #tpu.memory_space<hbm>>
    tpu.wait_dma2 semaphore(%arg11 : memref<!tpu.dma_semaphore, #tpu.memory_space<semaphore_mem>>) src(%arg7 : memref<128x128xf32, #tpu.memory_space<vmem>>) dst(%dma_wait3A_25 : memref<128x128xf32, #tpu.memory_space<hbm>>)
    return
  }
}

#map = affine_map<(d0, d1) -> (0, 0)>
module attributes {stable_mosaic.version = 14 : i64} {
  func.func @sc_fn(%arg0: i32, %arg1: i32, %arg2: memref<16384x256xf32, #tpu.memory_space<hbm>>, %arg3: memref<1024x128xi32, #tpu.memory_space<hbm>>, %arg4: memref<131072x256xf32, #tpu.memory_space<hbm>>, %arg5: memref<32x128xi32, #tpu.memory_space<vmem>>, %arg6: memref<128x256xf32, #tpu.memory_space<vmem>>, %arg7: memref<128x256xf32, #tpu.memory_space<vmem>>, %arg8: memref<!tpu.dma_semaphore, #tpu.memory_space<semaphore_mem>>, %arg9: memref<!tpu.dma_semaphore, #tpu.memory_space<semaphore_mem>>, %arg10: memref<!tpu.dma_semaphore, #tpu.memory_space<semaphore_mem>>, %arg11: memref<!tpu.dma_semaphore, #tpu.memory_space<semaphore_mem>>) attributes {dimension_semantics = [#tpu.dimension_semantics<core_parallel>, #tpu.dimension_semantics<subcore_parallel>], iteration_bounds = array<i64: 2, 16>, scalar_prefetch = 0 : i64, scratch_operands = 7 : i64, tpu.core_type = #tpu.core_type<sc_vector_subcore>, window_params = [{transform_indices = #map}, {transform_indices = #map}, {transform_indices = #map}]} {
    %mul3A = arith.constant 2 : i32
    %mul3A_0 = arith.muli %arg1, %mul3A : i32
    %add3A = arith.addi %mul3A_0, %arg0 : i32
    %mul3A_1 = arith.constant 512 : i32
    %mul3A_2 = arith.muli %add3A, %mul3A_1 : i32
    %mul3A_3 = arith.constant 8 : i32
    %mul3A_4 = arith.muli %mul3A_2, %mul3A_3 : i32
    %mul3A_5 = arith.constant 32 : i32
    %mul3A_6 = arith.muli %add3A, %mul3A_5 : i32
    "tpu.region"() ({
      %run_scoped3A = tpu.sem_alloc : memref<!tpu.dma_semaphore, #tpu.memory_space<semaphore_mem>>
      %dma_start3A_26 = arith.constant 0 : i32
      %dma_start3A_27 = tpu.memref_slice %arg3[%mul3A_6, %dma_start3A_26] : memref<1024x128xi32, #tpu.memory_space<hbm>> -> memref<32x128xi32, #tpu.memory_space<hbm>>
      %dma_start3A_28 = arith.constant 0 : i32
      %dma_start3A_29 = tpu.memref_slice %arg3[%mul3A_6, %dma_start3A_28] : memref<1024x128xi32, #tpu.memory_space<hbm>> -> memref<32x128xi32, #tpu.memory_space<hbm>>
      tpu.enqueue_dma source(%dma_start3A_29 : memref<32x128xi32, #tpu.memory_space<hbm>>) target(%arg5 : memref<32x128xi32, #tpu.memory_space<vmem>>) target_semaphore(%run_scoped3A : memref<!tpu.dma_semaphore, #tpu.memory_space<semaphore_mem>>)
      %dma_wait3A_30 = arith.constant 0 : i32
      %dma_wait3A_31 = tpu.memref_slice %arg3[%mul3A_6, %dma_wait3A_30] : memref<1024x128xi32, #tpu.memory_space<hbm>> -> memref<32x128xi32, #tpu.memory_space<hbm>>
      %dma_wait3A_32 = arith.constant 0 : i32
      %dma_wait3A_33 = tpu.memref_slice %arg3[%mul3A_6, %dma_wait3A_32] : memref<1024x128xi32, #tpu.memory_space<hbm>> -> memref<32x128xi32, #tpu.memory_space<hbm>>
      tpu.wait_dma2 semaphore(%run_scoped3A : memref<!tpu.dma_semaphore, #tpu.memory_space<semaphore_mem>>) src(%dma_wait3A_33 : memref<32x128xi32, #tpu.memory_space<hbm>>) dst(%arg5 : memref<32x128xi32, #tpu.memory_space<vmem>>)
      tpu.yield
    }) : () -> ()
    %dma_start3A = arith.constant 0 : i32
    %dma_start3A_7 = arith.constant 0 : i32
    %dma_start3A_8 = tpu.memref_slice %arg5[%dma_start3A, %dma_start3A_7] : memref<32x128xi32, #tpu.memory_space<vmem>> -> memref<1x128xi32, #tpu.memory_space<vmem>>
    %dma_start3A_9 = tpu.memref_squeeze %dma_start3A_8 : memref<1x128xi32, #tpu.memory_space<vmem>> -> memref<128xi32, #tpu.memory_space<vmem>>
    %dma_start3A_10 = arith.constant 0 : i32
    %dma_start3A_11 = arith.constant 0 : i32
    %dma_start3A_12 = tpu.memref_slice %arg2[%dma_start3A_10, %dma_start3A_11] : memref<16384x256xf32, #tpu.memory_space<hbm>> -> memref<16384x256xf32, #tpu.memory_space<hbm>>
    tpu.enqueue_indirect_dma source(%dma_start3A_12 : memref<16384x256xf32, #tpu.memory_space<hbm>>) target(%arg6 : memref<128x256xf32, #tpu.memory_space<vmem>>) offsets(%dma_start3A_9 : memref<128xi32, #tpu.memory_space<vmem>>) semaphore(%arg8 : memref<!tpu.dma_semaphore, #tpu.memory_space<semaphore_mem>>)
    %scan3A = arith.constant 0 : i32
    %scan3A_13 = arith.constant 0 : i32
    %scan3A_14 = arith.constant 32 : i32
    %scan3A_15 = arith.addi %scan3A_13, %scan3A_14 : i32
    %scan3A_16 = arith.constant 1 : i32
    %scan3A_17 = scf.for %scan3A_26 = %scan3A_13 to %scan3A_15 step %scan3A_16 iter_args(%scan3A_27 = %scan3A) -> (i32)  : i32 {
      %mul3A_28 = arith.constant 128 : i32
      %mul3A_29 = arith.muli %scan3A_26, %mul3A_28 : i32
      %add3A_30 = arith.addi %mul3A_4, %mul3A_29 : i32
      %rem3A = arith.constant 2 : i32
      %rem3A_31 = arith.remsi %scan3A_26, %rem3A : i32
      %eq3A = arith.constant 0 : i32
      %eq3A_32 = arith.cmpi eq, %rem3A_31, %eq3A : i32
      %convert_element_type3A = arith.extui %eq3A_32 : i1 to i32
      %cond3A = arith.constant 0 : i32
      %cond3A_33 = arith.cmpi ne, %convert_element_type3A, %cond3A : i32
      scf.if %cond3A_33 {
        %dma_wait3A_42 = arith.constant 0 : i32
        %dma_wait3A_43 = tpu.memref_slice %arg5[%scan3A_26, %dma_wait3A_42] : memref<32x128xi32, #tpu.memory_space<vmem>> -> memref<1x128xi32, #tpu.memory_space<vmem>>
        %dma_wait3A_44 = tpu.memref_squeeze %dma_wait3A_43 : memref<1x128xi32, #tpu.memory_space<vmem>> -> memref<128xi32, #tpu.memory_space<vmem>>
        %dma_wait3A_45 = arith.constant 0 : i32
        %dma_wait3A_46 = arith.constant 0 : i32
        %dma_wait3A_47 = tpu.memref_slice %arg2[%dma_wait3A_45, %dma_wait3A_46] : memref<16384x256xf32, #tpu.memory_space<hbm>> -> memref<16384x256xf32, #tpu.memory_space<hbm>>
        tpu.wait_indirect_dma semaphore(%arg8 : memref<!tpu.dma_semaphore, #tpu.memory_space<semaphore_mem>>) src(%dma_wait3A_47 : memref<16384x256xf32, #tpu.memory_space<hbm>>) dst(%arg6 : memref<128x256xf32, #tpu.memory_space<vmem>>)
        %add3A_48 = arith.constant 1 : i32
        %add3A_49 = arith.addi %scan3A_26, %add3A_48 : i32
        %lt3A = arith.constant 32 : i32
        %lt3A_50 = arith.cmpi slt, %add3A_49, %lt3A : i32
        %convert_element_type3A_51 = arith.extui %lt3A_50 : i1 to i32
        %cond3A_52 = arith.constant 0 : i32
        %cond3A_53 = arith.cmpi ne, %convert_element_type3A_51, %cond3A_52 : i32
        scf.if %cond3A_53 {
          %gt3A = arith.constant 0 : i32
          %gt3A_58 = arith.cmpi sgt, %scan3A_26, %gt3A : i32
          %convert_element_type3A_59 = arith.extui %gt3A_58 : i1 to i32
          %cond3A_60 = arith.constant 0 : i32
          %cond3A_61 = arith.cmpi ne, %convert_element_type3A_59, %cond3A_60 : i32
          scf.if %cond3A_61 {
            %dma_wait3A_70 = arith.constant 0 : i32
            %dma_wait3A_71 = tpu.memref_slice %arg4[%add3A_30, %dma_wait3A_70] : memref<131072x256xf32, #tpu.memory_space<hbm>> -> memref<128x256xf32, #tpu.memory_space<hbm>>
            %dma_wait3A_72 = arith.constant 0 : i32
            %dma_wait3A_73 = tpu.memref_slice %arg4[%add3A_30, %dma_wait3A_72] : memref<131072x256xf32, #tpu.memory_space<hbm>> -> memref<128x256xf32, #tpu.memory_space<hbm>>
            tpu.wait_dma2 semaphore(%arg11 : memref<!tpu.dma_semaphore, #tpu.memory_space<semaphore_mem>>) src(%arg7 : memref<128x256xf32, #tpu.memory_space<vmem>>) dst(%dma_wait3A_73 : memref<128x256xf32, #tpu.memory_space<hbm>>)
          } else {
          }
          %add3A_62 = arith.constant 1 : i32
          %add3A_63 = arith.addi %scan3A_26, %add3A_62 : i32
          %dma_start3A_64 = arith.constant 0 : i32
          %dma_start3A_65 = tpu.memref_slice %arg5[%add3A_63, %dma_start3A_64] : memref<32x128xi32, #tpu.memory_space<vmem>> -> memref<1x128xi32, #tpu.memory_space<vmem>>
          %dma_start3A_66 = tpu.memref_squeeze %dma_start3A_65 : memref<1x128xi32, #tpu.memory_space<vmem>> -> memref<128xi32, #tpu.memory_space<vmem>>
          %dma_start3A_67 = arith.constant 0 : i32
          %dma_start3A_68 = arith.constant 0 : i32
          %dma_start3A_69 = tpu.memref_slice %arg2[%dma_start3A_67, %dma_start3A_68] : memref<16384x256xf32, #tpu.memory_space<hbm>> -> memref<16384x256xf32, #tpu.memory_space<hbm>>
          tpu.enqueue_indirect_dma source(%dma_start3A_69 : memref<16384x256xf32, #tpu.memory_space<hbm>>) target(%arg7 : memref<128x256xf32, #tpu.memory_space<vmem>>) offsets(%dma_start3A_66 : memref<128xi32, #tpu.memory_space<vmem>>) semaphore(%arg9 : memref<!tpu.dma_semaphore, #tpu.memory_space<semaphore_mem>>)
        } else {
        }
        %dma_start3A_54 = arith.constant 0 : i32
        %dma_start3A_55 = tpu.memref_slice %arg4[%add3A_30, %dma_start3A_54] : memref<131072x256xf32, #tpu.memory_space<hbm>> -> memref<128x256xf32, #tpu.memory_space<hbm>>
        %dma_start3A_56 = arith.constant 0 : i32
        %dma_start3A_57 = tpu.memref_slice %arg4[%add3A_30, %dma_start3A_56] : memref<131072x256xf32, #tpu.memory_space<hbm>> -> memref<128x256xf32, #tpu.memory_space<hbm>>
        tpu.enqueue_dma source(%arg6 : memref<128x256xf32, #tpu.memory_space<vmem>>) target(%dma_start3A_57 : memref<128x256xf32, #tpu.memory_space<hbm>>) target_semaphore(%arg10 : memref<!tpu.dma_semaphore, #tpu.memory_space<semaphore_mem>>)
      } else {
      }
      %rem3A_34 = arith.constant 2 : i32
      %rem3A_35 = arith.remsi %scan3A_26, %rem3A_34 : i32
      %eq3A_36 = arith.constant 1 : i32
      %eq3A_37 = arith.cmpi eq, %rem3A_35, %eq3A_36 : i32
      %convert_element_type3A_38 = arith.extui %eq3A_37 : i1 to i32
      %cond3A_39 = arith.constant 0 : i32
      %cond3A_40 = arith.cmpi ne, %convert_element_type3A_38, %cond3A_39 : i32
      scf.if %cond3A_40 {
        %dma_wait3A_42 = arith.constant 0 : i32
        %dma_wait3A_43 = tpu.memref_slice %arg5[%scan3A_26, %dma_wait3A_42] : memref<32x128xi32, #tpu.memory_space<vmem>> -> memref<1x128xi32, #tpu.memory_space<vmem>>
        %dma_wait3A_44 = tpu.memref_squeeze %dma_wait3A_43 : memref<1x128xi32, #tpu.memory_space<vmem>> -> memref<128xi32, #tpu.memory_space<vmem>>
        %dma_wait3A_45 = arith.constant 0 : i32
        %dma_wait3A_46 = arith.constant 0 : i32
        %dma_wait3A_47 = tpu.memref_slice %arg2[%dma_wait3A_45, %dma_wait3A_46] : memref<16384x256xf32, #tpu.memory_space<hbm>> -> memref<16384x256xf32, #tpu.memory_space<hbm>>
        tpu.wait_indirect_dma semaphore(%arg9 : memref<!tpu.dma_semaphore, #tpu.memory_space<semaphore_mem>>) src(%dma_wait3A_47 : memref<16384x256xf32, #tpu.memory_space<hbm>>) dst(%arg7 : memref<128x256xf32, #tpu.memory_space<vmem>>)
        %add3A_48 = arith.constant 1 : i32
        %add3A_49 = arith.addi %scan3A_26, %add3A_48 : i32
        %lt3A = arith.constant 32 : i32
        %lt3A_50 = arith.cmpi slt, %add3A_49, %lt3A : i32
        %convert_element_type3A_51 = arith.extui %lt3A_50 : i1 to i32
        %cond3A_52 = arith.constant 0 : i32
        %cond3A_53 = arith.cmpi ne, %convert_element_type3A_51, %cond3A_52 : i32
        scf.if %cond3A_53 {
          %gt3A = arith.constant 0 : i32
          %gt3A_58 = arith.cmpi sgt, %scan3A_26, %gt3A : i32
          %convert_element_type3A_59 = arith.extui %gt3A_58 : i1 to i32
          %cond3A_60 = arith.constant 0 : i32
          %cond3A_61 = arith.cmpi ne, %convert_element_type3A_59, %cond3A_60 : i32
          scf.if %cond3A_61 {
            %dma_wait3A_70 = arith.constant 0 : i32
            %dma_wait3A_71 = tpu.memref_slice %arg4[%add3A_30, %dma_wait3A_70] : memref<131072x256xf32, #tpu.memory_space<hbm>> -> memref<128x256xf32, #tpu.memory_space<hbm>>
            %dma_wait3A_72 = arith.constant 0 : i32
            %dma_wait3A_73 = tpu.memref_slice %arg4[%add3A_30, %dma_wait3A_72] : memref<131072x256xf32, #tpu.memory_space<hbm>> -> memref<128x256xf32, #tpu.memory_space<hbm>>
            tpu.wait_dma2 semaphore(%arg10 : memref<!tpu.dma_semaphore, #tpu.memory_space<semaphore_mem>>) src(%arg6 : memref<128x256xf32, #tpu.memory_space<vmem>>) dst(%dma_wait3A_73 : memref<128x256xf32, #tpu.memory_space<hbm>>)
          } else {
          }
          %add3A_62 = arith.constant 1 : i32
          %add3A_63 = arith.addi %scan3A_26, %add3A_62 : i32
          %dma_start3A_64 = arith.constant 0 : i32
          %dma_start3A_65 = tpu.memref_slice %arg5[%add3A_63, %dma_start3A_64] : memref<32x128xi32, #tpu.memory_space<vmem>> -> memref<1x128xi32, #tpu.memory_space<vmem>>
          %dma_start3A_66 = tpu.memref_squeeze %dma_start3A_65 : memref<1x128xi32, #tpu.memory_space<vmem>> -> memref<128xi32, #tpu.memory_space<vmem>>
          %dma_start3A_67 = arith.constant 0 : i32
          %dma_start3A_68 = arith.constant 0 : i32
          %dma_start3A_69 = tpu.memref_slice %arg2[%dma_start3A_67, %dma_start3A_68] : memref<16384x256xf32, #tpu.memory_space<hbm>> -> memref<16384x256xf32, #tpu.memory_space<hbm>>
          tpu.enqueue_indirect_dma source(%dma_start3A_69 : memref<16384x256xf32, #tpu.memory_space<hbm>>) target(%arg6 : memref<128x256xf32, #tpu.memory_space<vmem>>) offsets(%dma_start3A_66 : memref<128xi32, #tpu.memory_space<vmem>>) semaphore(%arg8 : memref<!tpu.dma_semaphore, #tpu.memory_space<semaphore_mem>>)
        } else {
        }
        %dma_start3A_54 = arith.constant 0 : i32
        %dma_start3A_55 = tpu.memref_slice %arg4[%add3A_30, %dma_start3A_54] : memref<131072x256xf32, #tpu.memory_space<hbm>> -> memref<128x256xf32, #tpu.memory_space<hbm>>
        %dma_start3A_56 = arith.constant 0 : i32
        %dma_start3A_57 = tpu.memref_slice %arg4[%add3A_30, %dma_start3A_56] : memref<131072x256xf32, #tpu.memory_space<hbm>> -> memref<128x256xf32, #tpu.memory_space<hbm>>
        tpu.enqueue_dma source(%arg7 : memref<128x256xf32, #tpu.memory_space<vmem>>) target(%dma_start3A_57 : memref<128x256xf32, #tpu.memory_space<hbm>>) target_semaphore(%arg11 : memref<!tpu.dma_semaphore, #tpu.memory_space<semaphore_mem>>)
      } else {
      }
      %scan3A_41 = arith.constant 0 : i32
      scf.yield %scan3A_41 : i32
    }
    %scan3A_18 = arith.constant 32 : i32
    %dma_wait3A = arith.constant 0 : i32
    %dma_wait3A_19 = tpu.memref_slice %arg4[%mul3A_4, %dma_wait3A] : memref<131072x256xf32, #tpu.memory_space<hbm>> -> memref<128x256xf32, #tpu.memory_space<hbm>>
    %dma_wait3A_20 = arith.constant 0 : i32
    %dma_wait3A_21 = tpu.memref_slice %arg4[%mul3A_4, %dma_wait3A_20] : memref<131072x256xf32, #tpu.memory_space<hbm>> -> memref<128x256xf32, #tpu.memory_space<hbm>>
    tpu.wait_dma2 semaphore(%arg10 : memref<!tpu.dma_semaphore, #tpu.memory_space<semaphore_mem>>) src(%arg6 : memref<128x256xf32, #tpu.memory_space<vmem>>) dst(%dma_wait3A_21 : memref<128x256xf32, #tpu.memory_space<hbm>>)
    %dma_wait3A_22 = arith.constant 0 : i32
    %dma_wait3A_23 = tpu.memref_slice %arg4[%mul3A_4, %dma_wait3A_22] : memref<131072x256xf32, #tpu.memory_space<hbm>> -> memref<128x256xf32, #tpu.memory_space<hbm>>
    %dma_wait3A_24 = arith.constant 0 : i32
    %dma_wait3A_25 = tpu.memref_slice %arg4[%mul3A_4, %dma_wait3A_24] : memref<131072x256xf32, #tpu.memory_space<hbm>> -> memref<128x256xf32, #tpu.memory_space<hbm>>
    tpu.wait_dma2 semaphore(%arg11 : memref<!tpu.dma_semaphore, #tpu.memory_space<semaphore_mem>>) src(%arg7 : memref<128x256xf32, #tpu.memory_space<vmem>>) dst(%dma_wait3A_25 : memref<128x256xf32, #tpu.memory_space<hbm>>)
    return
  }
}

#map = affine_map<(d0, d1) -> (0, 0)>
module attributes {stable_mosaic.version = 14 : i64} {
  func.func @sc_fn(%arg0: i32, %arg1: i32, %arg2: memref<16384x128xf32, #tpu.memory_space<hbm>>, %arg3: memref<1024x128xi32, #tpu.memory_space<hbm>>, %arg4: memref<131072x128xf32, #tpu.memory_space<hbm>>, %arg5: memref<32x128xi32, #tpu.memory_space<vmem>>, %arg6: memref<128x128xf32, #tpu.memory_space<vmem>>, %arg7: memref<128x128xf32, #tpu.memory_space<vmem>>, %arg8: memref<!tpu.dma_semaphore, #tpu.memory_space<semaphore_mem>>, %arg9: memref<!tpu.dma_semaphore, #tpu.memory_space<semaphore_mem>>, %arg10: memref<!tpu.dma_semaphore, #tpu.memory_space<semaphore_mem>>, %arg11: memref<!tpu.dma_semaphore, #tpu.memory_space<semaphore_mem>>) attributes {dimension_semantics = [#tpu.dimension_semantics<core_parallel>, #tpu.dimension_semantics<subcore_parallel>], iteration_bounds = array<i64: 2, 16>, scalar_prefetch = 0 : i64, scratch_operands = 7 : i64, tpu.core_type = #tpu.core_type<sc_vector_subcore>, window_params = [{transform_indices = #map}, {transform_indices = #map}, {transform_indices = #map}]} {
    %mul3A = arith.constant 2 : i32
    %mul3A_0 = arith.muli %arg1, %mul3A : i32
    %add3A = arith.addi %mul3A_0, %arg0 : i32
    %mul3A_1 = arith.constant 512 : i32
    %mul3A_2 = arith.muli %add3A, %mul3A_1 : i32
    %mul3A_3 = arith.constant 8 : i32
    %mul3A_4 = arith.muli %mul3A_2, %mul3A_3 : i32
    %mul3A_5 = arith.constant 32 : i32
    %mul3A_6 = arith.muli %add3A, %mul3A_5 : i32
    "tpu.region"() ({
      %run_scoped3A = tpu.sem_alloc : memref<!tpu.dma_semaphore, #tpu.memory_space<semaphore_mem>>
      %dma_start3A_26 = arith.constant 0 : i32
      %dma_start3A_27 = tpu.memref_slice %arg3[%mul3A_6, %dma_start3A_26] : memref<1024x128xi32, #tpu.memory_space<hbm>> -> memref<32x128xi32, #tpu.memory_space<hbm>>
      %dma_start3A_28 = arith.constant 0 : i32
      %dma_start3A_29 = tpu.memref_slice %arg3[%mul3A_6, %dma_start3A_28] : memref<1024x128xi32, #tpu.memory_space<hbm>> -> memref<32x128xi32, #tpu.memory_space<hbm>>
      tpu.enqueue_dma source(%dma_start3A_29 : memref<32x128xi32, #tpu.memory_space<hbm>>) target(%arg5 : memref<32x128xi32, #tpu.memory_space<vmem>>) target_semaphore(%run_scoped3A : memref<!tpu.dma_semaphore, #tpu.memory_space<semaphore_mem>>)
      %dma_wait3A_30 = arith.constant 0 : i32
      %dma_wait3A_31 = tpu.memref_slice %arg3[%mul3A_6, %dma_wait3A_30] : memref<1024x128xi32, #tpu.memory_space<hbm>> -> memref<32x128xi32, #tpu.memory_space<hbm>>
      %dma_wait3A_32 = arith.constant 0 : i32
      %dma_wait3A_33 = tpu.memref_slice %arg3[%mul3A_6, %dma_wait3A_32] : memref<1024x128xi32, #tpu.memory_space<hbm>> -> memref<32x128xi32, #tpu.memory_space<hbm>>
      tpu.wait_dma2 semaphore(%run_scoped3A : memref<!tpu.dma_semaphore, #tpu.memory_space<semaphore_mem>>) src(%dma_wait3A_33 : memref<32x128xi32, #tpu.memory_space<hbm>>) dst(%arg5 : memref<32x128xi32, #tpu.memory_space<vmem>>)
      tpu.yield
    }) : () -> ()
    %dma_start3A = arith.constant 0 : i32
    %dma_start3A_7 = arith.constant 0 : i32
    %dma_start3A_8 = tpu.memref_slice %arg5[%dma_start3A, %dma_start3A_7] : memref<32x128xi32, #tpu.memory_space<vmem>> -> memref<1x128xi32, #tpu.memory_space<vmem>>
    %dma_start3A_9 = tpu.memref_squeeze %dma_start3A_8 : memref<1x128xi32, #tpu.memory_space<vmem>> -> memref<128xi32, #tpu.memory_space<vmem>>
    %dma_start3A_10 = arith.constant 0 : i32
    %dma_start3A_11 = arith.constant 0 : i32
    %dma_start3A_12 = tpu.memref_slice %arg2[%dma_start3A_10, %dma_start3A_11] : memref<16384x128xf32, #tpu.memory_space<hbm>> -> memref<16384x128xf32, #tpu.memory_space<hbm>>
    tpu.enqueue_indirect_dma source(%dma_start3A_12 : memref<16384x128xf32, #tpu.memory_space<hbm>>) target(%arg6 : memref<128x128xf32, #tpu.memory_space<vmem>>) offsets(%dma_start3A_9 : memref<128xi32, #tpu.memory_space<vmem>>) semaphore(%arg8 : memref<!tpu.dma_semaphore, #tpu.memory_space<semaphore_mem>>)
    %scan3A = arith.constant 0 : i32
    %scan3A_13 = arith.constant 0 : i32
    %scan3A_14 = arith.constant 32 : i32
    %scan3A_15 = arith.addi %scan3A_13, %scan3A_14 : i32
    %scan3A_16 = arith.constant 1 : i32
    %scan3A_17 = scf.for %scan3A_26 = %scan3A_13 to %scan3A_15 step %scan3A_16 iter_args(%scan3A_27 = %scan3A) -> (i32)  : i32 {
      %mul3A_28 = arith.constant 128 : i32
      %mul3A_29 = arith.muli %scan3A_26, %mul3A_28 : i32
      %add3A_30 = arith.addi %mul3A_4, %mul3A_29 : i32
      %rem3A = arith.constant 2 : i32
      %rem3A_31 = arith.remsi %scan3A_26, %rem3A : i32
      %eq3A = arith.constant 0 : i32
      %eq3A_32 = arith.cmpi eq, %rem3A_31, %eq3A : i32
      %convert_element_type3A = arith.extui %eq3A_32 : i1 to i32
      %cond3A = arith.constant 0 : i32
      %cond3A_33 = arith.cmpi ne, %convert_element_type3A, %cond3A : i32
      scf.if %cond3A_33 {
        %dma_wait3A_42 = arith.constant 0 : i32
        %dma_wait3A_43 = tpu.memref_slice %arg5[%scan3A_26, %dma_wait3A_42] : memref<32x128xi32, #tpu.memory_space<vmem>> -> memref<1x128xi32, #tpu.memory_space<vmem>>
        %dma_wait3A_44 = tpu.memref_squeeze %dma_wait3A_43 : memref<1x128xi32, #tpu.memory_space<vmem>> -> memref<128xi32, #tpu.memory_space<vmem>>
        %dma_wait3A_45 = arith.constant 0 : i32
        %dma_wait3A_46 = arith.constant 0 : i32
        %dma_wait3A_47 = tpu.memref_slice %arg2[%dma_wait3A_45, %dma_wait3A_46] : memref<16384x128xf32, #tpu.memory_space<hbm>> -> memref<16384x128xf32, #tpu.memory_space<hbm>>
        tpu.wait_indirect_dma semaphore(%arg8 : memref<!tpu.dma_semaphore, #tpu.memory_space<semaphore_mem>>) src(%dma_wait3A_47 : memref<16384x128xf32, #tpu.memory_space<hbm>>) dst(%arg6 : memref<128x128xf32, #tpu.memory_space<vmem>>)
        %add3A_48 = arith.constant 1 : i32
        %add3A_49 = arith.addi %scan3A_26, %add3A_48 : i32
        %lt3A = arith.constant 32 : i32
        %lt3A_50 = arith.cmpi slt, %add3A_49, %lt3A : i32
        %convert_element_type3A_51 = arith.extui %lt3A_50 : i1 to i32
        %cond3A_52 = arith.constant 0 : i32
        %cond3A_53 = arith.cmpi ne, %convert_element_type3A_51, %cond3A_52 : i32
        scf.if %cond3A_53 {
          %gt3A = arith.constant 0 : i32
          %gt3A_58 = arith.cmpi sgt, %scan3A_26, %gt3A : i32
          %convert_element_type3A_59 = arith.extui %gt3A_58 : i1 to i32
          %cond3A_60 = arith.constant 0 : i32
          %cond3A_61 = arith.cmpi ne, %convert_element_type3A_59, %cond3A_60 : i32
          scf.if %cond3A_61 {
            %dma_wait3A_70 = arith.constant 0 : i32
            %dma_wait3A_71 = tpu.memref_slice %arg4[%add3A_30, %dma_wait3A_70] : memref<131072x128xf32, #tpu.memory_space<hbm>> -> memref<128x128xf32, #tpu.memory_space<hbm>>
            %dma_wait3A_72 = arith.constant 0 : i32
            %dma_wait3A_73 = tpu.memref_slice %arg4[%add3A_30, %dma_wait3A_72] : memref<131072x128xf32, #tpu.memory_space<hbm>> -> memref<128x128xf32, #tpu.memory_space<hbm>>
            tpu.wait_dma2 semaphore(%arg11 : memref<!tpu.dma_semaphore, #tpu.memory_space<semaphore_mem>>) src(%arg7 : memref<128x128xf32, #tpu.memory_space<vmem>>) dst(%dma_wait3A_73 : memref<128x128xf32, #tpu.memory_space<hbm>>)
          } else {
          }
          %add3A_62 = arith.constant 1 : i32
          %add3A_63 = arith.addi %scan3A_26, %add3A_62 : i32
          %dma_start3A_64 = arith.constant 0 : i32
          %dma_start3A_65 = tpu.memref_slice %arg5[%add3A_63, %dma_start3A_64] : memref<32x128xi32, #tpu.memory_space<vmem>> -> memref<1x128xi32, #tpu.memory_space<vmem>>
          %dma_start3A_66 = tpu.memref_squeeze %dma_start3A_65 : memref<1x128xi32, #tpu.memory_space<vmem>> -> memref<128xi32, #tpu.memory_space<vmem>>
          %dma_start3A_67 = arith.constant 0 : i32
          %dma_start3A_68 = arith.constant 0 : i32
          %dma_start3A_69 = tpu.memref_slice %arg2[%dma_start3A_67, %dma_start3A_68] : memref<16384x128xf32, #tpu.memory_space<hbm>> -> memref<16384x128xf32, #tpu.memory_space<hbm>>
          tpu.enqueue_indirect_dma source(%dma_start3A_69 : memref<16384x128xf32, #tpu.memory_space<hbm>>) target(%arg7 : memref<128x128xf32, #tpu.memory_space<vmem>>) offsets(%dma_start3A_66 : memref<128xi32, #tpu.memory_space<vmem>>) semaphore(%arg9 : memref<!tpu.dma_semaphore, #tpu.memory_space<semaphore_mem>>)
        } else {
        }
        %dma_start3A_54 = arith.constant 0 : i32
        %dma_start3A_55 = tpu.memref_slice %arg4[%add3A_30, %dma_start3A_54] : memref<131072x128xf32, #tpu.memory_space<hbm>> -> memref<128x128xf32, #tpu.memory_space<hbm>>
        %dma_start3A_56 = arith.constant 0 : i32
        %dma_start3A_57 = tpu.memref_slice %arg4[%add3A_30, %dma_start3A_56] : memref<131072x128xf32, #tpu.memory_space<hbm>> -> memref<128x128xf32, #tpu.memory_space<hbm>>
        tpu.enqueue_dma source(%arg6 : memref<128x128xf32, #tpu.memory_space<vmem>>) target(%dma_start3A_57 : memref<128x128xf32, #tpu.memory_space<hbm>>) target_semaphore(%arg10 : memref<!tpu.dma_semaphore, #tpu.memory_space<semaphore_mem>>)
      } else {
      }
      %rem3A_34 = arith.constant 2 : i32
      %rem3A_35 = arith.remsi %scan3A_26, %rem3A_34 : i32
      %eq3A_36 = arith.constant 1 : i32
      %eq3A_37 = arith.cmpi eq, %rem3A_35, %eq3A_36 : i32
      %convert_element_type3A_38 = arith.extui %eq3A_37 : i1 to i32
      %cond3A_39 = arith.constant 0 : i32
      %cond3A_40 = arith.cmpi ne, %convert_element_type3A_38, %cond3A_39 : i32
      scf.if %cond3A_40 {
        %dma_wait3A_42 = arith.constant 0 : i32
        %dma_wait3A_43 = tpu.memref_slice %arg5[%scan3A_26, %dma_wait3A_42] : memref<32x128xi32, #tpu.memory_space<vmem>> -> memref<1x128xi32, #tpu.memory_space<vmem>>
        %dma_wait3A_44 = tpu.memref_squeeze %dma_wait3A_43 : memref<1x128xi32, #tpu.memory_space<vmem>> -> memref<128xi32, #tpu.memory_space<vmem>>
        %dma_wait3A_45 = arith.constant 0 : i32
        %dma_wait3A_46 = arith.constant 0 : i32
        %dma_wait3A_47 = tpu.memref_slice %arg2[%dma_wait3A_45, %dma_wait3A_46] : memref<16384x128xf32, #tpu.memory_space<hbm>> -> memref<16384x128xf32, #tpu.memory_space<hbm>>
        tpu.wait_indirect_dma semaphore(%arg9 : memref<!tpu.dma_semaphore, #tpu.memory_space<semaphore_mem>>) src(%dma_wait3A_47 : memref<16384x128xf32, #tpu.memory_space<hbm>>) dst(%arg7 : memref<128x128xf32, #tpu.memory_space<vmem>>)
        %add3A_48 = arith.constant 1 : i32
        %add3A_49 = arith.addi %scan3A_26, %add3A_48 : i32
        %lt3A = arith.constant 32 : i32
        %lt3A_50 = arith.cmpi slt, %add3A_49, %lt3A : i32
        %convert_element_type3A_51 = arith.extui %lt3A_50 : i1 to i32
        %cond3A_52 = arith.constant 0 : i32
        %cond3A_53 = arith.cmpi ne, %convert_element_type3A_51, %cond3A_52 : i32
        scf.if %cond3A_53 {
          %gt3A = arith.constant 0 : i32
          %gt3A_58 = arith.cmpi sgt, %scan3A_26, %gt3A : i32
          %convert_element_type3A_59 = arith.extui %gt3A_58 : i1 to i32
          %cond3A_60 = arith.constant 0 : i32
          %cond3A_61 = arith.cmpi ne, %convert_element_type3A_59, %cond3A_60 : i32
          scf.if %cond3A_61 {
            %dma_wait3A_70 = arith.constant 0 : i32
            %dma_wait3A_71 = tpu.memref_slice %arg4[%add3A_30, %dma_wait3A_70] : memref<131072x128xf32, #tpu.memory_space<hbm>> -> memref<128x128xf32, #tpu.memory_space<hbm>>
            %dma_wait3A_72 = arith.constant 0 : i32
            %dma_wait3A_73 = tpu.memref_slice %arg4[%add3A_30, %dma_wait3A_72] : memref<131072x128xf32, #tpu.memory_space<hbm>> -> memref<128x128xf32, #tpu.memory_space<hbm>>
            tpu.wait_dma2 semaphore(%arg10 : memref<!tpu.dma_semaphore, #tpu.memory_space<semaphore_mem>>) src(%arg6 : memref<128x128xf32, #tpu.memory_space<vmem>>) dst(%dma_wait3A_73 : memref<128x128xf32, #tpu.memory_space<hbm>>)
          } else {
          }
          %add3A_62 = arith.constant 1 : i32
          %add3A_63 = arith.addi %scan3A_26, %add3A_62 : i32
          %dma_start3A_64 = arith.constant 0 : i32
          %dma_start3A_65 = tpu.memref_slice %arg5[%add3A_63, %dma_start3A_64] : memref<32x128xi32, #tpu.memory_space<vmem>> -> memref<1x128xi32, #tpu.memory_space<vmem>>
          %dma_start3A_66 = tpu.memref_squeeze %dma_start3A_65 : memref<1x128xi32, #tpu.memory_space<vmem>> -> memref<128xi32, #tpu.memory_space<vmem>>
          %dma_start3A_67 = arith.constant 0 : i32
          %dma_start3A_68 = arith.constant 0 : i32
          %dma_start3A_69 = tpu.memref_slice %arg2[%dma_start3A_67, %dma_start3A_68] : memref<16384x128xf32, #tpu.memory_space<hbm>> -> memref<16384x128xf32, #tpu.memory_space<hbm>>
          tpu.enqueue_indirect_dma source(%dma_start3A_69 : memref<16384x128xf32, #tpu.memory_space<hbm>>) target(%arg6 : memref<128x128xf32, #tpu.memory_space<vmem>>) offsets(%dma_start3A_66 : memref<128xi32, #tpu.memory_space<vmem>>) semaphore(%arg8 : memref<!tpu.dma_semaphore, #tpu.memory_space<semaphore_mem>>)
        } else {
        }
        %dma_start3A_54 = arith.constant 0 : i32
        %dma_start3A_55 = tpu.memref_slice %arg4[%add3A_30, %dma_start3A_54] : memref<131072x128xf32, #tpu.memory_space<hbm>> -> memref<128x128xf32, #tpu.memory_space<hbm>>
        %dma_start3A_56 = arith.constant 0 : i32
        %dma_start3A_57 = tpu.memref_slice %arg4[%add3A_30, %dma_start3A_56] : memref<131072x128xf32, #tpu.memory_space<hbm>> -> memref<128x128xf32, #tpu.memory_space<hbm>>
        tpu.enqueue_dma source(%arg7 : memref<128x128xf32, #tpu.memory_space<vmem>>) target(%dma_start3A_57 : memref<128x128xf32, #tpu.memory_space<hbm>>) target_semaphore(%arg11 : memref<!tpu.dma_semaphore, #tpu.memory_space<semaphore_mem>>)
      } else {
      }
      %scan3A_41 = arith.constant 0 : i32
      scf.yield %scan3A_41 : i32
    }
    %scan3A_18 = arith.constant 32 : i32
    %dma_wait3A = arith.constant 0 : i32
    %dma_wait3A_19 = tpu.memref_slice %arg4[%mul3A_4, %dma_wait3A] : memref<131072x128xf32, #tpu.memory_space<hbm>> -> memref<128x128xf32, #tpu.memory_space<hbm>>
    %dma_wait3A_20 = arith.constant 0 : i32
    %dma_wait3A_21 = tpu.memref_slice %arg4[%mul3A_4, %dma_wait3A_20] : memref<131072x128xf32, #tpu.memory_space<hbm>> -> memref<128x128xf32, #tpu.memory_space<hbm>>
    tpu.wait_dma2 semaphore(%arg10 : memref<!tpu.dma_semaphore, #tpu.memory_space<semaphore_mem>>) src(%arg6 : memref<128x128xf32, #tpu.memory_space<vmem>>) dst(%dma_wait3A_21 : memref<128x128xf32, #tpu.memory_space<hbm>>)
    %dma_wait3A_22 = arith.constant 0 : i32
    %dma_wait3A_23 = tpu.memref_slice %arg4[%mul3A_4, %dma_wait3A_22] : memref<131072x128xf32, #tpu.memory_space<hbm>> -> memref<128x128xf32, #tpu.memory_space<hbm>>
    %dma_wait3A_24 = arith.constant 0 : i32
    %dma_wait3A_25 = tpu.memref_slice %arg4[%mul3A_4, %dma_wait3A_24] : memref<131072x128xf32, #tpu.memory_space<hbm>> -> memref<128x128xf32, #tpu.memory_space<hbm>>
    tpu.wait_dma2 semaphore(%arg11 : memref<!tpu.dma_semaphore, #tpu.memory_space<semaphore_mem>>) src(%arg7 : memref<128x128xf32, #tpu.memory_space<vmem>>) dst(%dma_wait3A_25 : memref<128x128xf32, #tpu.memory_space<hbm>>)
    return
  }
}

module attributes {stable_mosaic.version = 14 : i64} {
  func.func @body(%arg0: i32, %arg1: i32, %arg2: memref<256x128xf32, #tpu.memory_space<vmem>>, %arg3: memref<2048x128xf32, #tpu.memory_space<vmem>>, %arg4: memref<256x8xi32, #tpu.memory_space<vmem>>) attributes {dimension_semantics = [#tpu.dimension_semantics<arbitrary>, #tpu.dimension_semantics<arbitrary>], iteration_bounds = array<i64: 8, 8>, scalar_prefetch = 0 : i64, scratch_operands = 0 : i64, tpu.core_type = #tpu.core_type<tc>, window_params = [{transform_indices = @transform_0, window_bounds = array<i64: 256, 128>}, {transform_indices = @transform_1, window_bounds = array<i64: 2048, 128>}, {transform_indices = @transform_2, window_bounds = array<i64: 256, 8>}]} {
    %get3A = arith.constant 0 : index
    %get3A_0 = arith.constant 0 : index
    %get3A_1 = vector.load %arg2[%get3A, %get3A_0] : memref<256x128xf32, #tpu.memory_space<vmem>>, vector<256x128xf32>
    %get3A_2 = arith.constant 0 : index
    %get3A_3 = arith.constant 0 : index
    %get3A_4 = vector.load %arg3[%get3A_2, %get3A_3] : memref<2048x128xf32, #tpu.memory_space<vmem>>, vector<2048x128xf32>
    %convert_element_type3A = arith.truncf %get3A_1 : vector<256x128xf32> to vector<256x128xbf16>
    %convert_element_type3A_5 = arith.truncf %get3A_4 : vector<2048x128xf32> to vector<2048x128xbf16>
    %dot_general3A = arith.constant dense<0.000000e+00> : vector<256x2048xf32>
    %dot_general3A_6 = tpu.matmul %convert_element_type3A, %convert_element_type3A_5, %dot_general3A {dimension_numbers = #tpu.dot_dimension_numbers<[1], [1], [0], [0], [0, 0, 1, 0], [], []>, transpose_lhs_hint = false} : vector<256x128xbf16>, vector<2048x128xbf16>, vector<256x2048xf32> -> vector<256x2048xf32>
    %mul3A = arith.mulf %get3A_1, %get3A_1 : vector<256x128xf32>
    %reduce_sum3A = arith.constant dense<0.000000e+00> : vector<256xf32>
    %reduce_sum3A_7 = vector.multi_reduction <add>, %mul3A, %reduce_sum3A [1] : vector<256x128xf32> to vector<256xf32>
    %broadcast_in_dim3A = vector.shape_cast %reduce_sum3A_7 : vector<256xf32> to vector<256x1xf32>
    %broadcast_in_dim3A_8 = arith.constant 1.000000e+00 : f32
    %broadcast_in_dim3A_9 = vector.broadcast %broadcast_in_dim3A_8 : f32 to vector<1x128xf32>
    %mul3A_10 = arith.mulf %get3A_4, %get3A_4 : vector<2048x128xf32>
    %dot_general3A_11 = arith.constant dense<0.000000e+00> : vector<1x2048xf32>
    %dot_general3A_12 = tpu.matmul %broadcast_in_dim3A_9, %mul3A_10, %dot_general3A_11 {dimension_numbers = #tpu.dot_dimension_numbers<[1], [1], [0], [0], [0, 0, 1, 0], [], []>, precision = #tpu.contract_precision<fp32>, transpose_lhs_hint = false} : vector<1x128xf32>, vector<2048x128xf32>, vector<1x2048xf32> -> vector<1x2048xf32>
    %mul3A_13 = arith.constant 2.000000e+00 : f32
    %mul3A_14 = vector.broadcast %mul3A_13 : f32 to vector<256x2048xf32>
    %mul3A_15 = arith.mulf %mul3A_14, %dot_general3A_6 : vector<256x2048xf32>
    %sub3A = vector.broadcast %broadcast_in_dim3A : vector<256x1xf32> to vector<256x2048xf32>
    %sub3A_16 = arith.subf %mul3A_15, %sub3A : vector<256x2048xf32>
    %sub3A_17 = vector.broadcast %dot_general3A_12 : vector<1x2048xf32> to vector<256x2048xf32>
    %sub3A_18 = arith.subf %sub3A_16, %sub3A_17 : vector<256x2048xf32>
    %iota3A = tpu.iota {dimensions = array<i32: 1>} : vector<256x2048xi32>
    %convert_element_type3A_19 = arith.sitofp %iota3A : vector<256x2048xi32> to vector<256x2048xf32>
    %mul3A_20 = arith.constant 2048 : i32
    %mul3A_21 = arith.muli %arg0, %mul3A_20 : i32
    %reduce_max3A = arith.constant dense<0xFF800000> : vector<256xf32>
    %reduce_max3A_22 = vector.multi_reduction <maximumf>, %sub3A_18, %reduce_max3A [1] : vector<256x2048xf32> to vector<256xf32>
    %broadcast_in_dim3A_23 = vector.shape_cast %reduce_max3A_22 : vector<256xf32> to vector<256x1xf32>
    %eq3A = vector.broadcast %broadcast_in_dim3A_23 : vector<256x1xf32> to vector<256x2048xf32>
    %eq3A_24 = arith.cmpf oeq, %sub3A_18, %eq3A : vector<256x2048xf32>
    %jit3A = arith.constant 2.048000e+03 : f32
    %broadcast_in_dim3A_25 = vector.broadcast %jit3A : f32 to vector<256x2048xf32>
    %select_n3A = arith.select %eq3A_24, %convert_element_type3A_19, %broadcast_in_dim3A_25 : vector<256x2048xi1>, vector<256x2048xf32>
    %reduce_min3A = arith.constant dense<0x7F800000> : vector<256xf32>
    %reduce_min3A_26 = vector.multi_reduction <minimumf>, %select_n3A, %reduce_min3A [1] : vector<256x2048xf32> to vector<256xf32>
    %broadcast_in_dim3A_27 = vector.shape_cast %reduce_min3A_26 : vector<256xf32> to vector<256x1xf32>
    %convert_element_type3A_28 = arith.fptosi %broadcast_in_dim3A_27 : vector<256x1xf32> to vector<256x1xi32>
    %add3A = vector.broadcast %mul3A_21 : i32 to vector<256x1xi32>
    %add3A_29 = arith.addi %convert_element_type3A_28, %add3A : vector<256x1xi32>
    %swap3A = arith.constant 0 : index
    %swap3A_30 = arith.constant 0 : index
    %swap3A_31 = vector.load %arg4[%swap3A, %swap3A_30] : memref<256x8xi32, #tpu.memory_space<vmem>>, vector<256x1xi32>
    tpu.vector_store %arg4[%swap3A, %swap3A_30], %add3A_29 {strides = array<i32>} : memref<256x8xi32, #tpu.memory_space<vmem>>, vector<256x1xi32>,
    %eq3A_32 = vector.broadcast %broadcast_in_dim3A_27 : vector<256x1xf32> to vector<256x2048xf32>
    %eq3A_33 = arith.cmpf oeq, %select_n3A, %eq3A_32 : vector<256x2048xf32>
    %jit3A_34 = arith.constant 0xFF800000 : f32
    %broadcast_in_dim3A_35 = vector.broadcast %jit3A_34 : f32 to vector<256x2048xf32>
    %select_n3A_36 = arith.select %eq3A_33, %broadcast_in_dim3A_35, %sub3A_18 : vector<256x2048xi1>, vector<256x2048xf32>
    %reduce_max3A_37 = arith.constant dense<0xFF800000> : vector<256xf32>
    %reduce_max3A_38 = vector.multi_reduction <maximumf>, %select_n3A_36, %reduce_max3A_37 [1] : vector<256x2048xf32> to vector<256xf32>
    %broadcast_in_dim3A_39 = vector.shape_cast %reduce_max3A_38 : vector<256xf32> to vector<256x1xf32>
    %eq3A_40 = vector.broadcast %broadcast_in_dim3A_39 : vector<256x1xf32> to vector<256x2048xf32>
    %eq3A_41 = arith.cmpf oeq, %select_n3A_36, %eq3A_40 : vector<256x2048xf32>
    %jit3A_42 = arith.constant 2.048000e+03 : f32
    %broadcast_in_dim3A_43 = vector.broadcast %jit3A_42 : f32 to vector<256x2048xf32>
    %select_n3A_44 = arith.select %eq3A_41, %convert_element_type3A_19, %broadcast_in_dim3A_43 : vector<256x2048xi1>, vector<256x2048xf32>
    %reduce_min3A_45 = arith.constant dense<0x7F800000> : vector<256xf32>
    %reduce_min3A_46 = vector.multi_reduction <minimumf>, %select_n3A_44, %reduce_min3A_45 [1] : vector<256x2048xf32> to vector<256xf32>
    %broadcast_in_dim3A_47 = vector.shape_cast %reduce_min3A_46 : vector<256xf32> to vector<256x1xf32>
    %convert_element_type3A_48 = arith.fptosi %broadcast_in_dim3A_47 : vector<256x1xf32> to vector<256x1xi32>
    %add3A_49 = vector.broadcast %mul3A_21 : i32 to vector<256x1xi32>
    %add3A_50 = arith.addi %convert_element_type3A_48, %add3A_49 : vector<256x1xi32>
    %swap3A_51 = arith.constant 0 : index
    %swap3A_52 = arith.constant 1 : index
    %swap3A_53 = vector.load %arg4[%swap3A_51, %swap3A_52] : memref<256x8xi32, #tpu.memory_space<vmem>>, vector<256x1xi32>
    tpu.vector_store %arg4[%swap3A_51, %swap3A_52], %add3A_50 {strides = array<i32>} : memref<256x8xi32, #tpu.memory_space<vmem>>, vector<256x1xi32>,
    %eq3A_54 = vector.broadcast %broadcast_in_dim3A_47 : vector<256x1xf32> to vector<256x2048xf32>
    %eq3A_55 = arith.cmpf oeq, %select_n3A_44, %eq3A_54 : vector<256x2048xf32>
    %jit3A_56 = arith.constant 0xFF800000 : f32
    %broadcast_in_dim3A_57 = vector.broadcast %jit3A_56 : f32 to vector<256x2048xf32>
    %select_n3A_58 = arith.select %eq3A_55, %broadcast_in_dim3A_57, %select_n3A_36 : vector<256x2048xi1>, vector<256x2048xf32>
    %reduce_max3A_59 = arith.constant dense<0xFF800000> : vector<256xf32>
    %reduce_max3A_60 = vector.multi_reduction <maximumf>, %select_n3A_58, %reduce_max3A_59 [1] : vector<256x2048xf32> to vector<256xf32>
    %broadcast_in_dim3A_61 = vector.shape_cast %reduce_max3A_60 : vector<256xf32> to vector<256x1xf32>
    %eq3A_62 = vector.broadcast %broadcast_in_dim3A_61 : vector<256x1xf32> to vector<256x2048xf32>
    %eq3A_63 = arith.cmpf oeq, %select_n3A_58, %eq3A_62 : vector<256x2048xf32>
    %jit3A_64 = arith.constant 2.048000e+03 : f32
    %broadcast_in_dim3A_65 = vector.broadcast %jit3A_64 : f32 to vector<256x2048xf32>
    %select_n3A_66 = arith.select %eq3A_63, %convert_element_type3A_19, %broadcast_in_dim3A_65 : vector<256x2048xi1>, vector<256x2048xf32>
    %reduce_min3A_67 = arith.constant dense<0x7F800000> : vector<256xf32>
    %reduce_min3A_68 = vector.multi_reduction <minimumf>, %select_n3A_66, %reduce_min3A_67 [1] : vector<256x2048xf32> to vector<256xf32>
    %broadcast_in_dim3A_69 = vector.shape_cast %reduce_min3A_68 : vector<256xf32> to vector<256x1xf32>
    %convert_element_type3A_70 = arith.fptosi %broadcast_in_dim3A_69 : vector<256x1xf32> to vector<256x1xi32>
    %add3A_71 = vector.broadcast %mul3A_21 : i32 to vector<256x1xi32>
    %add3A_72 = arith.addi %convert_element_type3A_70, %add3A_71 : vector<256x1xi32>
    %swap3A_73 = arith.constant 0 : index
    %swap3A_74 = arith.constant 2 : index
    %swap3A_75 = vector.load %arg4[%swap3A_73, %swap3A_74] : memref<256x8xi32, #tpu.memory_space<vmem>>, vector<256x1xi32>
    tpu.vector_store %arg4[%swap3A_73, %swap3A_74], %add3A_72 {strides = array<i32>} : memref<256x8xi32, #tpu.memory_space<vmem>>, vector<256x1xi32>,
    %eq3A_76 = vector.broadcast %broadcast_in_dim3A_69 : vector<256x1xf32> to vector<256x2048xf32>
    %eq3A_77 = arith.cmpf oeq, %select_n3A_66, %eq3A_76 : vector<256x2048xf32>
    %jit3A_78 = arith.constant 0xFF800000 : f32
    %broadcast_in_dim3A_79 = vector.broadcast %jit3A_78 : f32 to vector<256x2048xf32>
    %select_n3A_80 = arith.select %eq3A_77, %broadcast_in_dim3A_79, %select_n3A_58 : vector<256x2048xi1>, vector<256x2048xf32>
    %reduce_max3A_81 = arith.constant dense<0xFF800000> : vector<256xf32>
    %reduce_max3A_82 = vector.multi_reduction <maximumf>, %select_n3A_80, %reduce_max3A_81 [1] : vector<256x2048xf32> to vector<256xf32>
    %broadcast_in_dim3A_83 = vector.shape_cast %reduce_max3A_82 : vector<256xf32> to vector<256x1xf32>
    %eq3A_84 = vector.broadcast %broadcast_in_dim3A_83 : vector<256x1xf32> to vector<256x2048xf32>
    %eq3A_85 = arith.cmpf oeq, %select_n3A_80, %eq3A_84 : vector<256x2048xf32>
    %jit3A_86 = arith.constant 2.048000e+03 : f32
    %broadcast_in_dim3A_87 = vector.broadcast %jit3A_86 : f32 to vector<256x2048xf32>
    %select_n3A_88 = arith.select %eq3A_85, %convert_element_type3A_19, %broadcast_in_dim3A_87 : vector<256x2048xi1>, vector<256x2048xf32>
    %reduce_min3A_89 = arith.constant dense<0x7F800000> : vector<256xf32>
    %reduce_min3A_90 = vector.multi_reduction <minimumf>, %select_n3A_88, %reduce_min3A_89 [1] : vector<256x2048xf32> to vector<256xf32>
    %broadcast_in_dim3A_91 = vector.shape_cast %reduce_min3A_90 : vector<256xf32> to vector<256x1xf32>
    %convert_element_type3A_92 = arith.fptosi %broadcast_in_dim3A_91 : vector<256x1xf32> to vector<256x1xi32>
    %add3A_93 = vector.broadcast %mul3A_21 : i32 to vector<256x1xi32>
    %add3A_94 = arith.addi %convert_element_type3A_92, %add3A_93 : vector<256x1xi32>
    %swap3A_95 = arith.constant 0 : index
    %swap3A_96 = arith.constant 3 : index
    %swap3A_97 = vector.load %arg4[%swap3A_95, %swap3A_96] : memref<256x8xi32, #tpu.memory_space<vmem>>, vector<256x1xi32>
    tpu.vector_store %arg4[%swap3A_95, %swap3A_96], %add3A_94 {strides = array<i32>} : memref<256x8xi32, #tpu.memory_space<vmem>>, vector<256x1xi32>,
    %eq3A_98 = vector.broadcast %broadcast_in_dim3A_91 : vector<256x1xf32> to vector<256x2048xf32>
    %eq3A_99 = arith.cmpf oeq, %select_n3A_88, %eq3A_98 : vector<256x2048xf32>
    %jit3A_100 = arith.constant 0xFF800000 : f32
    %broadcast_in_dim3A_101 = vector.broadcast %jit3A_100 : f32 to vector<256x2048xf32>
    %select_n3A_102 = arith.select %eq3A_99, %broadcast_in_dim3A_101, %select_n3A_80 : vector<256x2048xi1>, vector<256x2048xf32>
    %reduce_max3A_103 = arith.constant dense<0xFF800000> : vector<256xf32>
    %reduce_max3A_104 = vector.multi_reduction <maximumf>, %select_n3A_102, %reduce_max3A_103 [1] : vector<256x2048xf32> to vector<256xf32>
    %broadcast_in_dim3A_105 = vector.shape_cast %reduce_max3A_104 : vector<256xf32> to vector<256x1xf32>
    %eq3A_106 = vector.broadcast %broadcast_in_dim3A_105 : vector<256x1xf32> to vector<256x2048xf32>
    %eq3A_107 = arith.cmpf oeq, %select_n3A_102, %eq3A_106 : vector<256x2048xf32>
    %jit3A_108 = arith.constant 2.048000e+03 : f32
    %broadcast_in_dim3A_109 = vector.broadcast %jit3A_108 : f32 to vector<256x2048xf32>
    %select_n3A_110 = arith.select %eq3A_107, %convert_element_type3A_19, %broadcast_in_dim3A_109 : vector<256x2048xi1>, vector<256x2048xf32>
    %reduce_min3A_111 = arith.constant dense<0x7F800000> : vector<256xf32>
    %reduce_min3A_112 = vector.multi_reduction <minimumf>, %select_n3A_110, %reduce_min3A_111 [1] : vector<256x2048xf32> to vector<256xf32>
    %broadcast_in_dim3A_113 = vector.shape_cast %reduce_min3A_112 : vector<256xf32> to vector<256x1xf32>
    %convert_element_type3A_114 = arith.fptosi %broadcast_in_dim3A_113 : vector<256x1xf32> to vector<256x1xi32>
    %add3A_115 = vector.broadcast %mul3A_21 : i32 to vector<256x1xi32>
    %add3A_116 = arith.addi %convert_element_type3A_114, %add3A_115 : vector<256x1xi32>
    %swap3A_117 = arith.constant 0 : index
    %swap3A_118 = arith.constant 4 : index
    %swap3A_119 = vector.load %arg4[%swap3A_117, %swap3A_118] : memref<256x8xi32, #tpu.memory_space<vmem>>, vector<256x1xi32>
    tpu.vector_store %arg4[%swap3A_117, %swap3A_118], %add3A_116 {strides = array<i32>} : memref<256x8xi32, #tpu.memory_space<vmem>>, vector<256x1xi32>,
    %eq3A_120 = vector.broadcast %broadcast_in_dim3A_113 : vector<256x1xf32> to vector<256x2048xf32>
    %eq3A_121 = arith.cmpf oeq, %select_n3A_110, %eq3A_120 : vector<256x2048xf32>
    %jit3A_122 = arith.constant 0xFF800000 : f32
    %broadcast_in_dim3A_123 = vector.broadcast %jit3A_122 : f32 to vector<256x2048xf32>
    %select_n3A_124 = arith.select %eq3A_121, %broadcast_in_dim3A_123, %select_n3A_102 : vector<256x2048xi1>, vector<256x2048xf32>
    %reduce_max3A_125 = arith.constant dense<0xFF800000> : vector<256xf32>
    %reduce_max3A_126 = vector.multi_reduction <maximumf>, %select_n3A_124, %reduce_max3A_125 [1] : vector<256x2048xf32> to vector<256xf32>
    %broadcast_in_dim3A_127 = vector.shape_cast %reduce_max3A_126 : vector<256xf32> to vector<256x1xf32>
    %eq3A_128 = vector.broadcast %broadcast_in_dim3A_127 : vector<256x1xf32> to vector<256x2048xf32>
    %eq3A_129 = arith.cmpf oeq, %select_n3A_124, %eq3A_128 : vector<256x2048xf32>
    %jit3A_130 = arith.constant 2.048000e+03 : f32
    %broadcast_in_dim3A_131 = vector.broadcast %jit3A_130 : f32 to vector<256x2048xf32>
    %select_n3A_132 = arith.select %eq3A_129, %convert_element_type3A_19, %broadcast_in_dim3A_131 : vector<256x2048xi1>, vector<256x2048xf32>
    %reduce_min3A_133 = arith.constant dense<0x7F800000> : vector<256xf32>
    %reduce_min3A_134 = vector.multi_reduction <minimumf>, %select_n3A_132, %reduce_min3A_133 [1] : vector<256x2048xf32> to vector<256xf32>
    %broadcast_in_dim3A_135 = vector.shape_cast %reduce_min3A_134 : vector<256xf32> to vector<256x1xf32>
    %convert_element_type3A_136 = arith.fptosi %broadcast_in_dim3A_135 : vector<256x1xf32> to vector<256x1xi32>
    %add3A_137 = vector.broadcast %mul3A_21 : i32 to vector<256x1xi32>
    %add3A_138 = arith.addi %convert_element_type3A_136, %add3A_137 : vector<256x1xi32>
    %swap3A_139 = arith.constant 0 : index
    %swap3A_140 = arith.constant 5 : index
    %swap3A_141 = vector.load %arg4[%swap3A_139, %swap3A_140] : memref<256x8xi32, #tpu.memory_space<vmem>>, vector<256x1xi32>
    tpu.vector_store %arg4[%swap3A_139, %swap3A_140], %add3A_138 {strides = array<i32>} : memref<256x8xi32, #tpu.memory_space<vmem>>, vector<256x1xi32>,
    %eq3A_142 = vector.broadcast %broadcast_in_dim3A_135 : vector<256x1xf32> to vector<256x2048xf32>
    %eq3A_143 = arith.cmpf oeq, %select_n3A_132, %eq3A_142 : vector<256x2048xf32>
    %jit3A_144 = arith.constant 0xFF800000 : f32
    %broadcast_in_dim3A_145 = vector.broadcast %jit3A_144 : f32 to vector<256x2048xf32>
    %select_n3A_146 = arith.select %eq3A_143, %broadcast_in_dim3A_145, %select_n3A_124 : vector<256x2048xi1>, vector<256x2048xf32>
    %reduce_max3A_147 = arith.constant dense<0xFF800000> : vector<256xf32>
    %reduce_max3A_148 = vector.multi_reduction <maximumf>, %select_n3A_146, %reduce_max3A_147 [1] : vector<256x2048xf32> to vector<256xf32>
    %broadcast_in_dim3A_149 = vector.shape_cast %reduce_max3A_148 : vector<256xf32> to vector<256x1xf32>
    %eq3A_150 = vector.broadcast %broadcast_in_dim3A_149 : vector<256x1xf32> to vector<256x2048xf32>
    %eq3A_151 = arith.cmpf oeq, %select_n3A_146, %eq3A_150 : vector<256x2048xf32>
    %jit3A_152 = arith.constant 2.048000e+03 : f32
    %broadcast_in_dim3A_153 = vector.broadcast %jit3A_152 : f32 to vector<256x2048xf32>
    %select_n3A_154 = arith.select %eq3A_151, %convert_element_type3A_19, %broadcast_in_dim3A_153 : vector<256x2048xi1>, vector<256x2048xf32>
    %reduce_min3A_155 = arith.constant dense<0x7F800000> : vector<256xf32>
    %reduce_min3A_156 = vector.multi_reduction <minimumf>, %select_n3A_154, %reduce_min3A_155 [1] : vector<256x2048xf32> to vector<256xf32>
    %broadcast_in_dim3A_157 = vector.shape_cast %reduce_min3A_156 : vector<256xf32> to vector<256x1xf32>
    %convert_element_type3A_158 = arith.fptosi %broadcast_in_dim3A_157 : vector<256x1xf32> to vector<256x1xi32>
    %add3A_159 = vector.broadcast %mul3A_21 : i32 to vector<256x1xi32>
    %add3A_160 = arith.addi %convert_element_type3A_158, %add3A_159 : vector<256x1xi32>
    %swap3A_161 = arith.constant 0 : index
    %swap3A_162 = arith.constant 6 : index
    %swap3A_163 = vector.load %arg4[%swap3A_161, %swap3A_162] : memref<256x8xi32, #tpu.memory_space<vmem>>, vector<256x1xi32>
    tpu.vector_store %arg4[%swap3A_161, %swap3A_162], %add3A_160 {strides = array<i32>} : memref<256x8xi32, #tpu.memory_space<vmem>>, vector<256x1xi32>,
    %eq3A_164 = vector.broadcast %broadcast_in_dim3A_157 : vector<256x1xf32> to vector<256x2048xf32>
    %eq3A_165 = arith.cmpf oeq, %select_n3A_154, %eq3A_164 : vector<256x2048xf32>
    %jit3A_166 = arith.constant 0xFF800000 : f32
    %broadcast_in_dim3A_167 = vector.broadcast %jit3A_166 : f32 to vector<256x2048xf32>
    %select_n3A_168 = arith.select %eq3A_165, %broadcast_in_dim3A_167, %select_n3A_146 : vector<256x2048xi1>, vector<256x2048xf32>
    %reduce_max3A_169 = arith.constant dense<0xFF800000> : vector<256xf32>
    %reduce_max3A_170 = vector.multi_reduction <maximumf>, %select_n3A_168, %reduce_max3A_169 [1] : vector<256x2048xf32> to vector<256xf32>
    %broadcast_in_dim3A_171 = vector.shape_cast %reduce_max3A_170 : vector<256xf32> to vector<256x1xf32>
    %eq3A_172 = vector.broadcast %broadcast_in_dim3A_171 : vector<256x1xf32> to vector<256x2048xf32>
    %eq3A_173 = arith.cmpf oeq, %select_n3A_168, %eq3A_172 : vector<256x2048xf32>
    %jit3A_174 = arith.constant 2.048000e+03 : f32
    %broadcast_in_dim3A_175 = vector.broadcast %jit3A_174 : f32 to vector<256x2048xf32>
    %select_n3A_176 = arith.select %eq3A_173, %convert_element_type3A_19, %broadcast_in_dim3A_175 : vector<256x2048xi1>, vector<256x2048xf32>
    %reduce_min3A_177 = arith.constant dense<0x7F800000> : vector<256xf32>
    %reduce_min3A_178 = vector.multi_reduction <minimumf>, %select_n3A_176, %reduce_min3A_177 [1] : vector<256x2048xf32> to vector<256xf32>
    %broadcast_in_dim3A_179 = vector.shape_cast %reduce_min3A_178 : vector<256xf32> to vector<256x1xf32>
    %convert_element_type3A_180 = arith.fptosi %broadcast_in_dim3A_179 : vector<256x1xf32> to vector<256x1xi32>
    %add3A_181 = vector.broadcast %mul3A_21 : i32 to vector<256x1xi32>
    %add3A_182 = arith.addi %convert_element_type3A_180, %add3A_181 : vector<256x1xi32>
    %swap3A_183 = arith.constant 0 : index
    %swap3A_184 = arith.constant 7 : index
    %swap3A_185 = vector.load %arg4[%swap3A_183, %swap3A_184] : memref<256x8xi32, #tpu.memory_space<vmem>>, vector<256x1xi32>
    tpu.vector_store %arg4[%swap3A_183, %swap3A_184], %add3A_182 {strides = array<i32>} : memref<256x8xi32, #tpu.memory_space<vmem>>, vector<256x1xi32>,
    return
  }
  func.func @transform_0(%arg0: i32, %arg1: i32) -> (i32, i32) {
    %mul3A = arith.constant 8 : i32
    %mul3A_0 = arith.muli %arg0, %mul3A : i32
    %add3A = arith.addi %mul3A_0, %arg1 : i32
    %c0_i32 = arith.constant 0 : i32
    %c0_i32_1 = arith.constant 0 : i32
    return %add3A, %c0_i32 : i32, i32
  }
  func.func @transform_1(%arg0: i32, %arg1: i32) -> (i32, i32) {
    %c0_i32 = arith.constant 0 : i32
    %c0_i32_0 = arith.constant 0 : i32
    return %arg0, %c0_i32 : i32, i32
  }
  func.func @transform_2(%arg0: i32, %arg1: i32) -> (i32, i32) {
    %mul3A = arith.constant 8 : i32
    %mul3A_0 = arith.muli %arg0, %mul3A : i32
    %add3A = arith.addi %mul3A_0, %arg1 : i32
    %c0_i32 = arith.constant 0 : i32
    %c0_i32_1 = arith.constant 0 : i32
    return %add3A, %c0_i32 : i32, i32
  }
}

module attributes {stable_mosaic.version = 14 : i64} {
  func.func @body(%arg0: i32, %arg1: i32, %arg2: memref<2048x128xf32, #tpu.memory_space<vmem>>, %arg3: memref<256x128xf32, #tpu.memory_space<vmem>>, %arg4: memref<256x128xbf16, #tpu.memory_space<vmem>>, %arg5: memref<256x128xf32, #tpu.memory_space<vmem>>, %arg6: memref<8x128xf32, #tpu.memory_space<vmem>>) attributes {dimension_semantics = [#tpu.dimension_semantics<arbitrary>, #tpu.dimension_semantics<arbitrary>], iteration_bounds = array<i64: 8, 8>, scalar_prefetch = 0 : i64, scratch_operands = 0 : i64, tpu.core_type = #tpu.core_type<tc>, window_params = [{transform_indices = @transform_0, window_bounds = array<i64: 2048, 128>}, {transform_indices = @transform_1, window_bounds = array<i64: 256, 128>}, {pipeline_mode = #tpu.pipeline_mode<synchronous>, transform_indices = @transform_2, window_bounds = array<i64: 256, 128>}, {transform_indices = @transform_3, window_bounds = array<i64: 256, 128>}, {pipeline_mode = #tpu.pipeline_mode<synchronous>, transform_indices = @transform_4, window_bounds = array<i64: 8, 128>}]} {
    %get3A = arith.constant 0 : index
    %get3A_0 = arith.constant 0 : index
    %get3A_1 = vector.load %arg3[%get3A, %get3A_0] : memref<256x128xf32, #tpu.memory_space<vmem>>, vector<256x128xf32>
    %broadcast_in_dim3A = vector.shape_cast %get3A_1 : vector<256x128xf32> to vector<256x1x128xf32>
    %broadcast_in_dim3A_2 = vector.shape_cast %broadcast_in_dim3A : vector<256x1x128xf32> to vector<256x1x128xf32>
    %broadcast_in_dim3A_3 = vector.broadcast %broadcast_in_dim3A_2 : vector<256x1x128xf32> to vector<256x8x128xf32>
    %reshape3A = vector.shape_cast %broadcast_in_dim3A_3 : vector<256x8x128xf32> to vector<2048x128xf32>
    %get3A_4 = arith.constant 0 : index
    %get3A_5 = arith.constant 0 : index
    %get3A_6 = vector.load %arg2[%get3A_4, %get3A_5] : memref<2048x128xf32, #tpu.memory_space<vmem>>, vector<2048x128xf32>
    %sub3A = arith.subf %get3A_6, %reshape3A : vector<2048x128xf32>
    %convert_element_type3A = arith.truncf %sub3A : vector<2048x128xf32> to vector<2048x128xbf16>
    %convert_element_type3A_7 = arith.truncf %reshape3A : vector<2048x128xf32> to vector<2048x128xbf16>
    %concatenate3A = tpu.concatenate %convert_element_type3A, %convert_element_type3A_7 in 1 : vector<2048x128xbf16>, vector<2048x128xbf16> -> vector<2048x256xbf16>
    %get3A_8 = arith.constant 0 : index
    %get3A_9 = arith.constant 0 : index
    %get3A_10 = vector.load %arg4[%get3A_8, %get3A_9] : memref<256x128xbf16, #tpu.memory_space<vmem>>, vector<256x128xbf16>
    %dot_general3A = arith.constant dense<0.000000e+00> : vector<2048x128xf32>
    %dot_general3A_11 = tpu.matmul %concatenate3A, %get3A_10, %dot_general3A {dimension_numbers = #tpu.dot_dimension_numbers<[1], [0], [0], [1], [0, 0, 1, 1], [], []>, transpose_lhs_hint = false} : vector<2048x256xbf16>, vector<256x128xbf16>, vector<2048x128xf32> -> vector<2048x128xf32>
    %reshape3A_12 = vector.shape_cast %dot_general3A_11 : vector<2048x128xf32> to vector<256x8x128xf32>
    %reduce_max3A = arith.constant dense<0xFF800000> : vector<256x128xf32>
    %reduce_max3A_13 = vector.multi_reduction <maximumf>, %reshape3A_12, %reduce_max3A [1] : vector<256x8x128xf32> to vector<256x128xf32>
    %swap3A = arith.constant 0 : index
    %swap3A_14 = arith.constant 0 : index
    %swap3A_15 = vector.load %arg5[%swap3A, %swap3A_14] : memref<256x128xf32, #tpu.memory_space<vmem>>, vector<256x128xf32>
    tpu.vector_store %arg5[%swap3A, %swap3A_14], %reduce_max3A_13 {strides = array<i32>} : memref<256x128xf32, #tpu.memory_space<vmem>>, vector<256x128xf32>,
    %reduce_sum3A = arith.constant dense<0.000000e+00> : vector<128xf32>
    %reduce_sum3A_16 = vector.multi_reduction <add>, %dot_general3A_11, %reduce_sum3A [0] : vector<2048x128xf32> to vector<128xf32>
    %broadcast_in_dim3A_17 = vector.shape_cast %reduce_sum3A_16 : vector<128xf32> to vector<1x128xf32>
    %mul3A = arith.mulf %dot_general3A_11, %dot_general3A_11 : vector<2048x128xf32>
    %reduce_sum3A_18 = arith.constant dense<0.000000e+00> : vector<128xf32>
    %reduce_sum3A_19 = vector.multi_reduction <add>, %mul3A, %reduce_sum3A_18 [0] : vector<2048x128xf32> to vector<128xf32>
    %broadcast_in_dim3A_20 = vector.shape_cast %reduce_sum3A_19 : vector<128xf32> to vector<1x128xf32>
    %broadcast_in_dim3A_21 = arith.constant 0.000000e+00 : f32
    %broadcast_in_dim3A_22 = vector.broadcast %broadcast_in_dim3A_21 : f32 to vector<6x128xf32>
    %concatenate3A_23 = tpu.concatenate %broadcast_in_dim3A_17, %broadcast_in_dim3A_20, %broadcast_in_dim3A_22 in 0 : vector<1x128xf32>, vector<1x128xf32>, vector<6x128xf32> -> vector<8x128xf32>
    %eq3A = arith.constant 0 : i32
    %eq3A_24 = arith.cmpi eq, %arg0, %eq3A : i32
    %eq3A_25 = arith.constant 0 : i32
    %eq3A_26 = arith.cmpi eq, %arg1, %eq3A_25 : i32
    %and3A = arith.andi %eq3A_24, %eq3A_26 : i1
    %convert_element_type3A_27 = arith.extui %and3A : i1 to i32
    %cond3A = arith.constant 0 : i32
    %cond3A_28 = arith.cmpi ne, %convert_element_type3A_27, %cond3A : i32
    scf.if %cond3A_28 {
      %swap3A_33 = arith.constant 0 : index
      %swap3A_34 = arith.constant 0 : index
      %swap3A_35 = vector.load %arg6[%swap3A_33, %swap3A_34] : memref<8x128xf32, #tpu.memory_space<vmem>>, vector<8x128xf32>
      tpu.vector_store %arg6[%swap3A_33, %swap3A_34], %concatenate3A_23 {strides = array<i32>} : memref<8x128xf32, #tpu.memory_space<vmem>>, vector<8x128xf32>,
    } else {
    }
    %not3A = arith.constant true
    %not3A_29 = arith.xori %and3A, %not3A : i1
    %convert_element_type3A_30 = arith.extui %not3A_29 : i1 to i32
    %cond3A_31 = arith.constant 0 : i32
    %cond3A_32 = arith.cmpi ne, %convert_element_type3A_30, %cond3A_31 : i32
    scf.if %cond3A_32 {
      %get3A_33 = arith.constant 0 : index
      %get3A_34 = arith.constant 0 : index
      %get3A_35 = vector.load %arg6[%get3A_33, %get3A_34] : memref<8x128xf32, #tpu.memory_space<vmem>>, vector<8x128xf32>
      %add3A = arith.addf %get3A_35, %concatenate3A_23 : vector<8x128xf32>
      %swap3A_36 = arith.constant 0 : index
      %swap3A_37 = arith.constant 0 : index
      %swap3A_38 = vector.load %arg6[%swap3A_36, %swap3A_37] : memref<8x128xf32, #tpu.memory_space<vmem>>, vector<8x128xf32>
      tpu.vector_store %arg6[%swap3A_36, %swap3A_37], %add3A {strides = array<i32>} : memref<8x128xf32, #tpu.memory_space<vmem>>, vector<8x128xf32>,
    } else {
    }
    return
  }
  func.func @transform_0(%arg0: i32, %arg1: i32) -> (i32, i32) {
    %mul3A = arith.constant 8 : i32
    %mul3A_0 = arith.muli %arg0, %mul3A : i32
    %add3A = arith.addi %mul3A_0, %arg1 : i32
    %c0_i32 = arith.constant 0 : i32
    %c0_i32_1 = arith.constant 0 : i32
    return %add3A, %c0_i32 : i32, i32
  }
  func.func @transform_1(%arg0: i32, %arg1: i32) -> (i32, i32) {
    %mul3A = arith.constant 8 : i32
    %mul3A_0 = arith.muli %arg0, %mul3A : i32
    %add3A = arith.addi %mul3A_0, %arg1 : i32
    %c0_i32 = arith.constant 0 : i32
    %c0_i32_1 = arith.constant 0 : i32
    return %add3A, %c0_i32 : i32, i32
  }
  func.func @transform_2(%arg0: i32, %arg1: i32) -> (i32, i32) {
    %c0_i32 = arith.constant 0 : i32
    %c0_i32_0 = arith.constant 0 : i32
    %c0_i32_1 = arith.constant 0 : i32
    return %c0_i32, %c0_i32_0 : i32, i32
  }
  func.func @transform_3(%arg0: i32, %arg1: i32) -> (i32, i32) {
    %mul3A = arith.constant 8 : i32
    %mul3A_0 = arith.muli %arg0, %mul3A : i32
    %add3A = arith.addi %mul3A_0, %arg1 : i32
    %c0_i32 = arith.constant 0 : i32
    %c0_i32_1 = arith.constant 0 : i32
    return %add3A, %c0_i32 : i32, i32
  }
  func.func @transform_4(%arg0: i32, %arg1: i32) -> (i32, i32) {
    %c0_i32 = arith.constant 0 : i32
    %c0_i32_0 = arith.constant 0 : i32
    %c0_i32_1 = arith.constant 0 : i32
    return %c0_i32, %c0_i32_0 : i32, i32
  }
}

module attributes {stable_mosaic.version = 14 : i64} {
  func.func @body(%arg0: i32, %arg1: i32, %arg2: memref<256x128xf32, #tpu.memory_space<vmem>>, %arg3: memref<8x128xf32, #tpu.memory_space<vmem>>, %arg4: memref<256x128xf32, #tpu.memory_space<vmem>>) attributes {dimension_semantics = [#tpu.dimension_semantics<arbitrary>, #tpu.dimension_semantics<arbitrary>], iteration_bounds = array<i64: 8, 8>, scalar_prefetch = 0 : i64, scratch_operands = 0 : i64, tpu.core_type = #tpu.core_type<tc>, window_params = [{transform_indices = @transform_0, window_bounds = array<i64: 256, 128>}, {pipeline_mode = #tpu.pipeline_mode<synchronous>, transform_indices = @transform_1, window_bounds = array<i64: 8, 128>}, {transform_indices = @transform_2, window_bounds = array<i64: 256, 128>}]} {
    %get3A = arith.constant 0 : index
    %get3A_0 = arith.constant 0 : index
    %get3A_1 = vector.load %arg3[%get3A, %get3A_0] : memref<8x128xf32, #tpu.memory_space<vmem>>, vector<8x128xf32>
    %slice3A = vector.extract_strided_slice %get3A_1 {offsets = [0, 0], sizes = [1, 128], strides = [1, 1]} : vector<8x128xf32> to vector<1x128xf32>
    %div3A = arith.constant 1.310720e+05 : f32
    %div3A_2 = vector.broadcast %div3A : f32 to vector<1x128xf32>
    %div3A_3 = arith.divf %slice3A, %div3A_2 : vector<1x128xf32>
    %slice3A_4 = vector.extract_strided_slice %get3A_1 {offsets = [1, 0], sizes = [1, 128], strides = [1, 1]} : vector<8x128xf32> to vector<1x128xf32>
    %div3A_5 = arith.constant 1.310720e+05 : f32
    %div3A_6 = vector.broadcast %div3A_5 : f32 to vector<1x128xf32>
    %div3A_7 = arith.divf %slice3A_4, %div3A_6 : vector<1x128xf32>
    %mul3A = arith.mulf %div3A_3, %div3A_3 : vector<1x128xf32>
    %sub3A = arith.subf %div3A_7, %mul3A : vector<1x128xf32>
    %add3A = arith.constant 9.99999974E-6 : f32
    %add3A_8 = vector.broadcast %add3A : f32 to vector<1x128xf32>
    %add3A_9 = arith.addf %sub3A, %add3A_8 : vector<1x128xf32>
    %rsqrt3A = math.rsqrt %add3A_9 : vector<1x128xf32>
    %get3A_10 = arith.constant 0 : index
    %get3A_11 = arith.constant 0 : index
    %get3A_12 = vector.load %arg2[%get3A_10, %get3A_11] : memref<256x128xf32, #tpu.memory_space<vmem>>, vector<256x128xf32>
    %sub3A_13 = vector.broadcast %div3A_3 : vector<1x128xf32> to vector<256x128xf32>
    %sub3A_14 = arith.subf %get3A_12, %sub3A_13 : vector<256x128xf32>
    %mul3A_15 = vector.broadcast %rsqrt3A : vector<1x128xf32> to vector<256x128xf32>
    %mul3A_16 = arith.mulf %sub3A_14, %mul3A_15 : vector<256x128xf32>
    %ge3A = arith.constant 0.000000e+00 : f32
    %ge3A_17 = vector.broadcast %ge3A : f32 to vector<256x128xf32>
    %ge3A_18 = arith.cmpf oge, %mul3A_16, %ge3A_17 : vector<256x128xf32>
    %mul3A_19 = arith.constant 2.000000e-01 : f32
    %mul3A_20 = vector.broadcast %mul3A_19 : f32 to vector<256x128xf32>
    %mul3A_21 = arith.mulf %mul3A_20, %mul3A_16 : vector<256x128xf32>
    %select_n3A = arith.select %ge3A_18, %mul3A_16, %mul3A_21 : vector<256x128xi1>, vector<256x128xf32>
    %swap3A = arith.constant 0 : index
    %swap3A_22 = arith.constant 0 : index
    %swap3A_23 = vector.load %arg4[%swap3A, %swap3A_22] : memref<256x128xf32, #tpu.memory_space<vmem>>, vector<256x128xf32>
    tpu.vector_store %arg4[%swap3A, %swap3A_22], %select_n3A {strides = array<i32>} : memref<256x128xf32, #tpu.memory_space<vmem>>, vector<256x128xf32>,
    return
  }
  func.func @transform_0(%arg0: i32, %arg1: i32) -> (i32, i32) {
    %mul3A = arith.constant 8 : i32
    %mul3A_0 = arith.muli %arg0, %mul3A : i32
    %add3A = arith.addi %mul3A_0, %arg1 : i32
    %c0_i32 = arith.constant 0 : i32
    %c0_i32_1 = arith.constant 0 : i32
    return %add3A, %c0_i32 : i32, i32
  }
  func.func @transform_1(%arg0: i32, %arg1: i32) -> (i32, i32) {
    %c0_i32 = arith.constant 0 : i32
    %c0_i32_0 = arith.constant 0 : i32
    %c0_i32_1 = arith.constant 0 : i32
    return %c0_i32, %c0_i32_0 : i32, i32
  }
  func.func @transform_2(%arg0: i32, %arg1: i32) -> (i32, i32) {
    %mul3A = arith.constant 8 : i32
    %mul3A_0 = arith.muli %arg0, %mul3A : i32
    %add3A = arith.addi %mul3A_0, %arg1 : i32
    %c0_i32 = arith.constant 0 : i32
    %c0_i32_1 = arith.constant 0 : i32
    return %add3A, %c0_i32 : i32, i32
  }
}

module attributes {stable_mosaic.version = 14 : i64} {
  func.func @body(%arg0: i32, %arg1: i32, %arg2: memref<256x128xf32, #tpu.memory_space<vmem>>, %arg3: memref<2048x128xf32, #tpu.memory_space<vmem>>, %arg4: memref<128x128xbf16, #tpu.memory_space<vmem>>, %arg5: memref<256x8xi32, #tpu.memory_space<vmem>>, %arg6: memref<256x128xf32, #tpu.memory_space<vmem>>) attributes {dimension_semantics = [#tpu.dimension_semantics<arbitrary>, #tpu.dimension_semantics<arbitrary>], iteration_bounds = array<i64: 8, 8>, scalar_prefetch = 0 : i64, scratch_operands = 0 : i64, tpu.core_type = #tpu.core_type<tc>, window_params = [{transform_indices = @transform_0, window_bounds = array<i64: 256, 128>}, {transform_indices = @transform_1, window_bounds = array<i64: 2048, 128>}, {pipeline_mode = #tpu.pipeline_mode<synchronous>, transform_indices = @transform_2, window_bounds = array<i64: 128, 128>}, {transform_indices = @transform_3, window_bounds = array<i64: 256, 8>}, {transform_indices = @transform_4, window_bounds = array<i64: 256, 128>}]} {
    %get3A = arith.constant 0 : index
    %get3A_0 = arith.constant 0 : index
    %get3A_1 = vector.load %arg2[%get3A, %get3A_0] : memref<256x128xf32, #tpu.memory_space<vmem>>, vector<256x128xf32>
    %get3A_2 = arith.constant 0 : index
    %get3A_3 = arith.constant 0 : index
    %get3A_4 = vector.load %arg3[%get3A_2, %get3A_3] : memref<2048x128xf32, #tpu.memory_space<vmem>>, vector<2048x128xf32>
    %convert_element_type3A = arith.truncf %get3A_1 : vector<256x128xf32> to vector<256x128xbf16>
    %convert_element_type3A_5 = arith.truncf %get3A_4 : vector<2048x128xf32> to vector<2048x128xbf16>
    %dot_general3A = arith.constant dense<0.000000e+00> : vector<256x2048xf32>
    %dot_general3A_6 = tpu.matmul %convert_element_type3A, %convert_element_type3A_5, %dot_general3A {dimension_numbers = #tpu.dot_dimension_numbers<[1], [1], [0], [0], [0, 0, 1, 0], [], []>, transpose_lhs_hint = false} : vector<256x128xbf16>, vector<2048x128xbf16>, vector<256x2048xf32> -> vector<256x2048xf32>
    %mul3A = arith.mulf %get3A_1, %get3A_1 : vector<256x128xf32>
    %reduce_sum3A = arith.constant dense<0.000000e+00> : vector<256xf32>
    %reduce_sum3A_7 = vector.multi_reduction <add>, %mul3A, %reduce_sum3A [1] : vector<256x128xf32> to vector<256xf32>
    %broadcast_in_dim3A = vector.shape_cast %reduce_sum3A_7 : vector<256xf32> to vector<256x1xf32>
    %broadcast_in_dim3A_8 = arith.constant 1.000000e+00 : f32
    %broadcast_in_dim3A_9 = vector.broadcast %broadcast_in_dim3A_8 : f32 to vector<1x128xf32>
    %mul3A_10 = arith.mulf %get3A_4, %get3A_4 : vector<2048x128xf32>
    %dot_general3A_11 = arith.constant dense<0.000000e+00> : vector<1x2048xf32>
    %dot_general3A_12 = tpu.matmul %broadcast_in_dim3A_9, %mul3A_10, %dot_general3A_11 {dimension_numbers = #tpu.dot_dimension_numbers<[1], [1], [0], [0], [0, 0, 1, 0], [], []>, precision = #tpu.contract_precision<fp32>, transpose_lhs_hint = false} : vector<1x128xf32>, vector<2048x128xf32>, vector<1x2048xf32> -> vector<1x2048xf32>
    %mul3A_13 = arith.constant 2.000000e+00 : f32
    %mul3A_14 = vector.broadcast %mul3A_13 : f32 to vector<256x2048xf32>
    %mul3A_15 = arith.mulf %mul3A_14, %dot_general3A_6 : vector<256x2048xf32>
    %sub3A = vector.broadcast %broadcast_in_dim3A : vector<256x1xf32> to vector<256x2048xf32>
    %sub3A_16 = arith.subf %mul3A_15, %sub3A : vector<256x2048xf32>
    %sub3A_17 = vector.broadcast %dot_general3A_12 : vector<1x2048xf32> to vector<256x2048xf32>
    %sub3A_18 = arith.subf %sub3A_16, %sub3A_17 : vector<256x2048xf32>
    %iota3A = tpu.iota {dimensions = array<i32: 1>} : vector<256x2048xi32>
    %convert_element_type3A_19 = arith.sitofp %iota3A : vector<256x2048xi32> to vector<256x2048xf32>
    %mul3A_20 = arith.constant 2048 : i32
    %mul3A_21 = arith.muli %arg0, %mul3A_20 : i32
    %reduce_max3A = arith.constant dense<0xFF800000> : vector<256xf32>
    %reduce_max3A_22 = vector.multi_reduction <maximumf>, %sub3A_18, %reduce_max3A [1] : vector<256x2048xf32> to vector<256xf32>
    %broadcast_in_dim3A_23 = vector.shape_cast %reduce_max3A_22 : vector<256xf32> to vector<256x1xf32>
    %eq3A = vector.broadcast %broadcast_in_dim3A_23 : vector<256x1xf32> to vector<256x2048xf32>
    %eq3A_24 = arith.cmpf oeq, %sub3A_18, %eq3A : vector<256x2048xf32>
    %jit3A = arith.constant 2.048000e+03 : f32
    %broadcast_in_dim3A_25 = vector.broadcast %jit3A : f32 to vector<256x2048xf32>
    %select_n3A = arith.select %eq3A_24, %convert_element_type3A_19, %broadcast_in_dim3A_25 : vector<256x2048xi1>, vector<256x2048xf32>
    %reduce_min3A = arith.constant dense<0x7F800000> : vector<256xf32>
    %reduce_min3A_26 = vector.multi_reduction <minimumf>, %select_n3A, %reduce_min3A [1] : vector<256x2048xf32> to vector<256xf32>
    %broadcast_in_dim3A_27 = vector.shape_cast %reduce_min3A_26 : vector<256xf32> to vector<256x1xf32>
    %convert_element_type3A_28 = arith.fptosi %broadcast_in_dim3A_27 : vector<256x1xf32> to vector<256x1xi32>
    %add3A = vector.broadcast %mul3A_21 : i32 to vector<256x1xi32>
    %add3A_29 = arith.addi %convert_element_type3A_28, %add3A : vector<256x1xi32>
    %swap3A = arith.constant 0 : index
    %swap3A_30 = arith.constant 0 : index
    %swap3A_31 = vector.load %arg5[%swap3A, %swap3A_30] : memref<256x8xi32, #tpu.memory_space<vmem>>, vector<256x1xi32>
    tpu.vector_store %arg5[%swap3A, %swap3A_30], %add3A_29 {strides = array<i32>} : memref<256x8xi32, #tpu.memory_space<vmem>>, vector<256x1xi32>,
    %eq3A_32 = vector.broadcast %broadcast_in_dim3A_27 : vector<256x1xf32> to vector<256x2048xf32>
    %eq3A_33 = arith.cmpf oeq, %select_n3A, %eq3A_32 : vector<256x2048xf32>
    %jit3A_34 = arith.constant 0xFF800000 : f32
    %broadcast_in_dim3A_35 = vector.broadcast %jit3A_34 : f32 to vector<256x2048xf32>
    %select_n3A_36 = arith.select %eq3A_33, %broadcast_in_dim3A_35, %sub3A_18 : vector<256x2048xi1>, vector<256x2048xf32>
    %reduce_max3A_37 = arith.constant dense<0xFF800000> : vector<256xf32>
    %reduce_max3A_38 = vector.multi_reduction <maximumf>, %select_n3A_36, %reduce_max3A_37 [1] : vector<256x2048xf32> to vector<256xf32>
    %broadcast_in_dim3A_39 = vector.shape_cast %reduce_max3A_38 : vector<256xf32> to vector<256x1xf32>
    %eq3A_40 = vector.broadcast %broadcast_in_dim3A_39 : vector<256x1xf32> to vector<256x2048xf32>
    %eq3A_41 = arith.cmpf oeq, %select_n3A_36, %eq3A_40 : vector<256x2048xf32>
    %jit3A_42 = arith.constant 2.048000e+03 : f32
    %broadcast_in_dim3A_43 = vector.broadcast %jit3A_42 : f32 to vector<256x2048xf32>
    %select_n3A_44 = arith.select %eq3A_41, %convert_element_type3A_19, %broadcast_in_dim3A_43 : vector<256x2048xi1>, vector<256x2048xf32>
    %reduce_min3A_45 = arith.constant dense<0x7F800000> : vector<256xf32>
    %reduce_min3A_46 = vector.multi_reduction <minimumf>, %select_n3A_44, %reduce_min3A_45 [1] : vector<256x2048xf32> to vector<256xf32>
    %broadcast_in_dim3A_47 = vector.shape_cast %reduce_min3A_46 : vector<256xf32> to vector<256x1xf32>
    %convert_element_type3A_48 = arith.fptosi %broadcast_in_dim3A_47 : vector<256x1xf32> to vector<256x1xi32>
    %add3A_49 = vector.broadcast %mul3A_21 : i32 to vector<256x1xi32>
    %add3A_50 = arith.addi %convert_element_type3A_48, %add3A_49 : vector<256x1xi32>
    %swap3A_51 = arith.constant 0 : index
    %swap3A_52 = arith.constant 1 : index
    %swap3A_53 = vector.load %arg5[%swap3A_51, %swap3A_52] : memref<256x8xi32, #tpu.memory_space<vmem>>, vector<256x1xi32>
    tpu.vector_store %arg5[%swap3A_51, %swap3A_52], %add3A_50 {strides = array<i32>} : memref<256x8xi32, #tpu.memory_space<vmem>>, vector<256x1xi32>,
    %eq3A_54 = vector.broadcast %broadcast_in_dim3A_47 : vector<256x1xf32> to vector<256x2048xf32>
    %eq3A_55 = arith.cmpf oeq, %select_n3A_44, %eq3A_54 : vector<256x2048xf32>
    %jit3A_56 = arith.constant 0xFF800000 : f32
    %broadcast_in_dim3A_57 = vector.broadcast %jit3A_56 : f32 to vector<256x2048xf32>
    %select_n3A_58 = arith.select %eq3A_55, %broadcast_in_dim3A_57, %select_n3A_36 : vector<256x2048xi1>, vector<256x2048xf32>
    %reduce_max3A_59 = arith.constant dense<0xFF800000> : vector<256xf32>
    %reduce_max3A_60 = vector.multi_reduction <maximumf>, %select_n3A_58, %reduce_max3A_59 [1] : vector<256x2048xf32> to vector<256xf32>
    %broadcast_in_dim3A_61 = vector.shape_cast %reduce_max3A_60 : vector<256xf32> to vector<256x1xf32>
    %eq3A_62 = vector.broadcast %broadcast_in_dim3A_61 : vector<256x1xf32> to vector<256x2048xf32>
    %eq3A_63 = arith.cmpf oeq, %select_n3A_58, %eq3A_62 : vector<256x2048xf32>
    %jit3A_64 = arith.constant 2.048000e+03 : f32
    %broadcast_in_dim3A_65 = vector.broadcast %jit3A_64 : f32 to vector<256x2048xf32>
    %select_n3A_66 = arith.select %eq3A_63, %convert_element_type3A_19, %broadcast_in_dim3A_65 : vector<256x2048xi1>, vector<256x2048xf32>
    %reduce_min3A_67 = arith.constant dense<0x7F800000> : vector<256xf32>
    %reduce_min3A_68 = vector.multi_reduction <minimumf>, %select_n3A_66, %reduce_min3A_67 [1] : vector<256x2048xf32> to vector<256xf32>
    %broadcast_in_dim3A_69 = vector.shape_cast %reduce_min3A_68 : vector<256xf32> to vector<256x1xf32>
    %convert_element_type3A_70 = arith.fptosi %broadcast_in_dim3A_69 : vector<256x1xf32> to vector<256x1xi32>
    %add3A_71 = vector.broadcast %mul3A_21 : i32 to vector<256x1xi32>
    %add3A_72 = arith.addi %convert_element_type3A_70, %add3A_71 : vector<256x1xi32>
    %swap3A_73 = arith.constant 0 : index
    %swap3A_74 = arith.constant 2 : index
    %swap3A_75 = vector.load %arg5[%swap3A_73, %swap3A_74] : memref<256x8xi32, #tpu.memory_space<vmem>>, vector<256x1xi32>
    tpu.vector_store %arg5[%swap3A_73, %swap3A_74], %add3A_72 {strides = array<i32>} : memref<256x8xi32, #tpu.memory_space<vmem>>, vector<256x1xi32>,
    %eq3A_76 = vector.broadcast %broadcast_in_dim3A_69 : vector<256x1xf32> to vector<256x2048xf32>
    %eq3A_77 = arith.cmpf oeq, %select_n3A_66, %eq3A_76 : vector<256x2048xf32>
    %jit3A_78 = arith.constant 0xFF800000 : f32
    %broadcast_in_dim3A_79 = vector.broadcast %jit3A_78 : f32 to vector<256x2048xf32>
    %select_n3A_80 = arith.select %eq3A_77, %broadcast_in_dim3A_79, %select_n3A_58 : vector<256x2048xi1>, vector<256x2048xf32>
    %reduce_max3A_81 = arith.constant dense<0xFF800000> : vector<256xf32>
    %reduce_max3A_82 = vector.multi_reduction <maximumf>, %select_n3A_80, %reduce_max3A_81 [1] : vector<256x2048xf32> to vector<256xf32>
    %broadcast_in_dim3A_83 = vector.shape_cast %reduce_max3A_82 : vector<256xf32> to vector<256x1xf32>
    %eq3A_84 = vector.broadcast %broadcast_in_dim3A_83 : vector<256x1xf32> to vector<256x2048xf32>
    %eq3A_85 = arith.cmpf oeq, %select_n3A_80, %eq3A_84 : vector<256x2048xf32>
    %jit3A_86 = arith.constant 2.048000e+03 : f32
    %broadcast_in_dim3A_87 = vector.broadcast %jit3A_86 : f32 to vector<256x2048xf32>
    %select_n3A_88 = arith.select %eq3A_85, %convert_element_type3A_19, %broadcast_in_dim3A_87 : vector<256x2048xi1>, vector<256x2048xf32>
    %reduce_min3A_89 = arith.constant dense<0x7F800000> : vector<256xf32>
    %reduce_min3A_90 = vector.multi_reduction <minimumf>, %select_n3A_88, %reduce_min3A_89 [1] : vector<256x2048xf32> to vector<256xf32>
    %broadcast_in_dim3A_91 = vector.shape_cast %reduce_min3A_90 : vector<256xf32> to vector<256x1xf32>
    %convert_element_type3A_92 = arith.fptosi %broadcast_in_dim3A_91 : vector<256x1xf32> to vector<256x1xi32>
    %add3A_93 = vector.broadcast %mul3A_21 : i32 to vector<256x1xi32>
    %add3A_94 = arith.addi %convert_element_type3A_92, %add3A_93 : vector<256x1xi32>
    %swap3A_95 = arith.constant 0 : index
    %swap3A_96 = arith.constant 3 : index
    %swap3A_97 = vector.load %arg5[%swap3A_95, %swap3A_96] : memref<256x8xi32, #tpu.memory_space<vmem>>, vector<256x1xi32>
    tpu.vector_store %arg5[%swap3A_95, %swap3A_96], %add3A_94 {strides = array<i32>} : memref<256x8xi32, #tpu.memory_space<vmem>>, vector<256x1xi32>,
    %eq3A_98 = vector.broadcast %broadcast_in_dim3A_91 : vector<256x1xf32> to vector<256x2048xf32>
    %eq3A_99 = arith.cmpf oeq, %select_n3A_88, %eq3A_98 : vector<256x2048xf32>
    %jit3A_100 = arith.constant 0xFF800000 : f32
    %broadcast_in_dim3A_101 = vector.broadcast %jit3A_100 : f32 to vector<256x2048xf32>
    %select_n3A_102 = arith.select %eq3A_99, %broadcast_in_dim3A_101, %select_n3A_80 : vector<256x2048xi1>, vector<256x2048xf32>
    %reduce_max3A_103 = arith.constant dense<0xFF800000> : vector<256xf32>
    %reduce_max3A_104 = vector.multi_reduction <maximumf>, %select_n3A_102, %reduce_max3A_103 [1] : vector<256x2048xf32> to vector<256xf32>
    %broadcast_in_dim3A_105 = vector.shape_cast %reduce_max3A_104 : vector<256xf32> to vector<256x1xf32>
    %eq3A_106 = vector.broadcast %broadcast_in_dim3A_105 : vector<256x1xf32> to vector<256x2048xf32>
    %eq3A_107 = arith.cmpf oeq, %select_n3A_102, %eq3A_106 : vector<256x2048xf32>
    %jit3A_108 = arith.constant 2.048000e+03 : f32
    %broadcast_in_dim3A_109 = vector.broadcast %jit3A_108 : f32 to vector<256x2048xf32>
    %select_n3A_110 = arith.select %eq3A_107, %convert_element_type3A_19, %broadcast_in_dim3A_109 : vector<256x2048xi1>, vector<256x2048xf32>
    %reduce_min3A_111 = arith.constant dense<0x7F800000> : vector<256xf32>
    %reduce_min3A_112 = vector.multi_reduction <minimumf>, %select_n3A_110, %reduce_min3A_111 [1] : vector<256x2048xf32> to vector<256xf32>
    %broadcast_in_dim3A_113 = vector.shape_cast %reduce_min3A_112 : vector<256xf32> to vector<256x1xf32>
    %convert_element_type3A_114 = arith.fptosi %broadcast_in_dim3A_113 : vector<256x1xf32> to vector<256x1xi32>
    %add3A_115 = vector.broadcast %mul3A_21 : i32 to vector<256x1xi32>
    %add3A_116 = arith.addi %convert_element_type3A_114, %add3A_115 : vector<256x1xi32>
    %swap3A_117 = arith.constant 0 : index
    %swap3A_118 = arith.constant 4 : index
    %swap3A_119 = vector.load %arg5[%swap3A_117, %swap3A_118] : memref<256x8xi32, #tpu.memory_space<vmem>>, vector<256x1xi32>
    tpu.vector_store %arg5[%swap3A_117, %swap3A_118], %add3A_116 {strides = array<i32>} : memref<256x8xi32, #tpu.memory_space<vmem>>, vector<256x1xi32>,
    %eq3A_120 = vector.broadcast %broadcast_in_dim3A_113 : vector<256x1xf32> to vector<256x2048xf32>
    %eq3A_121 = arith.cmpf oeq, %select_n3A_110, %eq3A_120 : vector<256x2048xf32>
    %jit3A_122 = arith.constant 0xFF800000 : f32
    %broadcast_in_dim3A_123 = vector.broadcast %jit3A_122 : f32 to vector<256x2048xf32>
    %select_n3A_124 = arith.select %eq3A_121, %broadcast_in_dim3A_123, %select_n3A_102 : vector<256x2048xi1>, vector<256x2048xf32>
    %reduce_max3A_125 = arith.constant dense<0xFF800000> : vector<256xf32>
    %reduce_max3A_126 = vector.multi_reduction <maximumf>, %select_n3A_124, %reduce_max3A_125 [1] : vector<256x2048xf32> to vector<256xf32>
    %broadcast_in_dim3A_127 = vector.shape_cast %reduce_max3A_126 : vector<256xf32> to vector<256x1xf32>
    %eq3A_128 = vector.broadcast %broadcast_in_dim3A_127 : vector<256x1xf32> to vector<256x2048xf32>
    %eq3A_129 = arith.cmpf oeq, %select_n3A_124, %eq3A_128 : vector<256x2048xf32>
    %jit3A_130 = arith.constant 2.048000e+03 : f32
    %broadcast_in_dim3A_131 = vector.broadcast %jit3A_130 : f32 to vector<256x2048xf32>
    %select_n3A_132 = arith.select %eq3A_129, %convert_element_type3A_19, %broadcast_in_dim3A_131 : vector<256x2048xi1>, vector<256x2048xf32>
    %reduce_min3A_133 = arith.constant dense<0x7F800000> : vector<256xf32>
    %reduce_min3A_134 = vector.multi_reduction <minimumf>, %select_n3A_132, %reduce_min3A_133 [1] : vector<256x2048xf32> to vector<256xf32>
    %broadcast_in_dim3A_135 = vector.shape_cast %reduce_min3A_134 : vector<256xf32> to vector<256x1xf32>
    %convert_element_type3A_136 = arith.fptosi %broadcast_in_dim3A_135 : vector<256x1xf32> to vector<256x1xi32>
    %add3A_137 = vector.broadcast %mul3A_21 : i32 to vector<256x1xi32>
    %add3A_138 = arith.addi %convert_element_type3A_136, %add3A_137 : vector<256x1xi32>
    %swap3A_139 = arith.constant 0 : index
    %swap3A_140 = arith.constant 5 : index
    %swap3A_141 = vector.load %arg5[%swap3A_139, %swap3A_140] : memref<256x8xi32, #tpu.memory_space<vmem>>, vector<256x1xi32>
    tpu.vector_store %arg5[%swap3A_139, %swap3A_140], %add3A_138 {strides = array<i32>} : memref<256x8xi32, #tpu.memory_space<vmem>>, vector<256x1xi32>,
    %eq3A_142 = vector.broadcast %broadcast_in_dim3A_135 : vector<256x1xf32> to vector<256x2048xf32>
    %eq3A_143 = arith.cmpf oeq, %select_n3A_132, %eq3A_142 : vector<256x2048xf32>
    %jit3A_144 = arith.constant 0xFF800000 : f32
    %broadcast_in_dim3A_145 = vector.broadcast %jit3A_144 : f32 to vector<256x2048xf32>
    %select_n3A_146 = arith.select %eq3A_143, %broadcast_in_dim3A_145, %select_n3A_124 : vector<256x2048xi1>, vector<256x2048xf32>
    %reduce_max3A_147 = arith.constant dense<0xFF800000> : vector<256xf32>
    %reduce_max3A_148 = vector.multi_reduction <maximumf>, %select_n3A_146, %reduce_max3A_147 [1] : vector<256x2048xf32> to vector<256xf32>
    %broadcast_in_dim3A_149 = vector.shape_cast %reduce_max3A_148 : vector<256xf32> to vector<256x1xf32>
    %eq3A_150 = vector.broadcast %broadcast_in_dim3A_149 : vector<256x1xf32> to vector<256x2048xf32>
    %eq3A_151 = arith.cmpf oeq, %select_n3A_146, %eq3A_150 : vector<256x2048xf32>
    %jit3A_152 = arith.constant 2.048000e+03 : f32
    %broadcast_in_dim3A_153 = vector.broadcast %jit3A_152 : f32 to vector<256x2048xf32>
    %select_n3A_154 = arith.select %eq3A_151, %convert_element_type3A_19, %broadcast_in_dim3A_153 : vector<256x2048xi1>, vector<256x2048xf32>
    %reduce_min3A_155 = arith.constant dense<0x7F800000> : vector<256xf32>
    %reduce_min3A_156 = vector.multi_reduction <minimumf>, %select_n3A_154, %reduce_min3A_155 [1] : vector<256x2048xf32> to vector<256xf32>
    %broadcast_in_dim3A_157 = vector.shape_cast %reduce_min3A_156 : vector<256xf32> to vector<256x1xf32>
    %convert_element_type3A_158 = arith.fptosi %broadcast_in_dim3A_157 : vector<256x1xf32> to vector<256x1xi32>
    %add3A_159 = vector.broadcast %mul3A_21 : i32 to vector<256x1xi32>
    %add3A_160 = arith.addi %convert_element_type3A_158, %add3A_159 : vector<256x1xi32>
    %swap3A_161 = arith.constant 0 : index
    %swap3A_162 = arith.constant 6 : index
    %swap3A_163 = vector.load %arg5[%swap3A_161, %swap3A_162] : memref<256x8xi32, #tpu.memory_space<vmem>>, vector<256x1xi32>
    tpu.vector_store %arg5[%swap3A_161, %swap3A_162], %add3A_160 {strides = array<i32>} : memref<256x8xi32, #tpu.memory_space<vmem>>, vector<256x1xi32>,
    %eq3A_164 = vector.broadcast %broadcast_in_dim3A_157 : vector<256x1xf32> to vector<256x2048xf32>
    %eq3A_165 = arith.cmpf oeq, %select_n3A_154, %eq3A_164 : vector<256x2048xf32>
    %jit3A_166 = arith.constant 0xFF800000 : f32
    %broadcast_in_dim3A_167 = vector.broadcast %jit3A_166 : f32 to vector<256x2048xf32>
    %select_n3A_168 = arith.select %eq3A_165, %broadcast_in_dim3A_167, %select_n3A_146 : vector<256x2048xi1>, vector<256x2048xf32>
    %reduce_max3A_169 = arith.constant dense<0xFF800000> : vector<256xf32>
    %reduce_max3A_170 = vector.multi_reduction <maximumf>, %select_n3A_168, %reduce_max3A_169 [1] : vector<256x2048xf32> to vector<256xf32>
    %broadcast_in_dim3A_171 = vector.shape_cast %reduce_max3A_170 : vector<256xf32> to vector<256x1xf32>
    %eq3A_172 = vector.broadcast %broadcast_in_dim3A_171 : vector<256x1xf32> to vector<256x2048xf32>
    %eq3A_173 = arith.cmpf oeq, %select_n3A_168, %eq3A_172 : vector<256x2048xf32>
    %jit3A_174 = arith.constant 2.048000e+03 : f32
    %broadcast_in_dim3A_175 = vector.broadcast %jit3A_174 : f32 to vector<256x2048xf32>
    %select_n3A_176 = arith.select %eq3A_173, %convert_element_type3A_19, %broadcast_in_dim3A_175 : vector<256x2048xi1>, vector<256x2048xf32>
    %reduce_min3A_177 = arith.constant dense<0x7F800000> : vector<256xf32>
    %reduce_min3A_178 = vector.multi_reduction <minimumf>, %select_n3A_176, %reduce_min3A_177 [1] : vector<256x2048xf32> to vector<256xf32>
    %broadcast_in_dim3A_179 = vector.shape_cast %reduce_min3A_178 : vector<256xf32> to vector<256x1xf32>
    %convert_element_type3A_180 = arith.fptosi %broadcast_in_dim3A_179 : vector<256x1xf32> to vector<256x1xi32>
    %add3A_181 = vector.broadcast %mul3A_21 : i32 to vector<256x1xi32>
    %add3A_182 = arith.addi %convert_element_type3A_180, %add3A_181 : vector<256x1xi32>
    %swap3A_183 = arith.constant 0 : index
    %swap3A_184 = arith.constant 7 : index
    %swap3A_185 = vector.load %arg5[%swap3A_183, %swap3A_184] : memref<256x8xi32, #tpu.memory_space<vmem>>, vector<256x1xi32>
    tpu.vector_store %arg5[%swap3A_183, %swap3A_184], %add3A_182 {strides = array<i32>} : memref<256x8xi32, #tpu.memory_space<vmem>>, vector<256x1xi32>,
    %convert_element_type3A_186 = arith.truncf %get3A_1 : vector<256x128xf32> to vector<256x128xbf16>
    %get3A_187 = arith.constant 0 : index
    %get3A_188 = arith.constant 0 : index
    %get3A_189 = vector.load %arg4[%get3A_187, %get3A_188] : memref<128x128xbf16, #tpu.memory_space<vmem>>, vector<128x128xbf16>
    %dot_general3A_190 = arith.constant dense<0.000000e+00> : vector<256x128xf32>
    %dot_general3A_191 = tpu.matmul %convert_element_type3A_186, %get3A_189, %dot_general3A_190 {dimension_numbers = #tpu.dot_dimension_numbers<[1], [0], [0], [1], [0, 0, 1, 1], [], []>, transpose_lhs_hint = false} : vector<256x128xbf16>, vector<128x128xbf16>, vector<256x128xf32> -> vector<256x128xf32>
    %swap3A_192 = arith.constant 0 : index
    %swap3A_193 = arith.constant 0 : index
    %swap3A_194 = vector.load %arg6[%swap3A_192, %swap3A_193] : memref<256x128xf32, #tpu.memory_space<vmem>>, vector<256x128xf32>
    tpu.vector_store %arg6[%swap3A_192, %swap3A_193], %dot_general3A_191 {strides = array<i32>} : memref<256x128xf32, #tpu.memory_space<vmem>>, vector<256x128xf32>,
    return
  }
  func.func @transform_0(%arg0: i32, %arg1: i32) -> (i32, i32) {
    %mul3A = arith.constant 8 : i32
    %mul3A_0 = arith.muli %arg0, %mul3A : i32
    %add3A = arith.addi %mul3A_0, %arg1 : i32
    %c0_i32 = arith.constant 0 : i32
    %c0_i32_1 = arith.constant 0 : i32
    return %add3A, %c0_i32 : i32, i32
  }
  func.func @transform_1(%arg0: i32, %arg1: i32) -> (i32, i32) {
    %c0_i32 = arith.constant 0 : i32
    %c0_i32_0 = arith.constant 0 : i32
    return %arg0, %c0_i32 : i32, i32
  }
  func.func @transform_2(%arg0: i32, %arg1: i32) -> (i32, i32) {
    %c0_i32 = arith.constant 0 : i32
    %c0_i32_0 = arith.constant 0 : i32
    %c0_i32_1 = arith.constant 0 : i32
    return %c0_i32, %c0_i32_0 : i32, i32
  }
  func.func @transform_3(%arg0: i32, %arg1: i32) -> (i32, i32) {
    %mul3A = arith.constant 8 : i32
    %mul3A_0 = arith.muli %arg0, %mul3A : i32
    %add3A = arith.addi %mul3A_0, %arg1 : i32
    %c0_i32 = arith.constant 0 : i32
    %c0_i32_1 = arith.constant 0 : i32
    return %add3A, %c0_i32 : i32, i32
  }
  func.func @transform_4(%arg0: i32, %arg1: i32) -> (i32, i32) {
    %mul3A = arith.constant 8 : i32
    %mul3A_0 = arith.muli %arg0, %mul3A : i32
    %add3A = arith.addi %mul3A_0, %arg1 : i32
    %c0_i32 = arith.constant 0 : i32
    %c0_i32_1 = arith.constant 0 : i32
    return %add3A, %c0_i32 : i32, i32
  }
}

module attributes {stable_mosaic.version = 14 : i64} {
  func.func @body(%arg0: i32, %arg1: i32, %arg2: memref<256x128xf32, #tpu.memory_space<vmem>>, %arg3: memref<8x128xf32, #tpu.memory_space<vmem>>, %arg4: memref<256x128xf32, #tpu.memory_space<vmem>>, %arg5: memref<256x128xf32, #tpu.memory_space<vmem>>) attributes {dimension_semantics = [#tpu.dimension_semantics<arbitrary>, #tpu.dimension_semantics<arbitrary>], iteration_bounds = array<i64: 8, 8>, scalar_prefetch = 0 : i64, scratch_operands = 0 : i64, tpu.core_type = #tpu.core_type<tc>, window_params = [{transform_indices = @transform_0, window_bounds = array<i64: 256, 128>}, {pipeline_mode = #tpu.pipeline_mode<synchronous>, transform_indices = @transform_1, window_bounds = array<i64: 8, 128>}, {transform_indices = @transform_2, window_bounds = array<i64: 256, 128>}, {transform_indices = @transform_3, window_bounds = array<i64: 256, 128>}]} {
    %get3A = arith.constant 0 : index
    %get3A_0 = arith.constant 0 : index
    %get3A_1 = vector.load %arg3[%get3A, %get3A_0] : memref<8x128xf32, #tpu.memory_space<vmem>>, vector<8x128xf32>
    %slice3A = vector.extract_strided_slice %get3A_1 {offsets = [0, 0], sizes = [1, 128], strides = [1, 1]} : vector<8x128xf32> to vector<1x128xf32>
    %div3A = arith.constant 1.310720e+05 : f32
    %div3A_2 = vector.broadcast %div3A : f32 to vector<1x128xf32>
    %div3A_3 = arith.divf %slice3A, %div3A_2 : vector<1x128xf32>
    %slice3A_4 = vector.extract_strided_slice %get3A_1 {offsets = [1, 0], sizes = [1, 128], strides = [1, 1]} : vector<8x128xf32> to vector<1x128xf32>
    %div3A_5 = arith.constant 1.310720e+05 : f32
    %div3A_6 = vector.broadcast %div3A_5 : f32 to vector<1x128xf32>
    %div3A_7 = arith.divf %slice3A_4, %div3A_6 : vector<1x128xf32>
    %mul3A = arith.mulf %div3A_3, %div3A_3 : vector<1x128xf32>
    %sub3A = arith.subf %div3A_7, %mul3A : vector<1x128xf32>
    %add3A = arith.constant 9.99999974E-6 : f32
    %add3A_8 = vector.broadcast %add3A : f32 to vector<1x128xf32>
    %add3A_9 = arith.addf %sub3A, %add3A_8 : vector<1x128xf32>
    %rsqrt3A = math.rsqrt %add3A_9 : vector<1x128xf32>
    %get3A_10 = arith.constant 0 : index
    %get3A_11 = arith.constant 0 : index
    %get3A_12 = vector.load %arg2[%get3A_10, %get3A_11] : memref<256x128xf32, #tpu.memory_space<vmem>>, vector<256x128xf32>
    %sub3A_13 = vector.broadcast %div3A_3 : vector<1x128xf32> to vector<256x128xf32>
    %sub3A_14 = arith.subf %get3A_12, %sub3A_13 : vector<256x128xf32>
    %mul3A_15 = vector.broadcast %rsqrt3A : vector<1x128xf32> to vector<256x128xf32>
    %mul3A_16 = arith.mulf %sub3A_14, %mul3A_15 : vector<256x128xf32>
    %ge3A = arith.constant 0.000000e+00 : f32
    %ge3A_17 = vector.broadcast %ge3A : f32 to vector<256x128xf32>
    %ge3A_18 = arith.cmpf oge, %mul3A_16, %ge3A_17 : vector<256x128xf32>
    %mul3A_19 = arith.constant 2.000000e-01 : f32
    %mul3A_20 = vector.broadcast %mul3A_19 : f32 to vector<256x128xf32>
    %mul3A_21 = arith.mulf %mul3A_20, %mul3A_16 : vector<256x128xf32>
    %select_n3A = arith.select %ge3A_18, %mul3A_16, %mul3A_21 : vector<256x128xi1>, vector<256x128xf32>
    %get3A_22 = arith.constant 0 : index
    %get3A_23 = arith.constant 0 : index
    %get3A_24 = vector.load %arg4[%get3A_22, %get3A_23] : memref<256x128xf32, #tpu.memory_space<vmem>>, vector<256x128xf32>
    %add3A_25 = arith.addf %select_n3A, %get3A_24 : vector<256x128xf32>
    %swap3A = arith.constant 0 : index
    %swap3A_26 = arith.constant 0 : index
    %swap3A_27 = vector.load %arg5[%swap3A, %swap3A_26] : memref<256x128xf32, #tpu.memory_space<vmem>>, vector<256x128xf32>
    tpu.vector_store %arg5[%swap3A, %swap3A_26], %add3A_25 {strides = array<i32>} : memref<256x128xf32, #tpu.memory_space<vmem>>, vector<256x128xf32>,
    return
  }
  func.func @transform_0(%arg0: i32, %arg1: i32) -> (i32, i32) {
    %mul3A = arith.constant 8 : i32
    %mul3A_0 = arith.muli %arg0, %mul3A : i32
    %add3A = arith.addi %mul3A_0, %arg1 : i32
    %c0_i32 = arith.constant 0 : i32
    %c0_i32_1 = arith.constant 0 : i32
    return %add3A, %c0_i32 : i32, i32
  }
  func.func @transform_1(%arg0: i32, %arg1: i32) -> (i32, i32) {
    %c0_i32 = arith.constant 0 : i32
    %c0_i32_0 = arith.constant 0 : i32
    %c0_i32_1 = arith.constant 0 : i32
    return %c0_i32, %c0_i32_0 : i32, i32
  }
  func.func @transform_2(%arg0: i32, %arg1: i32) -> (i32, i32) {
    %mul3A = arith.constant 8 : i32
    %mul3A_0 = arith.muli %arg0, %mul3A : i32
    %add3A = arith.addi %mul3A_0, %arg1 : i32
    %c0_i32 = arith.constant 0 : i32
    %c0_i32_1 = arith.constant 0 : i32
    return %add3A, %c0_i32 : i32, i32
  }
  func.func @transform_3(%arg0: i32, %arg1: i32) -> (i32, i32) {
    %mul3A = arith.constant 8 : i32
    %mul3A_0 = arith.muli %arg0, %mul3A : i32
    %add3A = arith.addi %mul3A_0, %arg1 : i32
    %c0_i32 = arith.constant 0 : i32
    %c0_i32_1 = arith.constant 0 : i32
    return %add3A, %c0_i32 : i32, i32
  }
}

module attributes {stable_mosaic.version = 14 : i64} {
  func.func @body(%arg0: i32, %arg1: i32, %arg2: memref<256x128xf32, #tpu.memory_space<vmem>>, %arg3: memref<2048x128xf32, #tpu.memory_space<vmem>>, %arg4: memref<128x256xbf16, #tpu.memory_space<vmem>>, %arg5: memref<256x8xi32, #tpu.memory_space<vmem>>, %arg6: memref<256x256xf32, #tpu.memory_space<vmem>>) attributes {dimension_semantics = [#tpu.dimension_semantics<arbitrary>, #tpu.dimension_semantics<arbitrary>], iteration_bounds = array<i64: 8, 8>, scalar_prefetch = 0 : i64, scratch_operands = 0 : i64, tpu.core_type = #tpu.core_type<tc>, window_params = [{transform_indices = @transform_0, window_bounds = array<i64: 256, 128>}, {transform_indices = @transform_1, window_bounds = array<i64: 2048, 128>}, {pipeline_mode = #tpu.pipeline_mode<synchronous>, transform_indices = @transform_2, window_bounds = array<i64: 128, 256>}, {transform_indices = @transform_3, window_bounds = array<i64: 256, 8>}, {transform_indices = @transform_4, window_bounds = array<i64: 256, 256>}]} {
    %get3A = arith.constant 0 : index
    %get3A_0 = arith.constant 0 : index
    %get3A_1 = vector.load %arg2[%get3A, %get3A_0] : memref<256x128xf32, #tpu.memory_space<vmem>>, vector<256x128xf32>
    %get3A_2 = arith.constant 0 : index
    %get3A_3 = arith.constant 0 : index
    %get3A_4 = vector.load %arg3[%get3A_2, %get3A_3] : memref<2048x128xf32, #tpu.memory_space<vmem>>, vector<2048x128xf32>
    %convert_element_type3A = arith.truncf %get3A_1 : vector<256x128xf32> to vector<256x128xbf16>
    %convert_element_type3A_5 = arith.truncf %get3A_4 : vector<2048x128xf32> to vector<2048x128xbf16>
    %dot_general3A = arith.constant dense<0.000000e+00> : vector<256x2048xf32>
    %dot_general3A_6 = tpu.matmul %convert_element_type3A, %convert_element_type3A_5, %dot_general3A {dimension_numbers = #tpu.dot_dimension_numbers<[1], [1], [0], [0], [0, 0, 1, 0], [], []>, transpose_lhs_hint = false} : vector<256x128xbf16>, vector<2048x128xbf16>, vector<256x2048xf32> -> vector<256x2048xf32>
    %mul3A = arith.mulf %get3A_1, %get3A_1 : vector<256x128xf32>
    %reduce_sum3A = arith.constant dense<0.000000e+00> : vector<256xf32>
    %reduce_sum3A_7 = vector.multi_reduction <add>, %mul3A, %reduce_sum3A [1] : vector<256x128xf32> to vector<256xf32>
    %broadcast_in_dim3A = vector.shape_cast %reduce_sum3A_7 : vector<256xf32> to vector<256x1xf32>
    %broadcast_in_dim3A_8 = arith.constant 1.000000e+00 : f32
    %broadcast_in_dim3A_9 = vector.broadcast %broadcast_in_dim3A_8 : f32 to vector<1x128xf32>
    %mul3A_10 = arith.mulf %get3A_4, %get3A_4 : vector<2048x128xf32>
    %dot_general3A_11 = arith.constant dense<0.000000e+00> : vector<1x2048xf32>
    %dot_general3A_12 = tpu.matmul %broadcast_in_dim3A_9, %mul3A_10, %dot_general3A_11 {dimension_numbers = #tpu.dot_dimension_numbers<[1], [1], [0], [0], [0, 0, 1, 0], [], []>, precision = #tpu.contract_precision<fp32>, transpose_lhs_hint = false} : vector<1x128xf32>, vector<2048x128xf32>, vector<1x2048xf32> -> vector<1x2048xf32>
    %mul3A_13 = arith.constant 2.000000e+00 : f32
    %mul3A_14 = vector.broadcast %mul3A_13 : f32 to vector<256x2048xf32>
    %mul3A_15 = arith.mulf %mul3A_14, %dot_general3A_6 : vector<256x2048xf32>
    %sub3A = vector.broadcast %broadcast_in_dim3A : vector<256x1xf32> to vector<256x2048xf32>
    %sub3A_16 = arith.subf %mul3A_15, %sub3A : vector<256x2048xf32>
    %sub3A_17 = vector.broadcast %dot_general3A_12 : vector<1x2048xf32> to vector<256x2048xf32>
    %sub3A_18 = arith.subf %sub3A_16, %sub3A_17 : vector<256x2048xf32>
    %iota3A = tpu.iota {dimensions = array<i32: 1>} : vector<256x2048xi32>
    %convert_element_type3A_19 = arith.sitofp %iota3A : vector<256x2048xi32> to vector<256x2048xf32>
    %mul3A_20 = arith.constant 2048 : i32
    %mul3A_21 = arith.muli %arg0, %mul3A_20 : i32
    %reduce_max3A = arith.constant dense<0xFF800000> : vector<256xf32>
    %reduce_max3A_22 = vector.multi_reduction <maximumf>, %sub3A_18, %reduce_max3A [1] : vector<256x2048xf32> to vector<256xf32>
    %broadcast_in_dim3A_23 = vector.shape_cast %reduce_max3A_22 : vector<256xf32> to vector<256x1xf32>
    %eq3A = vector.broadcast %broadcast_in_dim3A_23 : vector<256x1xf32> to vector<256x2048xf32>
    %eq3A_24 = arith.cmpf oeq, %sub3A_18, %eq3A : vector<256x2048xf32>
    %jit3A = arith.constant 2.048000e+03 : f32
    %broadcast_in_dim3A_25 = vector.broadcast %jit3A : f32 to vector<256x2048xf32>
    %select_n3A = arith.select %eq3A_24, %convert_element_type3A_19, %broadcast_in_dim3A_25 : vector<256x2048xi1>, vector<256x2048xf32>
    %reduce_min3A = arith.constant dense<0x7F800000> : vector<256xf32>
    %reduce_min3A_26 = vector.multi_reduction <minimumf>, %select_n3A, %reduce_min3A [1] : vector<256x2048xf32> to vector<256xf32>
    %broadcast_in_dim3A_27 = vector.shape_cast %reduce_min3A_26 : vector<256xf32> to vector<256x1xf32>
    %convert_element_type3A_28 = arith.fptosi %broadcast_in_dim3A_27 : vector<256x1xf32> to vector<256x1xi32>
    %add3A = vector.broadcast %mul3A_21 : i32 to vector<256x1xi32>
    %add3A_29 = arith.addi %convert_element_type3A_28, %add3A : vector<256x1xi32>
    %swap3A = arith.constant 0 : index
    %swap3A_30 = arith.constant 0 : index
    %swap3A_31 = vector.load %arg5[%swap3A, %swap3A_30] : memref<256x8xi32, #tpu.memory_space<vmem>>, vector<256x1xi32>
    tpu.vector_store %arg5[%swap3A, %swap3A_30], %add3A_29 {strides = array<i32>} : memref<256x8xi32, #tpu.memory_space<vmem>>, vector<256x1xi32>,
    %eq3A_32 = vector.broadcast %broadcast_in_dim3A_27 : vector<256x1xf32> to vector<256x2048xf32>
    %eq3A_33 = arith.cmpf oeq, %select_n3A, %eq3A_32 : vector<256x2048xf32>
    %jit3A_34 = arith.constant 0xFF800000 : f32
    %broadcast_in_dim3A_35 = vector.broadcast %jit3A_34 : f32 to vector<256x2048xf32>
    %select_n3A_36 = arith.select %eq3A_33, %broadcast_in_dim3A_35, %sub3A_18 : vector<256x2048xi1>, vector<256x2048xf32>
    %reduce_max3A_37 = arith.constant dense<0xFF800000> : vector<256xf32>
    %reduce_max3A_38 = vector.multi_reduction <maximumf>, %select_n3A_36, %reduce_max3A_37 [1] : vector<256x2048xf32> to vector<256xf32>
    %broadcast_in_dim3A_39 = vector.shape_cast %reduce_max3A_38 : vector<256xf32> to vector<256x1xf32>
    %eq3A_40 = vector.broadcast %broadcast_in_dim3A_39 : vector<256x1xf32> to vector<256x2048xf32>
    %eq3A_41 = arith.cmpf oeq, %select_n3A_36, %eq3A_40 : vector<256x2048xf32>
    %jit3A_42 = arith.constant 2.048000e+03 : f32
    %broadcast_in_dim3A_43 = vector.broadcast %jit3A_42 : f32 to vector<256x2048xf32>
    %select_n3A_44 = arith.select %eq3A_41, %convert_element_type3A_19, %broadcast_in_dim3A_43 : vector<256x2048xi1>, vector<256x2048xf32>
    %reduce_min3A_45 = arith.constant dense<0x7F800000> : vector<256xf32>
    %reduce_min3A_46 = vector.multi_reduction <minimumf>, %select_n3A_44, %reduce_min3A_45 [1] : vector<256x2048xf32> to vector<256xf32>
    %broadcast_in_dim3A_47 = vector.shape_cast %reduce_min3A_46 : vector<256xf32> to vector<256x1xf32>
    %convert_element_type3A_48 = arith.fptosi %broadcast_in_dim3A_47 : vector<256x1xf32> to vector<256x1xi32>
    %add3A_49 = vector.broadcast %mul3A_21 : i32 to vector<256x1xi32>
    %add3A_50 = arith.addi %convert_element_type3A_48, %add3A_49 : vector<256x1xi32>
    %swap3A_51 = arith.constant 0 : index
    %swap3A_52 = arith.constant 1 : index
    %swap3A_53 = vector.load %arg5[%swap3A_51, %swap3A_52] : memref<256x8xi32, #tpu.memory_space<vmem>>, vector<256x1xi32>
    tpu.vector_store %arg5[%swap3A_51, %swap3A_52], %add3A_50 {strides = array<i32>} : memref<256x8xi32, #tpu.memory_space<vmem>>, vector<256x1xi32>,
    %eq3A_54 = vector.broadcast %broadcast_in_dim3A_47 : vector<256x1xf32> to vector<256x2048xf32>
    %eq3A_55 = arith.cmpf oeq, %select_n3A_44, %eq3A_54 : vector<256x2048xf32>
    %jit3A_56 = arith.constant 0xFF800000 : f32
    %broadcast_in_dim3A_57 = vector.broadcast %jit3A_56 : f32 to vector<256x2048xf32>
    %select_n3A_58 = arith.select %eq3A_55, %broadcast_in_dim3A_57, %select_n3A_36 : vector<256x2048xi1>, vector<256x2048xf32>
    %reduce_max3A_59 = arith.constant dense<0xFF800000> : vector<256xf32>
    %reduce_max3A_60 = vector.multi_reduction <maximumf>, %select_n3A_58, %reduce_max3A_59 [1] : vector<256x2048xf32> to vector<256xf32>
    %broadcast_in_dim3A_61 = vector.shape_cast %reduce_max3A_60 : vector<256xf32> to vector<256x1xf32>
    %eq3A_62 = vector.broadcast %broadcast_in_dim3A_61 : vector<256x1xf32> to vector<256x2048xf32>
    %eq3A_63 = arith.cmpf oeq, %select_n3A_58, %eq3A_62 : vector<256x2048xf32>
    %jit3A_64 = arith.constant 2.048000e+03 : f32
    %broadcast_in_dim3A_65 = vector.broadcast %jit3A_64 : f32 to vector<256x2048xf32>
    %select_n3A_66 = arith.select %eq3A_63, %convert_element_type3A_19, %broadcast_in_dim3A_65 : vector<256x2048xi1>, vector<256x2048xf32>
    %reduce_min3A_67 = arith.constant dense<0x7F800000> : vector<256xf32>
    %reduce_min3A_68 = vector.multi_reduction <minimumf>, %select_n3A_66, %reduce_min3A_67 [1] : vector<256x2048xf32> to vector<256xf32>
    %broadcast_in_dim3A_69 = vector.shape_cast %reduce_min3A_68 : vector<256xf32> to vector<256x1xf32>
    %convert_element_type3A_70 = arith.fptosi %broadcast_in_dim3A_69 : vector<256x1xf32> to vector<256x1xi32>
    %add3A_71 = vector.broadcast %mul3A_21 : i32 to vector<256x1xi32>
    %add3A_72 = arith.addi %convert_element_type3A_70, %add3A_71 : vector<256x1xi32>
    %swap3A_73 = arith.constant 0 : index
    %swap3A_74 = arith.constant 2 : index
    %swap3A_75 = vector.load %arg5[%swap3A_73, %swap3A_74] : memref<256x8xi32, #tpu.memory_space<vmem>>, vector<256x1xi32>
    tpu.vector_store %arg5[%swap3A_73, %swap3A_74], %add3A_72 {strides = array<i32>} : memref<256x8xi32, #tpu.memory_space<vmem>>, vector<256x1xi32>,
    %eq3A_76 = vector.broadcast %broadcast_in_dim3A_69 : vector<256x1xf32> to vector<256x2048xf32>
    %eq3A_77 = arith.cmpf oeq, %select_n3A_66, %eq3A_76 : vector<256x2048xf32>
    %jit3A_78 = arith.constant 0xFF800000 : f32
    %broadcast_in_dim3A_79 = vector.broadcast %jit3A_78 : f32 to vector<256x2048xf32>
    %select_n3A_80 = arith.select %eq3A_77, %broadcast_in_dim3A_79, %select_n3A_58 : vector<256x2048xi1>, vector<256x2048xf32>
    %reduce_max3A_81 = arith.constant dense<0xFF800000> : vector<256xf32>
    %reduce_max3A_82 = vector.multi_reduction <maximumf>, %select_n3A_80, %reduce_max3A_81 [1] : vector<256x2048xf32> to vector<256xf32>
    %broadcast_in_dim3A_83 = vector.shape_cast %reduce_max3A_82 : vector<256xf32> to vector<256x1xf32>
    %eq3A_84 = vector.broadcast %broadcast_in_dim3A_83 : vector<256x1xf32> to vector<256x2048xf32>
    %eq3A_85 = arith.cmpf oeq, %select_n3A_80, %eq3A_84 : vector<256x2048xf32>
    %jit3A_86 = arith.constant 2.048000e+03 : f32
    %broadcast_in_dim3A_87 = vector.broadcast %jit3A_86 : f32 to vector<256x2048xf32>
    %select_n3A_88 = arith.select %eq3A_85, %convert_element_type3A_19, %broadcast_in_dim3A_87 : vector<256x2048xi1>, vector<256x2048xf32>
    %reduce_min3A_89 = arith.constant dense<0x7F800000> : vector<256xf32>
    %reduce_min3A_90 = vector.multi_reduction <minimumf>, %select_n3A_88, %reduce_min3A_89 [1] : vector<256x2048xf32> to vector<256xf32>
    %broadcast_in_dim3A_91 = vector.shape_cast %reduce_min3A_90 : vector<256xf32> to vector<256x1xf32>
    %convert_element_type3A_92 = arith.fptosi %broadcast_in_dim3A_91 : vector<256x1xf32> to vector<256x1xi32>
    %add3A_93 = vector.broadcast %mul3A_21 : i32 to vector<256x1xi32>
    %add3A_94 = arith.addi %convert_element_type3A_92, %add3A_93 : vector<256x1xi32>
    %swap3A_95 = arith.constant 0 : index
    %swap3A_96 = arith.constant 3 : index
    %swap3A_97 = vector.load %arg5[%swap3A_95, %swap3A_96] : memref<256x8xi32, #tpu.memory_space<vmem>>, vector<256x1xi32>
    tpu.vector_store %arg5[%swap3A_95, %swap3A_96], %add3A_94 {strides = array<i32>} : memref<256x8xi32, #tpu.memory_space<vmem>>, vector<256x1xi32>,
    %eq3A_98 = vector.broadcast %broadcast_in_dim3A_91 : vector<256x1xf32> to vector<256x2048xf32>
    %eq3A_99 = arith.cmpf oeq, %select_n3A_88, %eq3A_98 : vector<256x2048xf32>
    %jit3A_100 = arith.constant 0xFF800000 : f32
    %broadcast_in_dim3A_101 = vector.broadcast %jit3A_100 : f32 to vector<256x2048xf32>
    %select_n3A_102 = arith.select %eq3A_99, %broadcast_in_dim3A_101, %select_n3A_80 : vector<256x2048xi1>, vector<256x2048xf32>
    %reduce_max3A_103 = arith.constant dense<0xFF800000> : vector<256xf32>
    %reduce_max3A_104 = vector.multi_reduction <maximumf>, %select_n3A_102, %reduce_max3A_103 [1] : vector<256x2048xf32> to vector<256xf32>
    %broadcast_in_dim3A_105 = vector.shape_cast %reduce_max3A_104 : vector<256xf32> to vector<256x1xf32>
    %eq3A_106 = vector.broadcast %broadcast_in_dim3A_105 : vector<256x1xf32> to vector<256x2048xf32>
    %eq3A_107 = arith.cmpf oeq, %select_n3A_102, %eq3A_106 : vector<256x2048xf32>
    %jit3A_108 = arith.constant 2.048000e+03 : f32
    %broadcast_in_dim3A_109 = vector.broadcast %jit3A_108 : f32 to vector<256x2048xf32>
    %select_n3A_110 = arith.select %eq3A_107, %convert_element_type3A_19, %broadcast_in_dim3A_109 : vector<256x2048xi1>, vector<256x2048xf32>
    %reduce_min3A_111 = arith.constant dense<0x7F800000> : vector<256xf32>
    %reduce_min3A_112 = vector.multi_reduction <minimumf>, %select_n3A_110, %reduce_min3A_111 [1] : vector<256x2048xf32> to vector<256xf32>
    %broadcast_in_dim3A_113 = vector.shape_cast %reduce_min3A_112 : vector<256xf32> to vector<256x1xf32>
    %convert_element_type3A_114 = arith.fptosi %broadcast_in_dim3A_113 : vector<256x1xf32> to vector<256x1xi32>
    %add3A_115 = vector.broadcast %mul3A_21 : i32 to vector<256x1xi32>
    %add3A_116 = arith.addi %convert_element_type3A_114, %add3A_115 : vector<256x1xi32>
    %swap3A_117 = arith.constant 0 : index
    %swap3A_118 = arith.constant 4 : index
    %swap3A_119 = vector.load %arg5[%swap3A_117, %swap3A_118] : memref<256x8xi32, #tpu.memory_space<vmem>>, vector<256x1xi32>
    tpu.vector_store %arg5[%swap3A_117, %swap3A_118], %add3A_116 {strides = array<i32>} : memref<256x8xi32, #tpu.memory_space<vmem>>, vector<256x1xi32>,
    %eq3A_120 = vector.broadcast %broadcast_in_dim3A_113 : vector<256x1xf32> to vector<256x2048xf32>
    %eq3A_121 = arith.cmpf oeq, %select_n3A_110, %eq3A_120 : vector<256x2048xf32>
    %jit3A_122 = arith.constant 0xFF800000 : f32
    %broadcast_in_dim3A_123 = vector.broadcast %jit3A_122 : f32 to vector<256x2048xf32>
    %select_n3A_124 = arith.select %eq3A_121, %broadcast_in_dim3A_123, %select_n3A_102 : vector<256x2048xi1>, vector<256x2048xf32>
    %reduce_max3A_125 = arith.constant dense<0xFF800000> : vector<256xf32>
    %reduce_max3A_126 = vector.multi_reduction <maximumf>, %select_n3A_124, %reduce_max3A_125 [1] : vector<256x2048xf32> to vector<256xf32>
    %broadcast_in_dim3A_127 = vector.shape_cast %reduce_max3A_126 : vector<256xf32> to vector<256x1xf32>
    %eq3A_128 = vector.broadcast %broadcast_in_dim3A_127 : vector<256x1xf32> to vector<256x2048xf32>
    %eq3A_129 = arith.cmpf oeq, %select_n3A_124, %eq3A_128 : vector<256x2048xf32>
    %jit3A_130 = arith.constant 2.048000e+03 : f32
    %broadcast_in_dim3A_131 = vector.broadcast %jit3A_130 : f32 to vector<256x2048xf32>
    %select_n3A_132 = arith.select %eq3A_129, %convert_element_type3A_19, %broadcast_in_dim3A_131 : vector<256x2048xi1>, vector<256x2048xf32>
    %reduce_min3A_133 = arith.constant dense<0x7F800000> : vector<256xf32>
    %reduce_min3A_134 = vector.multi_reduction <minimumf>, %select_n3A_132, %reduce_min3A_133 [1] : vector<256x2048xf32> to vector<256xf32>
    %broadcast_in_dim3A_135 = vector.shape_cast %reduce_min3A_134 : vector<256xf32> to vector<256x1xf32>
    %convert_element_type3A_136 = arith.fptosi %broadcast_in_dim3A_135 : vector<256x1xf32> to vector<256x1xi32>
    %add3A_137 = vector.broadcast %mul3A_21 : i32 to vector<256x1xi32>
    %add3A_138 = arith.addi %convert_element_type3A_136, %add3A_137 : vector<256x1xi32>
    %swap3A_139 = arith.constant 0 : index
    %swap3A_140 = arith.constant 5 : index
    %swap3A_141 = vector.load %arg5[%swap3A_139, %swap3A_140] : memref<256x8xi32, #tpu.memory_space<vmem>>, vector<256x1xi32>
    tpu.vector_store %arg5[%swap3A_139, %swap3A_140], %add3A_138 {strides = array<i32>} : memref<256x8xi32, #tpu.memory_space<vmem>>, vector<256x1xi32>,
    %eq3A_142 = vector.broadcast %broadcast_in_dim3A_135 : vector<256x1xf32> to vector<256x2048xf32>
    %eq3A_143 = arith.cmpf oeq, %select_n3A_132, %eq3A_142 : vector<256x2048xf32>
    %jit3A_144 = arith.constant 0xFF800000 : f32
    %broadcast_in_dim3A_145 = vector.broadcast %jit3A_144 : f32 to vector<256x2048xf32>
    %select_n3A_146 = arith.select %eq3A_143, %broadcast_in_dim3A_145, %select_n3A_124 : vector<256x2048xi1>, vector<256x2048xf32>
    %reduce_max3A_147 = arith.constant dense<0xFF800000> : vector<256xf32>
    %reduce_max3A_148 = vector.multi_reduction <maximumf>, %select_n3A_146, %reduce_max3A_147 [1] : vector<256x2048xf32> to vector<256xf32>
    %broadcast_in_dim3A_149 = vector.shape_cast %reduce_max3A_148 : vector<256xf32> to vector<256x1xf32>
    %eq3A_150 = vector.broadcast %broadcast_in_dim3A_149 : vector<256x1xf32> to vector<256x2048xf32>
    %eq3A_151 = arith.cmpf oeq, %select_n3A_146, %eq3A_150 : vector<256x2048xf32>
    %jit3A_152 = arith.constant 2.048000e+03 : f32
    %broadcast_in_dim3A_153 = vector.broadcast %jit3A_152 : f32 to vector<256x2048xf32>
    %select_n3A_154 = arith.select %eq3A_151, %convert_element_type3A_19, %broadcast_in_dim3A_153 : vector<256x2048xi1>, vector<256x2048xf32>
    %reduce_min3A_155 = arith.constant dense<0x7F800000> : vector<256xf32>
    %reduce_min3A_156 = vector.multi_reduction <minimumf>, %select_n3A_154, %reduce_min3A_155 [1] : vector<256x2048xf32> to vector<256xf32>
    %broadcast_in_dim3A_157 = vector.shape_cast %reduce_min3A_156 : vector<256xf32> to vector<256x1xf32>
    %convert_element_type3A_158 = arith.fptosi %broadcast_in_dim3A_157 : vector<256x1xf32> to vector<256x1xi32>
    %add3A_159 = vector.broadcast %mul3A_21 : i32 to vector<256x1xi32>
    %add3A_160 = arith.addi %convert_element_type3A_158, %add3A_159 : vector<256x1xi32>
    %swap3A_161 = arith.constant 0 : index
    %swap3A_162 = arith.constant 6 : index
    %swap3A_163 = vector.load %arg5[%swap3A_161, %swap3A_162] : memref<256x8xi32, #tpu.memory_space<vmem>>, vector<256x1xi32>
    tpu.vector_store %arg5[%swap3A_161, %swap3A_162], %add3A_160 {strides = array<i32>} : memref<256x8xi32, #tpu.memory_space<vmem>>, vector<256x1xi32>,
    %eq3A_164 = vector.broadcast %broadcast_in_dim3A_157 : vector<256x1xf32> to vector<256x2048xf32>
    %eq3A_165 = arith.cmpf oeq, %select_n3A_154, %eq3A_164 : vector<256x2048xf32>
    %jit3A_166 = arith.constant 0xFF800000 : f32
    %broadcast_in_dim3A_167 = vector.broadcast %jit3A_166 : f32 to vector<256x2048xf32>
    %select_n3A_168 = arith.select %eq3A_165, %broadcast_in_dim3A_167, %select_n3A_146 : vector<256x2048xi1>, vector<256x2048xf32>
    %reduce_max3A_169 = arith.constant dense<0xFF800000> : vector<256xf32>
    %reduce_max3A_170 = vector.multi_reduction <maximumf>, %select_n3A_168, %reduce_max3A_169 [1] : vector<256x2048xf32> to vector<256xf32>
    %broadcast_in_dim3A_171 = vector.shape_cast %reduce_max3A_170 : vector<256xf32> to vector<256x1xf32>
    %eq3A_172 = vector.broadcast %broadcast_in_dim3A_171 : vector<256x1xf32> to vector<256x2048xf32>
    %eq3A_173 = arith.cmpf oeq, %select_n3A_168, %eq3A_172 : vector<256x2048xf32>
    %jit3A_174 = arith.constant 2.048000e+03 : f32
    %broadcast_in_dim3A_175 = vector.broadcast %jit3A_174 : f32 to vector<256x2048xf32>
    %select_n3A_176 = arith.select %eq3A_173, %convert_element_type3A_19, %broadcast_in_dim3A_175 : vector<256x2048xi1>, vector<256x2048xf32>
    %reduce_min3A_177 = arith.constant dense<0x7F800000> : vector<256xf32>
    %reduce_min3A_178 = vector.multi_reduction <minimumf>, %select_n3A_176, %reduce_min3A_177 [1] : vector<256x2048xf32> to vector<256xf32>
    %broadcast_in_dim3A_179 = vector.shape_cast %reduce_min3A_178 : vector<256xf32> to vector<256x1xf32>
    %convert_element_type3A_180 = arith.fptosi %broadcast_in_dim3A_179 : vector<256x1xf32> to vector<256x1xi32>
    %add3A_181 = vector.broadcast %mul3A_21 : i32 to vector<256x1xi32>
    %add3A_182 = arith.addi %convert_element_type3A_180, %add3A_181 : vector<256x1xi32>
    %swap3A_183 = arith.constant 0 : index
    %swap3A_184 = arith.constant 7 : index
    %swap3A_185 = vector.load %arg5[%swap3A_183, %swap3A_184] : memref<256x8xi32, #tpu.memory_space<vmem>>, vector<256x1xi32>
    tpu.vector_store %arg5[%swap3A_183, %swap3A_184], %add3A_182 {strides = array<i32>} : memref<256x8xi32, #tpu.memory_space<vmem>>, vector<256x1xi32>,
    %convert_element_type3A_186 = arith.truncf %get3A_1 : vector<256x128xf32> to vector<256x128xbf16>
    %get3A_187 = arith.constant 0 : index
    %get3A_188 = arith.constant 0 : index
    %get3A_189 = vector.load %arg4[%get3A_187, %get3A_188] : memref<128x256xbf16, #tpu.memory_space<vmem>>, vector<128x256xbf16>
    %dot_general3A_190 = arith.constant dense<0.000000e+00> : vector<256x256xf32>
    %dot_general3A_191 = tpu.matmul %convert_element_type3A_186, %get3A_189, %dot_general3A_190 {dimension_numbers = #tpu.dot_dimension_numbers<[1], [0], [0], [1], [0, 0, 1, 1], [], []>, transpose_lhs_hint = false} : vector<256x128xbf16>, vector<128x256xbf16>, vector<256x256xf32> -> vector<256x256xf32>
    %swap3A_192 = arith.constant 0 : index
    %swap3A_193 = arith.constant 0 : index
    %swap3A_194 = vector.load %arg6[%swap3A_192, %swap3A_193] : memref<256x256xf32, #tpu.memory_space<vmem>>, vector<256x256xf32>
    tpu.vector_store %arg6[%swap3A_192, %swap3A_193], %dot_general3A_191 {strides = array<i32>} : memref<256x256xf32, #tpu.memory_space<vmem>>, vector<256x256xf32>,
    return
  }
  func.func @transform_0(%arg0: i32, %arg1: i32) -> (i32, i32) {
    %mul3A = arith.constant 8 : i32
    %mul3A_0 = arith.muli %arg0, %mul3A : i32
    %add3A = arith.addi %mul3A_0, %arg1 : i32
    %c0_i32 = arith.constant 0 : i32
    %c0_i32_1 = arith.constant 0 : i32
    return %add3A, %c0_i32 : i32, i32
  }
  func.func @transform_1(%arg0: i32, %arg1: i32) -> (i32, i32) {
    %c0_i32 = arith.constant 0 : i32
    %c0_i32_0 = arith.constant 0 : i32
    return %arg0, %c0_i32 : i32, i32
  }
  func.func @transform_2(%arg0: i32, %arg1: i32) -> (i32, i32) {
    %c0_i32 = arith.constant 0 : i32
    %c0_i32_0 = arith.constant 0 : i32
    %c0_i32_1 = arith.constant 0 : i32
    return %c0_i32, %c0_i32_0 : i32, i32
  }
  func.func @transform_3(%arg0: i32, %arg1: i32) -> (i32, i32) {
    %mul3A = arith.constant 8 : i32
    %mul3A_0 = arith.muli %arg0, %mul3A : i32
    %add3A = arith.addi %mul3A_0, %arg1 : i32
    %c0_i32 = arith.constant 0 : i32
    %c0_i32_1 = arith.constant 0 : i32
    return %add3A, %c0_i32 : i32, i32
  }
  func.func @transform_4(%arg0: i32, %arg1: i32) -> (i32, i32) {
    %mul3A = arith.constant 8 : i32
    %mul3A_0 = arith.muli %arg0, %mul3A : i32
    %add3A = arith.addi %mul3A_0, %arg1 : i32
    %c0_i32 = arith.constant 0 : i32
    %c0_i32_1 = arith.constant 0 : i32
    return %add3A, %c0_i32 : i32, i32
  }
}

module attributes {stable_mosaic.version = 14 : i64} {
  func.func @body(%arg0: i32, %arg1: i32, %arg2: memref<2048x128xf32, #tpu.memory_space<vmem>>, %arg3: memref<256x128xf32, #tpu.memory_space<vmem>>, %arg4: memref<256x256xbf16, #tpu.memory_space<vmem>>, %arg5: memref<256x256xf32, #tpu.memory_space<vmem>>, %arg6: memref<8x256xf32, #tpu.memory_space<vmem>>) attributes {dimension_semantics = [#tpu.dimension_semantics<arbitrary>, #tpu.dimension_semantics<arbitrary>], iteration_bounds = array<i64: 8, 8>, scalar_prefetch = 0 : i64, scratch_operands = 0 : i64, tpu.core_type = #tpu.core_type<tc>, window_params = [{transform_indices = @transform_0, window_bounds = array<i64: 2048, 128>}, {transform_indices = @transform_1, window_bounds = array<i64: 256, 128>}, {pipeline_mode = #tpu.pipeline_mode<synchronous>, transform_indices = @transform_2, window_bounds = array<i64: 256, 256>}, {transform_indices = @transform_3, window_bounds = array<i64: 256, 256>}, {pipeline_mode = #tpu.pipeline_mode<synchronous>, transform_indices = @transform_4, window_bounds = array<i64: 8, 256>}]} {
    %get3A = arith.constant 0 : index
    %get3A_0 = arith.constant 0 : index
    %get3A_1 = vector.load %arg3[%get3A, %get3A_0] : memref<256x128xf32, #tpu.memory_space<vmem>>, vector<256x128xf32>
    %broadcast_in_dim3A = vector.shape_cast %get3A_1 : vector<256x128xf32> to vector<256x1x128xf32>
    %broadcast_in_dim3A_2 = vector.shape_cast %broadcast_in_dim3A : vector<256x1x128xf32> to vector<256x1x128xf32>
    %broadcast_in_dim3A_3 = vector.broadcast %broadcast_in_dim3A_2 : vector<256x1x128xf32> to vector<256x8x128xf32>
    %reshape3A = vector.shape_cast %broadcast_in_dim3A_3 : vector<256x8x128xf32> to vector<2048x128xf32>
    %get3A_4 = arith.constant 0 : index
    %get3A_5 = arith.constant 0 : index
    %get3A_6 = vector.load %arg2[%get3A_4, %get3A_5] : memref<2048x128xf32, #tpu.memory_space<vmem>>, vector<2048x128xf32>
    %sub3A = arith.subf %get3A_6, %reshape3A : vector<2048x128xf32>
    %convert_element_type3A = arith.truncf %sub3A : vector<2048x128xf32> to vector<2048x128xbf16>
    %convert_element_type3A_7 = arith.truncf %reshape3A : vector<2048x128xf32> to vector<2048x128xbf16>
    %concatenate3A = tpu.concatenate %convert_element_type3A, %convert_element_type3A_7 in 1 : vector<2048x128xbf16>, vector<2048x128xbf16> -> vector<2048x256xbf16>
    %get3A_8 = arith.constant 0 : index
    %get3A_9 = arith.constant 0 : index
    %get3A_10 = vector.load %arg4[%get3A_8, %get3A_9] : memref<256x256xbf16, #tpu.memory_space<vmem>>, vector<256x256xbf16>
    %dot_general3A = arith.constant dense<0.000000e+00> : vector<2048x256xf32>
    %dot_general3A_11 = tpu.matmul %concatenate3A, %get3A_10, %dot_general3A {dimension_numbers = #tpu.dot_dimension_numbers<[1], [0], [0], [1], [0, 0, 1, 1], [], []>, transpose_lhs_hint = false} : vector<2048x256xbf16>, vector<256x256xbf16>, vector<2048x256xf32> -> vector<2048x256xf32>
    %reshape3A_12 = vector.shape_cast %dot_general3A_11 : vector<2048x256xf32> to vector<256x8x256xf32>
    %reduce_max3A = arith.constant dense<0xFF800000> : vector<256x256xf32>
    %reduce_max3A_13 = vector.multi_reduction <maximumf>, %reshape3A_12, %reduce_max3A [1] : vector<256x8x256xf32> to vector<256x256xf32>
    %swap3A = arith.constant 0 : index
    %swap3A_14 = arith.constant 0 : index
    %swap3A_15 = vector.load %arg5[%swap3A, %swap3A_14] : memref<256x256xf32, #tpu.memory_space<vmem>>, vector<256x256xf32>
    tpu.vector_store %arg5[%swap3A, %swap3A_14], %reduce_max3A_13 {strides = array<i32>} : memref<256x256xf32, #tpu.memory_space<vmem>>, vector<256x256xf32>,
    %reduce_sum3A = arith.constant dense<0.000000e+00> : vector<256xf32>
    %reduce_sum3A_16 = vector.multi_reduction <add>, %dot_general3A_11, %reduce_sum3A [0] : vector<2048x256xf32> to vector<256xf32>
    %broadcast_in_dim3A_17 = vector.shape_cast %reduce_sum3A_16 : vector<256xf32> to vector<1x256xf32>
    %mul3A = arith.mulf %dot_general3A_11, %dot_general3A_11 : vector<2048x256xf32>
    %reduce_sum3A_18 = arith.constant dense<0.000000e+00> : vector<256xf32>
    %reduce_sum3A_19 = vector.multi_reduction <add>, %mul3A, %reduce_sum3A_18 [0] : vector<2048x256xf32> to vector<256xf32>
    %broadcast_in_dim3A_20 = vector.shape_cast %reduce_sum3A_19 : vector<256xf32> to vector<1x256xf32>
    %broadcast_in_dim3A_21 = arith.constant 0.000000e+00 : f32
    %broadcast_in_dim3A_22 = vector.broadcast %broadcast_in_dim3A_21 : f32 to vector<6x256xf32>
    %concatenate3A_23 = tpu.concatenate %broadcast_in_dim3A_17, %broadcast_in_dim3A_20, %broadcast_in_dim3A_22 in 0 : vector<1x256xf32>, vector<1x256xf32>, vector<6x256xf32> -> vector<8x256xf32>
    %eq3A = arith.constant 0 : i32
    %eq3A_24 = arith.cmpi eq, %arg0, %eq3A : i32
    %eq3A_25 = arith.constant 0 : i32
    %eq3A_26 = arith.cmpi eq, %arg1, %eq3A_25 : i32
    %and3A = arith.andi %eq3A_24, %eq3A_26 : i1
    %convert_element_type3A_27 = arith.extui %and3A : i1 to i32
    %cond3A = arith.constant 0 : i32
    %cond3A_28 = arith.cmpi ne, %convert_element_type3A_27, %cond3A : i32
    scf.if %cond3A_28 {
      %swap3A_33 = arith.constant 0 : index
      %swap3A_34 = arith.constant 0 : index
      %swap3A_35 = vector.load %arg6[%swap3A_33, %swap3A_34] : memref<8x256xf32, #tpu.memory_space<vmem>>, vector<8x256xf32>
      tpu.vector_store %arg6[%swap3A_33, %swap3A_34], %concatenate3A_23 {strides = array<i32>} : memref<8x256xf32, #tpu.memory_space<vmem>>, vector<8x256xf32>,
    } else {
    }
    %not3A = arith.constant true
    %not3A_29 = arith.xori %and3A, %not3A : i1
    %convert_element_type3A_30 = arith.extui %not3A_29 : i1 to i32
    %cond3A_31 = arith.constant 0 : i32
    %cond3A_32 = arith.cmpi ne, %convert_element_type3A_30, %cond3A_31 : i32
    scf.if %cond3A_32 {
      %get3A_33 = arith.constant 0 : index
      %get3A_34 = arith.constant 0 : index
      %get3A_35 = vector.load %arg6[%get3A_33, %get3A_34] : memref<8x256xf32, #tpu.memory_space<vmem>>, vector<8x256xf32>
      %add3A = arith.addf %get3A_35, %concatenate3A_23 : vector<8x256xf32>
      %swap3A_36 = arith.constant 0 : index
      %swap3A_37 = arith.constant 0 : index
      %swap3A_38 = vector.load %arg6[%swap3A_36, %swap3A_37] : memref<8x256xf32, #tpu.memory_space<vmem>>, vector<8x256xf32>
      tpu.vector_store %arg6[%swap3A_36, %swap3A_37], %add3A {strides = array<i32>} : memref<8x256xf32, #tpu.memory_space<vmem>>, vector<8x256xf32>,
    } else {
    }
    return
  }
  func.func @transform_0(%arg0: i32, %arg1: i32) -> (i32, i32) {
    %mul3A = arith.constant 8 : i32
    %mul3A_0 = arith.muli %arg0, %mul3A : i32
    %add3A = arith.addi %mul3A_0, %arg1 : i32
    %c0_i32 = arith.constant 0 : i32
    %c0_i32_1 = arith.constant 0 : i32
    return %add3A, %c0_i32 : i32, i32
  }
  func.func @transform_1(%arg0: i32, %arg1: i32) -> (i32, i32) {
    %mul3A = arith.constant 8 : i32
    %mul3A_0 = arith.muli %arg0, %mul3A : i32
    %add3A = arith.addi %mul3A_0, %arg1 : i32
    %c0_i32 = arith.constant 0 : i32
    %c0_i32_1 = arith.constant 0 : i32
    return %add3A, %c0_i32 : i32, i32
  }
  func.func @transform_2(%arg0: i32, %arg1: i32) -> (i32, i32) {
    %c0_i32 = arith.constant 0 : i32
    %c0_i32_0 = arith.constant 0 : i32
    %c0_i32_1 = arith.constant 0 : i32
    return %c0_i32, %c0_i32_0 : i32, i32
  }
  func.func @transform_3(%arg0: i32, %arg1: i32) -> (i32, i32) {
    %mul3A = arith.constant 8 : i32
    %mul3A_0 = arith.muli %arg0, %mul3A : i32
    %add3A = arith.addi %mul3A_0, %arg1 : i32
    %c0_i32 = arith.constant 0 : i32
    %c0_i32_1 = arith.constant 0 : i32
    return %add3A, %c0_i32 : i32, i32
  }
  func.func @transform_4(%arg0: i32, %arg1: i32) -> (i32, i32) {
    %c0_i32 = arith.constant 0 : i32
    %c0_i32_0 = arith.constant 0 : i32
    %c0_i32_1 = arith.constant 0 : i32
    return %c0_i32, %c0_i32_0 : i32, i32
  }
}

module attributes {stable_mosaic.version = 14 : i64} {
  func.func @body(%arg0: i32, %arg1: i32, %arg2: memref<256x256xf32, #tpu.memory_space<vmem>>, %arg3: memref<8x256xf32, #tpu.memory_space<vmem>>, %arg4: memref<256x256xf32, #tpu.memory_space<vmem>>, %arg5: memref<256x256xf32, #tpu.memory_space<vmem>>) attributes {dimension_semantics = [#tpu.dimension_semantics<arbitrary>, #tpu.dimension_semantics<arbitrary>], iteration_bounds = array<i64: 8, 8>, scalar_prefetch = 0 : i64, scratch_operands = 0 : i64, tpu.core_type = #tpu.core_type<tc>, window_params = [{transform_indices = @transform_0, window_bounds = array<i64: 256, 256>}, {pipeline_mode = #tpu.pipeline_mode<synchronous>, transform_indices = @transform_1, window_bounds = array<i64: 8, 256>}, {transform_indices = @transform_2, window_bounds = array<i64: 256, 256>}, {transform_indices = @transform_3, window_bounds = array<i64: 256, 256>}]} {
    %get3A = arith.constant 0 : index
    %get3A_0 = arith.constant 0 : index
    %get3A_1 = vector.load %arg3[%get3A, %get3A_0] : memref<8x256xf32, #tpu.memory_space<vmem>>, vector<8x256xf32>
    %slice3A = vector.extract_strided_slice %get3A_1 {offsets = [0, 0], sizes = [1, 256], strides = [1, 1]} : vector<8x256xf32> to vector<1x256xf32>
    %div3A = arith.constant 1.310720e+05 : f32
    %div3A_2 = vector.broadcast %div3A : f32 to vector<1x256xf32>
    %div3A_3 = arith.divf %slice3A, %div3A_2 : vector<1x256xf32>
    %slice3A_4 = vector.extract_strided_slice %get3A_1 {offsets = [1, 0], sizes = [1, 256], strides = [1, 1]} : vector<8x256xf32> to vector<1x256xf32>
    %div3A_5 = arith.constant 1.310720e+05 : f32
    %div3A_6 = vector.broadcast %div3A_5 : f32 to vector<1x256xf32>
    %div3A_7 = arith.divf %slice3A_4, %div3A_6 : vector<1x256xf32>
    %mul3A = arith.mulf %div3A_3, %div3A_3 : vector<1x256xf32>
    %sub3A = arith.subf %div3A_7, %mul3A : vector<1x256xf32>
    %add3A = arith.constant 9.99999974E-6 : f32
    %add3A_8 = vector.broadcast %add3A : f32 to vector<1x256xf32>
    %add3A_9 = arith.addf %sub3A, %add3A_8 : vector<1x256xf32>
    %rsqrt3A = math.rsqrt %add3A_9 : vector<1x256xf32>
    %get3A_10 = arith.constant 0 : index
    %get3A_11 = arith.constant 0 : index
    %get3A_12 = vector.load %arg2[%get3A_10, %get3A_11] : memref<256x256xf32, #tpu.memory_space<vmem>>, vector<256x256xf32>
    %sub3A_13 = vector.broadcast %div3A_3 : vector<1x256xf32> to vector<256x256xf32>
    %sub3A_14 = arith.subf %get3A_12, %sub3A_13 : vector<256x256xf32>
    %mul3A_15 = vector.broadcast %rsqrt3A : vector<1x256xf32> to vector<256x256xf32>
    %mul3A_16 = arith.mulf %sub3A_14, %mul3A_15 : vector<256x256xf32>
    %ge3A = arith.constant 0.000000e+00 : f32
    %ge3A_17 = vector.broadcast %ge3A : f32 to vector<256x256xf32>
    %ge3A_18 = arith.cmpf oge, %mul3A_16, %ge3A_17 : vector<256x256xf32>
    %mul3A_19 = arith.constant 2.000000e-01 : f32
    %mul3A_20 = vector.broadcast %mul3A_19 : f32 to vector<256x256xf32>
    %mul3A_21 = arith.mulf %mul3A_20, %mul3A_16 : vector<256x256xf32>
    %select_n3A = arith.select %ge3A_18, %mul3A_16, %mul3A_21 : vector<256x256xi1>, vector<256x256xf32>
    %get3A_22 = arith.constant 0 : index
    %get3A_23 = arith.constant 0 : index
    %get3A_24 = vector.load %arg4[%get3A_22, %get3A_23] : memref<256x256xf32, #tpu.memory_space<vmem>>, vector<256x256xf32>
    %add3A_25 = arith.addf %select_n3A, %get3A_24 : vector<256x256xf32>
    %swap3A = arith.constant 0 : index
    %swap3A_26 = arith.constant 0 : index
    %swap3A_27 = vector.load %arg5[%swap3A, %swap3A_26] : memref<256x256xf32, #tpu.memory_space<vmem>>, vector<256x256xf32>
    tpu.vector_store %arg5[%swap3A, %swap3A_26], %add3A_25 {strides = array<i32>} : memref<256x256xf32, #tpu.memory_space<vmem>>, vector<256x256xf32>,
    return
  }
  func.func @transform_0(%arg0: i32, %arg1: i32) -> (i32, i32) {
    %mul3A = arith.constant 8 : i32
    %mul3A_0 = arith.muli %arg0, %mul3A : i32
    %add3A = arith.addi %mul3A_0, %arg1 : i32
    %c0_i32 = arith.constant 0 : i32
    %c0_i32_1 = arith.constant 0 : i32
    return %add3A, %c0_i32 : i32, i32
  }
  func.func @transform_1(%arg0: i32, %arg1: i32) -> (i32, i32) {
    %c0_i32 = arith.constant 0 : i32
    %c0_i32_0 = arith.constant 0 : i32
    %c0_i32_1 = arith.constant 0 : i32
    return %c0_i32, %c0_i32_0 : i32, i32
  }
  func.func @transform_2(%arg0: i32, %arg1: i32) -> (i32, i32) {
    %mul3A = arith.constant 8 : i32
    %mul3A_0 = arith.muli %arg0, %mul3A : i32
    %add3A = arith.addi %mul3A_0, %arg1 : i32
    %c0_i32 = arith.constant 0 : i32
    %c0_i32_1 = arith.constant 0 : i32
    return %add3A, %c0_i32 : i32, i32
  }
  func.func @transform_3(%arg0: i32, %arg1: i32) -> (i32, i32) {
    %mul3A = arith.constant 8 : i32
    %mul3A_0 = arith.muli %arg0, %mul3A : i32
    %add3A = arith.addi %mul3A_0, %arg1 : i32
    %c0_i32 = arith.constant 0 : i32
    %c0_i32_1 = arith.constant 0 : i32
    return %add3A, %c0_i32 : i32, i32
  }
}

module attributes {stable_mosaic.version = 14 : i64} {
  func.func @body(%arg0: i32, %arg1: i32, %arg2: memref<256x256xf32, #tpu.memory_space<vmem>>, %arg3: memref<2048x256xf32, #tpu.memory_space<vmem>>, %arg4: memref<256x512xbf16, #tpu.memory_space<vmem>>, %arg5: memref<256x8xi32, #tpu.memory_space<vmem>>, %arg6: memref<256x512xf32, #tpu.memory_space<vmem>>) attributes {dimension_semantics = [#tpu.dimension_semantics<arbitrary>, #tpu.dimension_semantics<arbitrary>], iteration_bounds = array<i64: 8, 8>, scalar_prefetch = 0 : i64, scratch_operands = 0 : i64, tpu.core_type = #tpu.core_type<tc>, window_params = [{transform_indices = @transform_0, window_bounds = array<i64: 256, 256>}, {transform_indices = @transform_1, window_bounds = array<i64: 2048, 256>}, {pipeline_mode = #tpu.pipeline_mode<synchronous>, transform_indices = @transform_2, window_bounds = array<i64: 256, 512>}, {transform_indices = @transform_3, window_bounds = array<i64: 256, 8>}, {transform_indices = @transform_4, window_bounds = array<i64: 256, 512>}]} {
    %get3A = arith.constant 0 : index
    %get3A_0 = arith.constant 0 : index
    %get3A_1 = vector.load %arg2[%get3A, %get3A_0] : memref<256x256xf32, #tpu.memory_space<vmem>>, vector<256x256xf32>
    %get3A_2 = arith.constant 0 : index
    %get3A_3 = arith.constant 0 : index
    %get3A_4 = vector.load %arg3[%get3A_2, %get3A_3] : memref<2048x256xf32, #tpu.memory_space<vmem>>, vector<2048x256xf32>
    %convert_element_type3A = arith.truncf %get3A_1 : vector<256x256xf32> to vector<256x256xbf16>
    %convert_element_type3A_5 = arith.truncf %get3A_4 : vector<2048x256xf32> to vector<2048x256xbf16>
    %dot_general3A = arith.constant dense<0.000000e+00> : vector<256x2048xf32>
    %dot_general3A_6 = tpu.matmul %convert_element_type3A, %convert_element_type3A_5, %dot_general3A {dimension_numbers = #tpu.dot_dimension_numbers<[1], [1], [0], [0], [0, 0, 1, 0], [], []>, transpose_lhs_hint = false} : vector<256x256xbf16>, vector<2048x256xbf16>, vector<256x2048xf32> -> vector<256x2048xf32>
    %mul3A = arith.mulf %get3A_1, %get3A_1 : vector<256x256xf32>
    %reduce_sum3A = arith.constant dense<0.000000e+00> : vector<256xf32>
    %reduce_sum3A_7 = vector.multi_reduction <add>, %mul3A, %reduce_sum3A [1] : vector<256x256xf32> to vector<256xf32>
    %broadcast_in_dim3A = vector.shape_cast %reduce_sum3A_7 : vector<256xf32> to vector<256x1xf32>
    %broadcast_in_dim3A_8 = arith.constant 1.000000e+00 : f32
    %broadcast_in_dim3A_9 = vector.broadcast %broadcast_in_dim3A_8 : f32 to vector<1x256xf32>
    %mul3A_10 = arith.mulf %get3A_4, %get3A_4 : vector<2048x256xf32>
    %dot_general3A_11 = arith.constant dense<0.000000e+00> : vector<1x2048xf32>
    %dot_general3A_12 = tpu.matmul %broadcast_in_dim3A_9, %mul3A_10, %dot_general3A_11 {dimension_numbers = #tpu.dot_dimension_numbers<[1], [1], [0], [0], [0, 0, 1, 0], [], []>, precision = #tpu.contract_precision<fp32>, transpose_lhs_hint = false} : vector<1x256xf32>, vector<2048x256xf32>, vector<1x2048xf32> -> vector<1x2048xf32>
    %mul3A_13 = arith.constant 2.000000e+00 : f32
    %mul3A_14 = vector.broadcast %mul3A_13 : f32 to vector<256x2048xf32>
    %mul3A_15 = arith.mulf %mul3A_14, %dot_general3A_6 : vector<256x2048xf32>
    %sub3A = vector.broadcast %broadcast_in_dim3A : vector<256x1xf32> to vector<256x2048xf32>
    %sub3A_16 = arith.subf %mul3A_15, %sub3A : vector<256x2048xf32>
    %sub3A_17 = vector.broadcast %dot_general3A_12 : vector<1x2048xf32> to vector<256x2048xf32>
    %sub3A_18 = arith.subf %sub3A_16, %sub3A_17 : vector<256x2048xf32>
    %iota3A = tpu.iota {dimensions = array<i32: 1>} : vector<256x2048xi32>
    %convert_element_type3A_19 = arith.sitofp %iota3A : vector<256x2048xi32> to vector<256x2048xf32>
    %mul3A_20 = arith.constant 2048 : i32
    %mul3A_21 = arith.muli %arg0, %mul3A_20 : i32
    %reduce_max3A = arith.constant dense<0xFF800000> : vector<256xf32>
    %reduce_max3A_22 = vector.multi_reduction <maximumf>, %sub3A_18, %reduce_max3A [1] : vector<256x2048xf32> to vector<256xf32>
    %broadcast_in_dim3A_23 = vector.shape_cast %reduce_max3A_22 : vector<256xf32> to vector<256x1xf32>
    %eq3A = vector.broadcast %broadcast_in_dim3A_23 : vector<256x1xf32> to vector<256x2048xf32>
    %eq3A_24 = arith.cmpf oeq, %sub3A_18, %eq3A : vector<256x2048xf32>
    %jit3A = arith.constant 2.048000e+03 : f32
    %broadcast_in_dim3A_25 = vector.broadcast %jit3A : f32 to vector<256x2048xf32>
    %select_n3A = arith.select %eq3A_24, %convert_element_type3A_19, %broadcast_in_dim3A_25 : vector<256x2048xi1>, vector<256x2048xf32>
    %reduce_min3A = arith.constant dense<0x7F800000> : vector<256xf32>
    %reduce_min3A_26 = vector.multi_reduction <minimumf>, %select_n3A, %reduce_min3A [1] : vector<256x2048xf32> to vector<256xf32>
    %broadcast_in_dim3A_27 = vector.shape_cast %reduce_min3A_26 : vector<256xf32> to vector<256x1xf32>
    %convert_element_type3A_28 = arith.fptosi %broadcast_in_dim3A_27 : vector<256x1xf32> to vector<256x1xi32>
    %add3A = vector.broadcast %mul3A_21 : i32 to vector<256x1xi32>
    %add3A_29 = arith.addi %convert_element_type3A_28, %add3A : vector<256x1xi32>
    %swap3A = arith.constant 0 : index
    %swap3A_30 = arith.constant 0 : index
    %swap3A_31 = vector.load %arg5[%swap3A, %swap3A_30] : memref<256x8xi32, #tpu.memory_space<vmem>>, vector<256x1xi32>
    tpu.vector_store %arg5[%swap3A, %swap3A_30], %add3A_29 {strides = array<i32>} : memref<256x8xi32, #tpu.memory_space<vmem>>, vector<256x1xi32>,
    %eq3A_32 = vector.broadcast %broadcast_in_dim3A_27 : vector<256x1xf32> to vector<256x2048xf32>
    %eq3A_33 = arith.cmpf oeq, %select_n3A, %eq3A_32 : vector<256x2048xf32>
    %jit3A_34 = arith.constant 0xFF800000 : f32
    %broadcast_in_dim3A_35 = vector.broadcast %jit3A_34 : f32 to vector<256x2048xf32>
    %select_n3A_36 = arith.select %eq3A_33, %broadcast_in_dim3A_35, %sub3A_18 : vector<256x2048xi1>, vector<256x2048xf32>
    %reduce_max3A_37 = arith.constant dense<0xFF800000> : vector<256xf32>
    %reduce_max3A_38 = vector.multi_reduction <maximumf>, %select_n3A_36, %reduce_max3A_37 [1] : vector<256x2048xf32> to vector<256xf32>
    %broadcast_in_dim3A_39 = vector.shape_cast %reduce_max3A_38 : vector<256xf32> to vector<256x1xf32>
    %eq3A_40 = vector.broadcast %broadcast_in_dim3A_39 : vector<256x1xf32> to vector<256x2048xf32>
    %eq3A_41 = arith.cmpf oeq, %select_n3A_36, %eq3A_40 : vector<256x2048xf32>
    %jit3A_42 = arith.constant 2.048000e+03 : f32
    %broadcast_in_dim3A_43 = vector.broadcast %jit3A_42 : f32 to vector<256x2048xf32>
    %select_n3A_44 = arith.select %eq3A_41, %convert_element_type3A_19, %broadcast_in_dim3A_43 : vector<256x2048xi1>, vector<256x2048xf32>
    %reduce_min3A_45 = arith.constant dense<0x7F800000> : vector<256xf32>
    %reduce_min3A_46 = vector.multi_reduction <minimumf>, %select_n3A_44, %reduce_min3A_45 [1] : vector<256x2048xf32> to vector<256xf32>
    %broadcast_in_dim3A_47 = vector.shape_cast %reduce_min3A_46 : vector<256xf32> to vector<256x1xf32>
    %convert_element_type3A_48 = arith.fptosi %broadcast_in_dim3A_47 : vector<256x1xf32> to vector<256x1xi32>
    %add3A_49 = vector.broadcast %mul3A_21 : i32 to vector<256x1xi32>
    %add3A_50 = arith.addi %convert_element_type3A_48, %add3A_49 : vector<256x1xi32>
    %swap3A_51 = arith.constant 0 : index
    %swap3A_52 = arith.constant 1 : index
    %swap3A_53 = vector.load %arg5[%swap3A_51, %swap3A_52] : memref<256x8xi32, #tpu.memory_space<vmem>>, vector<256x1xi32>
    tpu.vector_store %arg5[%swap3A_51, %swap3A_52], %add3A_50 {strides = array<i32>} : memref<256x8xi32, #tpu.memory_space<vmem>>, vector<256x1xi32>,
    %eq3A_54 = vector.broadcast %broadcast_in_dim3A_47 : vector<256x1xf32> to vector<256x2048xf32>
    %eq3A_55 = arith.cmpf oeq, %select_n3A_44, %eq3A_54 : vector<256x2048xf32>
    %jit3A_56 = arith.constant 0xFF800000 : f32
    %broadcast_in_dim3A_57 = vector.broadcast %jit3A_56 : f32 to vector<256x2048xf32>
    %select_n3A_58 = arith.select %eq3A_55, %broadcast_in_dim3A_57, %select_n3A_36 : vector<256x2048xi1>, vector<256x2048xf32>
    %reduce_max3A_59 = arith.constant dense<0xFF800000> : vector<256xf32>
    %reduce_max3A_60 = vector.multi_reduction <maximumf>, %select_n3A_58, %reduce_max3A_59 [1] : vector<256x2048xf32> to vector<256xf32>
    %broadcast_in_dim3A_61 = vector.shape_cast %reduce_max3A_60 : vector<256xf32> to vector<256x1xf32>
    %eq3A_62 = vector.broadcast %broadcast_in_dim3A_61 : vector<256x1xf32> to vector<256x2048xf32>
    %eq3A_63 = arith.cmpf oeq, %select_n3A_58, %eq3A_62 : vector<256x2048xf32>
    %jit3A_64 = arith.constant 2.048000e+03 : f32
    %broadcast_in_dim3A_65 = vector.broadcast %jit3A_64 : f32 to vector<256x2048xf32>
    %select_n3A_66 = arith.select %eq3A_63, %convert_element_type3A_19, %broadcast_in_dim3A_65 : vector<256x2048xi1>, vector<256x2048xf32>
    %reduce_min3A_67 = arith.constant dense<0x7F800000> : vector<256xf32>
    %reduce_min3A_68 = vector.multi_reduction <minimumf>, %select_n3A_66, %reduce_min3A_67 [1] : vector<256x2048xf32> to vector<256xf32>
    %broadcast_in_dim3A_69 = vector.shape_cast %reduce_min3A_68 : vector<256xf32> to vector<256x1xf32>
    %convert_element_type3A_70 = arith.fptosi %broadcast_in_dim3A_69 : vector<256x1xf32> to vector<256x1xi32>
    %add3A_71 = vector.broadcast %mul3A_21 : i32 to vector<256x1xi32>
    %add3A_72 = arith.addi %convert_element_type3A_70, %add3A_71 : vector<256x1xi32>
    %swap3A_73 = arith.constant 0 : index
    %swap3A_74 = arith.constant 2 : index
    %swap3A_75 = vector.load %arg5[%swap3A_73, %swap3A_74] : memref<256x8xi32, #tpu.memory_space<vmem>>, vector<256x1xi32>
    tpu.vector_store %arg5[%swap3A_73, %swap3A_74], %add3A_72 {strides = array<i32>} : memref<256x8xi32, #tpu.memory_space<vmem>>, vector<256x1xi32>,
    %eq3A_76 = vector.broadcast %broadcast_in_dim3A_69 : vector<256x1xf32> to vector<256x2048xf32>
    %eq3A_77 = arith.cmpf oeq, %select_n3A_66, %eq3A_76 : vector<256x2048xf32>
    %jit3A_78 = arith.constant 0xFF800000 : f32
    %broadcast_in_dim3A_79 = vector.broadcast %jit3A_78 : f32 to vector<256x2048xf32>
    %select_n3A_80 = arith.select %eq3A_77, %broadcast_in_dim3A_79, %select_n3A_58 : vector<256x2048xi1>, vector<256x2048xf32>
    %reduce_max3A_81 = arith.constant dense<0xFF800000> : vector<256xf32>
    %reduce_max3A_82 = vector.multi_reduction <maximumf>, %select_n3A_80, %reduce_max3A_81 [1] : vector<256x2048xf32> to vector<256xf32>
    %broadcast_in_dim3A_83 = vector.shape_cast %reduce_max3A_82 : vector<256xf32> to vector<256x1xf32>
    %eq3A_84 = vector.broadcast %broadcast_in_dim3A_83 : vector<256x1xf32> to vector<256x2048xf32>
    %eq3A_85 = arith.cmpf oeq, %select_n3A_80, %eq3A_84 : vector<256x2048xf32>
    %jit3A_86 = arith.constant 2.048000e+03 : f32
    %broadcast_in_dim3A_87 = vector.broadcast %jit3A_86 : f32 to vector<256x2048xf32>
    %select_n3A_88 = arith.select %eq3A_85, %convert_element_type3A_19, %broadcast_in_dim3A_87 : vector<256x2048xi1>, vector<256x2048xf32>
    %reduce_min3A_89 = arith.constant dense<0x7F800000> : vector<256xf32>
    %reduce_min3A_90 = vector.multi_reduction <minimumf>, %select_n3A_88, %reduce_min3A_89 [1] : vector<256x2048xf32> to vector<256xf32>
    %broadcast_in_dim3A_91 = vector.shape_cast %reduce_min3A_90 : vector<256xf32> to vector<256x1xf32>
    %convert_element_type3A_92 = arith.fptosi %broadcast_in_dim3A_91 : vector<256x1xf32> to vector<256x1xi32>
    %add3A_93 = vector.broadcast %mul3A_21 : i32 to vector<256x1xi32>
    %add3A_94 = arith.addi %convert_element_type3A_92, %add3A_93 : vector<256x1xi32>
    %swap3A_95 = arith.constant 0 : index
    %swap3A_96 = arith.constant 3 : index
    %swap3A_97 = vector.load %arg5[%swap3A_95, %swap3A_96] : memref<256x8xi32, #tpu.memory_space<vmem>>, vector<256x1xi32>
    tpu.vector_store %arg5[%swap3A_95, %swap3A_96], %add3A_94 {strides = array<i32>} : memref<256x8xi32, #tpu.memory_space<vmem>>, vector<256x1xi32>,
    %eq3A_98 = vector.broadcast %broadcast_in_dim3A_91 : vector<256x1xf32> to vector<256x2048xf32>
    %eq3A_99 = arith.cmpf oeq, %select_n3A_88, %eq3A_98 : vector<256x2048xf32>
    %jit3A_100 = arith.constant 0xFF800000 : f32
    %broadcast_in_dim3A_101 = vector.broadcast %jit3A_100 : f32 to vector<256x2048xf32>
    %select_n3A_102 = arith.select %eq3A_99, %broadcast_in_dim3A_101, %select_n3A_80 : vector<256x2048xi1>, vector<256x2048xf32>
    %reduce_max3A_103 = arith.constant dense<0xFF800000> : vector<256xf32>
    %reduce_max3A_104 = vector.multi_reduction <maximumf>, %select_n3A_102, %reduce_max3A_103 [1] : vector<256x2048xf32> to vector<256xf32>
    %broadcast_in_dim3A_105 = vector.shape_cast %reduce_max3A_104 : vector<256xf32> to vector<256x1xf32>
    %eq3A_106 = vector.broadcast %broadcast_in_dim3A_105 : vector<256x1xf32> to vector<256x2048xf32>
    %eq3A_107 = arith.cmpf oeq, %select_n3A_102, %eq3A_106 : vector<256x2048xf32>
    %jit3A_108 = arith.constant 2.048000e+03 : f32
    %broadcast_in_dim3A_109 = vector.broadcast %jit3A_108 : f32 to vector<256x2048xf32>
    %select_n3A_110 = arith.select %eq3A_107, %convert_element_type3A_19, %broadcast_in_dim3A_109 : vector<256x2048xi1>, vector<256x2048xf32>
    %reduce_min3A_111 = arith.constant dense<0x7F800000> : vector<256xf32>
    %reduce_min3A_112 = vector.multi_reduction <minimumf>, %select_n3A_110, %reduce_min3A_111 [1] : vector<256x2048xf32> to vector<256xf32>
    %broadcast_in_dim3A_113 = vector.shape_cast %reduce_min3A_112 : vector<256xf32> to vector<256x1xf32>
    %convert_element_type3A_114 = arith.fptosi %broadcast_in_dim3A_113 : vector<256x1xf32> to vector<256x1xi32>
    %add3A_115 = vector.broadcast %mul3A_21 : i32 to vector<256x1xi32>
    %add3A_116 = arith.addi %convert_element_type3A_114, %add3A_115 : vector<256x1xi32>
    %swap3A_117 = arith.constant 0 : index
    %swap3A_118 = arith.constant 4 : index
    %swap3A_119 = vector.load %arg5[%swap3A_117, %swap3A_118] : memref<256x8xi32, #tpu.memory_space<vmem>>, vector<256x1xi32>
    tpu.vector_store %arg5[%swap3A_117, %swap3A_118], %add3A_116 {strides = array<i32>} : memref<256x8xi32, #tpu.memory_space<vmem>>, vector<256x1xi32>,
    %eq3A_120 = vector.broadcast %broadcast_in_dim3A_113 : vector<256x1xf32> to vector<256x2048xf32>
    %eq3A_121 = arith.cmpf oeq, %select_n3A_110, %eq3A_120 : vector<256x2048xf32>
    %jit3A_122 = arith.constant 0xFF800000 : f32
    %broadcast_in_dim3A_123 = vector.broadcast %jit3A_122 : f32 to vector<256x2048xf32>
    %select_n3A_124 = arith.select %eq3A_121, %broadcast_in_dim3A_123, %select_n3A_102 : vector<256x2048xi1>, vector<256x2048xf32>
    %reduce_max3A_125 = arith.constant dense<0xFF800000> : vector<256xf32>
    %reduce_max3A_126 = vector.multi_reduction <maximumf>, %select_n3A_124, %reduce_max3A_125 [1] : vector<256x2048xf32> to vector<256xf32>
    %broadcast_in_dim3A_127 = vector.shape_cast %reduce_max3A_126 : vector<256xf32> to vector<256x1xf32>
    %eq3A_128 = vector.broadcast %broadcast_in_dim3A_127 : vector<256x1xf32> to vector<256x2048xf32>
    %eq3A_129 = arith.cmpf oeq, %select_n3A_124, %eq3A_128 : vector<256x2048xf32>
    %jit3A_130 = arith.constant 2.048000e+03 : f32
    %broadcast_in_dim3A_131 = vector.broadcast %jit3A_130 : f32 to vector<256x2048xf32>
    %select_n3A_132 = arith.select %eq3A_129, %convert_element_type3A_19, %broadcast_in_dim3A_131 : vector<256x2048xi1>, vector<256x2048xf32>
    %reduce_min3A_133 = arith.constant dense<0x7F800000> : vector<256xf32>
    %reduce_min3A_134 = vector.multi_reduction <minimumf>, %select_n3A_132, %reduce_min3A_133 [1] : vector<256x2048xf32> to vector<256xf32>
    %broadcast_in_dim3A_135 = vector.shape_cast %reduce_min3A_134 : vector<256xf32> to vector<256x1xf32>
    %convert_element_type3A_136 = arith.fptosi %broadcast_in_dim3A_135 : vector<256x1xf32> to vector<256x1xi32>
    %add3A_137 = vector.broadcast %mul3A_21 : i32 to vector<256x1xi32>
    %add3A_138 = arith.addi %convert_element_type3A_136, %add3A_137 : vector<256x1xi32>
    %swap3A_139 = arith.constant 0 : index
    %swap3A_140 = arith.constant 5 : index
    %swap3A_141 = vector.load %arg5[%swap3A_139, %swap3A_140] : memref<256x8xi32, #tpu.memory_space<vmem>>, vector<256x1xi32>
    tpu.vector_store %arg5[%swap3A_139, %swap3A_140], %add3A_138 {strides = array<i32>} : memref<256x8xi32, #tpu.memory_space<vmem>>, vector<256x1xi32>,
    %eq3A_142 = vector.broadcast %broadcast_in_dim3A_135 : vector<256x1xf32> to vector<256x2048xf32>
    %eq3A_143 = arith.cmpf oeq, %select_n3A_132, %eq3A_142 : vector<256x2048xf32>
    %jit3A_144 = arith.constant 0xFF800000 : f32
    %broadcast_in_dim3A_145 = vector.broadcast %jit3A_144 : f32 to vector<256x2048xf32>
    %select_n3A_146 = arith.select %eq3A_143, %broadcast_in_dim3A_145, %select_n3A_124 : vector<256x2048xi1>, vector<256x2048xf32>
    %reduce_max3A_147 = arith.constant dense<0xFF800000> : vector<256xf32>
    %reduce_max3A_148 = vector.multi_reduction <maximumf>, %select_n3A_146, %reduce_max3A_147 [1] : vector<256x2048xf32> to vector<256xf32>
    %broadcast_in_dim3A_149 = vector.shape_cast %reduce_max3A_148 : vector<256xf32> to vector<256x1xf32>
    %eq3A_150 = vector.broadcast %broadcast_in_dim3A_149 : vector<256x1xf32> to vector<256x2048xf32>
    %eq3A_151 = arith.cmpf oeq, %select_n3A_146, %eq3A_150 : vector<256x2048xf32>
    %jit3A_152 = arith.constant 2.048000e+03 : f32
    %broadcast_in_dim3A_153 = vector.broadcast %jit3A_152 : f32 to vector<256x2048xf32>
    %select_n3A_154 = arith.select %eq3A_151, %convert_element_type3A_19, %broadcast_in_dim3A_153 : vector<256x2048xi1>, vector<256x2048xf32>
    %reduce_min3A_155 = arith.constant dense<0x7F800000> : vector<256xf32>
    %reduce_min3A_156 = vector.multi_reduction <minimumf>, %select_n3A_154, %reduce_min3A_155 [1] : vector<256x2048xf32> to vector<256xf32>
    %broadcast_in_dim3A_157 = vector.shape_cast %reduce_min3A_156 : vector<256xf32> to vector<256x1xf32>
    %convert_element_type3A_158 = arith.fptosi %broadcast_in_dim3A_157 : vector<256x1xf32> to vector<256x1xi32>
    %add3A_159 = vector.broadcast %mul3A_21 : i32 to vector<256x1xi32>
    %add3A_160 = arith.addi %convert_element_type3A_158, %add3A_159 : vector<256x1xi32>
    %swap3A_161 = arith.constant 0 : index
    %swap3A_162 = arith.constant 6 : index
    %swap3A_163 = vector.load %arg5[%swap3A_161, %swap3A_162] : memref<256x8xi32, #tpu.memory_space<vmem>>, vector<256x1xi32>
    tpu.vector_store %arg5[%swap3A_161, %swap3A_162], %add3A_160 {strides = array<i32>} : memref<256x8xi32, #tpu.memory_space<vmem>>, vector<256x1xi32>,
    %eq3A_164 = vector.broadcast %broadcast_in_dim3A_157 : vector<256x1xf32> to vector<256x2048xf32>
    %eq3A_165 = arith.cmpf oeq, %select_n3A_154, %eq3A_164 : vector<256x2048xf32>
    %jit3A_166 = arith.constant 0xFF800000 : f32
    %broadcast_in_dim3A_167 = vector.broadcast %jit3A_166 : f32 to vector<256x2048xf32>
    %select_n3A_168 = arith.select %eq3A_165, %broadcast_in_dim3A_167, %select_n3A_146 : vector<256x2048xi1>, vector<256x2048xf32>
    %reduce_max3A_169 = arith.constant dense<0xFF800000> : vector<256xf32>
    %reduce_max3A_170 = vector.multi_reduction <maximumf>, %select_n3A_168, %reduce_max3A_169 [1] : vector<256x2048xf32> to vector<256xf32>
    %broadcast_in_dim3A_171 = vector.shape_cast %reduce_max3A_170 : vector<256xf32> to vector<256x1xf32>
    %eq3A_172 = vector.broadcast %broadcast_in_dim3A_171 : vector<256x1xf32> to vector<256x2048xf32>
    %eq3A_173 = arith.cmpf oeq, %select_n3A_168, %eq3A_172 : vector<256x2048xf32>
    %jit3A_174 = arith.constant 2.048000e+03 : f32
    %broadcast_in_dim3A_175 = vector.broadcast %jit3A_174 : f32 to vector<256x2048xf32>
    %select_n3A_176 = arith.select %eq3A_173, %convert_element_type3A_19, %broadcast_in_dim3A_175 : vector<256x2048xi1>, vector<256x2048xf32>
    %reduce_min3A_177 = arith.constant dense<0x7F800000> : vector<256xf32>
    %reduce_min3A_178 = vector.multi_reduction <minimumf>, %select_n3A_176, %reduce_min3A_177 [1] : vector<256x2048xf32> to vector<256xf32>
    %broadcast_in_dim3A_179 = vector.shape_cast %reduce_min3A_178 : vector<256xf32> to vector<256x1xf32>
    %convert_element_type3A_180 = arith.fptosi %broadcast_in_dim3A_179 : vector<256x1xf32> to vector<256x1xi32>
    %add3A_181 = vector.broadcast %mul3A_21 : i32 to vector<256x1xi32>
    %add3A_182 = arith.addi %convert_element_type3A_180, %add3A_181 : vector<256x1xi32>
    %swap3A_183 = arith.constant 0 : index
    %swap3A_184 = arith.constant 7 : index
    %swap3A_185 = vector.load %arg5[%swap3A_183, %swap3A_184] : memref<256x8xi32, #tpu.memory_space<vmem>>, vector<256x1xi32>
    tpu.vector_store %arg5[%swap3A_183, %swap3A_184], %add3A_182 {strides = array<i32>} : memref<256x8xi32, #tpu.memory_space<vmem>>, vector<256x1xi32>,
    %convert_element_type3A_186 = arith.truncf %get3A_1 : vector<256x256xf32> to vector<256x256xbf16>
    %get3A_187 = arith.constant 0 : index
    %get3A_188 = arith.constant 0 : index
    %get3A_189 = vector.load %arg4[%get3A_187, %get3A_188] : memref<256x512xbf16, #tpu.memory_space<vmem>>, vector<256x512xbf16>
    %dot_general3A_190 = arith.constant dense<0.000000e+00> : vector<256x512xf32>
    %dot_general3A_191 = tpu.matmul %convert_element_type3A_186, %get3A_189, %dot_general3A_190 {dimension_numbers = #tpu.dot_dimension_numbers<[1], [0], [0], [1], [0, 0, 1, 1], [], []>, transpose_lhs_hint = false} : vector<256x256xbf16>, vector<256x512xbf16>, vector<256x512xf32> -> vector<256x512xf32>
    %swap3A_192 = arith.constant 0 : index
    %swap3A_193 = arith.constant 0 : index
    %swap3A_194 = vector.load %arg6[%swap3A_192, %swap3A_193] : memref<256x512xf32, #tpu.memory_space<vmem>>, vector<256x512xf32>
    tpu.vector_store %arg6[%swap3A_192, %swap3A_193], %dot_general3A_191 {strides = array<i32>} : memref<256x512xf32, #tpu.memory_space<vmem>>, vector<256x512xf32>,
    return
  }
  func.func @transform_0(%arg0: i32, %arg1: i32) -> (i32, i32) {
    %mul3A = arith.constant 8 : i32
    %mul3A_0 = arith.muli %arg0, %mul3A : i32
    %add3A = arith.addi %mul3A_0, %arg1 : i32
    %c0_i32 = arith.constant 0 : i32
    %c0_i32_1 = arith.constant 0 : i32
    return %add3A, %c0_i32 : i32, i32
  }
  func.func @transform_1(%arg0: i32, %arg1: i32) -> (i32, i32) {
    %c0_i32 = arith.constant 0 : i32
    %c0_i32_0 = arith.constant 0 : i32
    return %arg0, %c0_i32 : i32, i32
  }
  func.func @transform_2(%arg0: i32, %arg1: i32) -> (i32, i32) {
    %c0_i32 = arith.constant 0 : i32
    %c0_i32_0 = arith.constant 0 : i32
    %c0_i32_1 = arith.constant 0 : i32
    return %c0_i32, %c0_i32_0 : i32, i32
  }
  func.func @transform_3(%arg0: i32, %arg1: i32) -> (i32, i32) {
    %mul3A = arith.constant 8 : i32
    %mul3A_0 = arith.muli %arg0, %mul3A : i32
    %add3A = arith.addi %mul3A_0, %arg1 : i32
    %c0_i32 = arith.constant 0 : i32
    %c0_i32_1 = arith.constant 0 : i32
    return %add3A, %c0_i32 : i32, i32
  }
  func.func @transform_4(%arg0: i32, %arg1: i32) -> (i32, i32) {
    %mul3A = arith.constant 8 : i32
    %mul3A_0 = arith.muli %arg0, %mul3A : i32
    %add3A = arith.addi %mul3A_0, %arg1 : i32
    %c0_i32 = arith.constant 0 : i32
    %c0_i32_1 = arith.constant 0 : i32
    return %add3A, %c0_i32 : i32, i32
  }
}

module attributes {stable_mosaic.version = 14 : i64} {
  func.func @body(%arg0: i32, %arg1: i32, %arg2: memref<2048x256xf32, #tpu.memory_space<vmem>>, %arg3: memref<256x256xf32, #tpu.memory_space<vmem>>, %arg4: memref<512x512xbf16, #tpu.memory_space<vmem>>, %arg5: memref<256x512xf32, #tpu.memory_space<vmem>>, %arg6: memref<8x512xf32, #tpu.memory_space<vmem>>) attributes {dimension_semantics = [#tpu.dimension_semantics<arbitrary>, #tpu.dimension_semantics<arbitrary>], iteration_bounds = array<i64: 8, 8>, scalar_prefetch = 0 : i64, scratch_operands = 0 : i64, tpu.core_type = #tpu.core_type<tc>, window_params = [{transform_indices = @transform_0, window_bounds = array<i64: 2048, 256>}, {transform_indices = @transform_1, window_bounds = array<i64: 256, 256>}, {pipeline_mode = #tpu.pipeline_mode<synchronous>, transform_indices = @transform_2, window_bounds = array<i64: 512, 512>}, {transform_indices = @transform_3, window_bounds = array<i64: 256, 512>}, {pipeline_mode = #tpu.pipeline_mode<synchronous>, transform_indices = @transform_4, window_bounds = array<i64: 8, 512>}]} {
    %get3A = arith.constant 0 : index
    %get3A_0 = arith.constant 0 : index
    %get3A_1 = vector.load %arg3[%get3A, %get3A_0] : memref<256x256xf32, #tpu.memory_space<vmem>>, vector<256x256xf32>
    %broadcast_in_dim3A = vector.shape_cast %get3A_1 : vector<256x256xf32> to vector<256x1x256xf32>
    %broadcast_in_dim3A_2 = vector.shape_cast %broadcast_in_dim3A : vector<256x1x256xf32> to vector<256x1x256xf32>
    %broadcast_in_dim3A_3 = vector.broadcast %broadcast_in_dim3A_2 : vector<256x1x256xf32> to vector<256x8x256xf32>
    %reshape3A = vector.shape_cast %broadcast_in_dim3A_3 : vector<256x8x256xf32> to vector<2048x256xf32>
    %get3A_4 = arith.constant 0 : index
    %get3A_5 = arith.constant 0 : index
    %get3A_6 = vector.load %arg2[%get3A_4, %get3A_5] : memref<2048x256xf32, #tpu.memory_space<vmem>>, vector<2048x256xf32>
    %sub3A = arith.subf %get3A_6, %reshape3A : vector<2048x256xf32>
    %convert_element_type3A = arith.truncf %sub3A : vector<2048x256xf32> to vector<2048x256xbf16>
    %convert_element_type3A_7 = arith.truncf %reshape3A : vector<2048x256xf32> to vector<2048x256xbf16>
    %concatenate3A = tpu.concatenate %convert_element_type3A, %convert_element_type3A_7 in 1 : vector<2048x256xbf16>, vector<2048x256xbf16> -> vector<2048x512xbf16>
    %get3A_8 = arith.constant 0 : index
    %get3A_9 = arith.constant 0 : index
    %get3A_10 = vector.load %arg4[%get3A_8, %get3A_9] : memref<512x512xbf16, #tpu.memory_space<vmem>>, vector<512x512xbf16>
    %dot_general3A = arith.constant dense<0.000000e+00> : vector<2048x512xf32>
    %dot_general3A_11 = tpu.matmul %concatenate3A, %get3A_10, %dot_general3A {dimension_numbers = #tpu.dot_dimension_numbers<[1], [0], [0], [1], [0, 0, 1, 1], [], []>, transpose_lhs_hint = false} : vector<2048x512xbf16>, vector<512x512xbf16>, vector<2048x512xf32> -> vector<2048x512xf32>
    %reshape3A_12 = vector.shape_cast %dot_general3A_11 : vector<2048x512xf32> to vector<256x8x512xf32>
    %reduce_max3A = arith.constant dense<0xFF800000> : vector<256x512xf32>
    %reduce_max3A_13 = vector.multi_reduction <maximumf>, %reshape3A_12, %reduce_max3A [1] : vector<256x8x512xf32> to vector<256x512xf32>
    %swap3A = arith.constant 0 : index
    %swap3A_14 = arith.constant 0 : index
    %swap3A_15 = vector.load %arg5[%swap3A, %swap3A_14] : memref<256x512xf32, #tpu.memory_space<vmem>>, vector<256x512xf32>
    tpu.vector_store %arg5[%swap3A, %swap3A_14], %reduce_max3A_13 {strides = array<i32>} : memref<256x512xf32, #tpu.memory_space<vmem>>, vector<256x512xf32>,
    %reduce_sum3A = arith.constant dense<0.000000e+00> : vector<512xf32>
    %reduce_sum3A_16 = vector.multi_reduction <add>, %dot_general3A_11, %reduce_sum3A [0] : vector<2048x512xf32> to vector<512xf32>
    %broadcast_in_dim3A_17 = vector.shape_cast %reduce_sum3A_16 : vector<512xf32> to vector<1x512xf32>
    %mul3A = arith.mulf %dot_general3A_11, %dot_general3A_11 : vector<2048x512xf32>
    %reduce_sum3A_18 = arith.constant dense<0.000000e+00> : vector<512xf32>
    %reduce_sum3A_19 = vector.multi_reduction <add>, %mul3A, %reduce_sum3A_18 [0] : vector<2048x512xf32> to vector<512xf32>
    %broadcast_in_dim3A_20 = vector.shape_cast %reduce_sum3A_19 : vector<512xf32> to vector<1x512xf32>
    %broadcast_in_dim3A_21 = arith.constant 0.000000e+00 : f32
    %broadcast_in_dim3A_22 = vector.broadcast %broadcast_in_dim3A_21 : f32 to vector<6x512xf32>
    %concatenate3A_23 = tpu.concatenate %broadcast_in_dim3A_17, %broadcast_in_dim3A_20, %broadcast_in_dim3A_22 in 0 : vector<1x512xf32>, vector<1x512xf32>, vector<6x512xf32> -> vector<8x512xf32>
    %eq3A = arith.constant 0 : i32
    %eq3A_24 = arith.cmpi eq, %arg0, %eq3A : i32
    %eq3A_25 = arith.constant 0 : i32
    %eq3A_26 = arith.cmpi eq, %arg1, %eq3A_25 : i32
    %and3A = arith.andi %eq3A_24, %eq3A_26 : i1
    %convert_element_type3A_27 = arith.extui %and3A : i1 to i32
    %cond3A = arith.constant 0 : i32
    %cond3A_28 = arith.cmpi ne, %convert_element_type3A_27, %cond3A : i32
    scf.if %cond3A_28 {
      %swap3A_33 = arith.constant 0 : index
      %swap3A_34 = arith.constant 0 : index
      %swap3A_35 = vector.load %arg6[%swap3A_33, %swap3A_34] : memref<8x512xf32, #tpu.memory_space<vmem>>, vector<8x512xf32>
      tpu.vector_store %arg6[%swap3A_33, %swap3A_34], %concatenate3A_23 {strides = array<i32>} : memref<8x512xf32, #tpu.memory_space<vmem>>, vector<8x512xf32>,
    } else {
    }
    %not3A = arith.constant true
    %not3A_29 = arith.xori %and3A, %not3A : i1
    %convert_element_type3A_30 = arith.extui %not3A_29 : i1 to i32
    %cond3A_31 = arith.constant 0 : i32
    %cond3A_32 = arith.cmpi ne, %convert_element_type3A_30, %cond3A_31 : i32
    scf.if %cond3A_32 {
      %get3A_33 = arith.constant 0 : index
      %get3A_34 = arith.constant 0 : index
      %get3A_35 = vector.load %arg6[%get3A_33, %get3A_34] : memref<8x512xf32, #tpu.memory_space<vmem>>, vector<8x512xf32>
      %add3A = arith.addf %get3A_35, %concatenate3A_23 : vector<8x512xf32>
      %swap3A_36 = arith.constant 0 : index
      %swap3A_37 = arith.constant 0 : index
      %swap3A_38 = vector.load %arg6[%swap3A_36, %swap3A_37] : memref<8x512xf32, #tpu.memory_space<vmem>>, vector<8x512xf32>
      tpu.vector_store %arg6[%swap3A_36, %swap3A_37], %add3A {strides = array<i32>} : memref<8x512xf32, #tpu.memory_space<vmem>>, vector<8x512xf32>,
    } else {
    }
    return
  }
  func.func @transform_0(%arg0: i32, %arg1: i32) -> (i32, i32) {
    %mul3A = arith.constant 8 : i32
    %mul3A_0 = arith.muli %arg0, %mul3A : i32
    %add3A = arith.addi %mul3A_0, %arg1 : i32
    %c0_i32 = arith.constant 0 : i32
    %c0_i32_1 = arith.constant 0 : i32
    return %add3A, %c0_i32 : i32, i32
  }
  func.func @transform_1(%arg0: i32, %arg1: i32) -> (i32, i32) {
    %mul3A = arith.constant 8 : i32
    %mul3A_0 = arith.muli %arg0, %mul3A : i32
    %add3A = arith.addi %mul3A_0, %arg1 : i32
    %c0_i32 = arith.constant 0 : i32
    %c0_i32_1 = arith.constant 0 : i32
    return %add3A, %c0_i32 : i32, i32
  }
  func.func @transform_2(%arg0: i32, %arg1: i32) -> (i32, i32) {
    %c0_i32 = arith.constant 0 : i32
    %c0_i32_0 = arith.constant 0 : i32
    %c0_i32_1 = arith.constant 0 : i32
    return %c0_i32, %c0_i32_0 : i32, i32
  }
  func.func @transform_3(%arg0: i32, %arg1: i32) -> (i32, i32) {
    %mul3A = arith.constant 8 : i32
    %mul3A_0 = arith.muli %arg0, %mul3A : i32
    %add3A = arith.addi %mul3A_0, %arg1 : i32
    %c0_i32 = arith.constant 0 : i32
    %c0_i32_1 = arith.constant 0 : i32
    return %add3A, %c0_i32 : i32, i32
  }
  func.func @transform_4(%arg0: i32, %arg1: i32) -> (i32, i32) {
    %c0_i32 = arith.constant 0 : i32
    %c0_i32_0 = arith.constant 0 : i32
    %c0_i32_1 = arith.constant 0 : i32
    return %c0_i32, %c0_i32_0 : i32, i32
  }
}

module attributes {stable_mosaic.version = 14 : i64} {
  func.func @body(%arg0: i32, %arg1: i32, %arg2: memref<256x512xf32, #tpu.memory_space<vmem>>, %arg3: memref<8x512xf32, #tpu.memory_space<vmem>>, %arg4: memref<256x512xf32, #tpu.memory_space<vmem>>, %arg5: memref<256x512xf32, #tpu.memory_space<vmem>>) attributes {dimension_semantics = [#tpu.dimension_semantics<arbitrary>, #tpu.dimension_semantics<arbitrary>], iteration_bounds = array<i64: 8, 8>, scalar_prefetch = 0 : i64, scratch_operands = 0 : i64, tpu.core_type = #tpu.core_type<tc>, window_params = [{transform_indices = @transform_0, window_bounds = array<i64: 256, 512>}, {pipeline_mode = #tpu.pipeline_mode<synchronous>, transform_indices = @transform_1, window_bounds = array<i64: 8, 512>}, {transform_indices = @transform_2, window_bounds = array<i64: 256, 512>}, {transform_indices = @transform_3, window_bounds = array<i64: 256, 512>}]} {
    %get3A = arith.constant 0 : index
    %get3A_0 = arith.constant 0 : index
    %get3A_1 = vector.load %arg3[%get3A, %get3A_0] : memref<8x512xf32, #tpu.memory_space<vmem>>, vector<8x512xf32>
    %slice3A = vector.extract_strided_slice %get3A_1 {offsets = [0, 0], sizes = [1, 512], strides = [1, 1]} : vector<8x512xf32> to vector<1x512xf32>
    %div3A = arith.constant 1.310720e+05 : f32
    %div3A_2 = vector.broadcast %div3A : f32 to vector<1x512xf32>
    %div3A_3 = arith.divf %slice3A, %div3A_2 : vector<1x512xf32>
    %slice3A_4 = vector.extract_strided_slice %get3A_1 {offsets = [1, 0], sizes = [1, 512], strides = [1, 1]} : vector<8x512xf32> to vector<1x512xf32>
    %div3A_5 = arith.constant 1.310720e+05 : f32
    %div3A_6 = vector.broadcast %div3A_5 : f32 to vector<1x512xf32>
    %div3A_7 = arith.divf %slice3A_4, %div3A_6 : vector<1x512xf32>
    %mul3A = arith.mulf %div3A_3, %div3A_3 : vector<1x512xf32>
    %sub3A = arith.subf %div3A_7, %mul3A : vector<1x512xf32>
    %add3A = arith.constant 9.99999974E-6 : f32
    %add3A_8 = vector.broadcast %add3A : f32 to vector<1x512xf32>
    %add3A_9 = arith.addf %sub3A, %add3A_8 : vector<1x512xf32>
    %rsqrt3A = math.rsqrt %add3A_9 : vector<1x512xf32>
    %get3A_10 = arith.constant 0 : index
    %get3A_11 = arith.constant 0 : index
    %get3A_12 = vector.load %arg2[%get3A_10, %get3A_11] : memref<256x512xf32, #tpu.memory_space<vmem>>, vector<256x512xf32>
    %sub3A_13 = vector.broadcast %div3A_3 : vector<1x512xf32> to vector<256x512xf32>
    %sub3A_14 = arith.subf %get3A_12, %sub3A_13 : vector<256x512xf32>
    %mul3A_15 = vector.broadcast %rsqrt3A : vector<1x512xf32> to vector<256x512xf32>
    %mul3A_16 = arith.mulf %sub3A_14, %mul3A_15 : vector<256x512xf32>
    %ge3A = arith.constant 0.000000e+00 : f32
    %ge3A_17 = vector.broadcast %ge3A : f32 to vector<256x512xf32>
    %ge3A_18 = arith.cmpf oge, %mul3A_16, %ge3A_17 : vector<256x512xf32>
    %mul3A_19 = arith.constant 2.000000e-01 : f32
    %mul3A_20 = vector.broadcast %mul3A_19 : f32 to vector<256x512xf32>
    %mul3A_21 = arith.mulf %mul3A_20, %mul3A_16 : vector<256x512xf32>
    %select_n3A = arith.select %ge3A_18, %mul3A_16, %mul3A_21 : vector<256x512xi1>, vector<256x512xf32>
    %get3A_22 = arith.constant 0 : index
    %get3A_23 = arith.constant 0 : index
    %get3A_24 = vector.load %arg4[%get3A_22, %get3A_23] : memref<256x512xf32, #tpu.memory_space<vmem>>, vector<256x512xf32>
    %add3A_25 = arith.addf %select_n3A, %get3A_24 : vector<256x512xf32>
    %swap3A = arith.constant 0 : index
    %swap3A_26 = arith.constant 0 : index
    %swap3A_27 = vector.load %arg5[%swap3A, %swap3A_26] : memref<256x512xf32, #tpu.memory_space<vmem>>, vector<256x512xf32>
    tpu.vector_store %arg5[%swap3A, %swap3A_26], %add3A_25 {strides = array<i32>} : memref<256x512xf32, #tpu.memory_space<vmem>>, vector<256x512xf32>,
    return
  }
  func.func @transform_0(%arg0: i32, %arg1: i32) -> (i32, i32) {
    %mul3A = arith.constant 8 : i32
    %mul3A_0 = arith.muli %arg0, %mul3A : i32
    %add3A = arith.addi %mul3A_0, %arg1 : i32
    %c0_i32 = arith.constant 0 : i32
    %c0_i32_1 = arith.constant 0 : i32
    return %add3A, %c0_i32 : i32, i32
  }
  func.func @transform_1(%arg0: i32, %arg1: i32) -> (i32, i32) {
    %c0_i32 = arith.constant 0 : i32
    %c0_i32_0 = arith.constant 0 : i32
    %c0_i32_1 = arith.constant 0 : i32
    return %c0_i32, %c0_i32_0 : i32, i32
  }
  func.func @transform_2(%arg0: i32, %arg1: i32) -> (i32, i32) {
    %mul3A = arith.constant 8 : i32
    %mul3A_0 = arith.muli %arg0, %mul3A : i32
    %add3A = arith.addi %mul3A_0, %arg1 : i32
    %c0_i32 = arith.constant 0 : i32
    %c0_i32_1 = arith.constant 0 : i32
    return %add3A, %c0_i32 : i32, i32
  }
  func.func @transform_3(%arg0: i32, %arg1: i32) -> (i32, i32) {
    %mul3A = arith.constant 8 : i32
    %mul3A_0 = arith.muli %arg0, %mul3A : i32
    %add3A = arith.addi %mul3A_0, %arg1 : i32
    %c0_i32 = arith.constant 0 : i32
    %c0_i32_1 = arith.constant 0 : i32
    return %add3A, %c0_i32 : i32, i32
  }
}

module attributes {stable_mosaic.version = 14 : i64} {
  func.func @body(%arg0: i32, %arg1: i32, %arg2: memref<256x128xf32, #tpu.memory_space<vmem>>, %arg3: memref<256x128xf32, #tpu.memory_space<vmem>>, %arg4: memref<256x256xf32, #tpu.memory_space<vmem>>, %arg5: memref<256x512xf32, #tpu.memory_space<vmem>>, %arg6: memref<128x2048xbf16, #tpu.memory_space<vmem>>, %arg7: memref<128x2048xbf16, #tpu.memory_space<vmem>>, %arg8: memref<256x2048xbf16, #tpu.memory_space<vmem>>, %arg9: memref<512x2048xbf16, #tpu.memory_space<vmem>>, %arg10: memref<256x2048xf32, #tpu.memory_space<vmem>>, %arg11: memref<8x2048xf32, #tpu.memory_space<vmem>>) attributes {dimension_semantics = [#tpu.dimension_semantics<arbitrary>, #tpu.dimension_semantics<arbitrary>], iteration_bounds = array<i64: 8, 8>, scalar_prefetch = 0 : i64, scratch_operands = 0 : i64, tpu.core_type = #tpu.core_type<tc>, window_params = [{transform_indices = @transform_0, window_bounds = array<i64: 256, 128>}, {transform_indices = @transform_1, window_bounds = array<i64: 256, 128>}, {transform_indices = @transform_2, window_bounds = array<i64: 256, 256>}, {transform_indices = @transform_3, window_bounds = array<i64: 256, 512>}, {pipeline_mode = #tpu.pipeline_mode<synchronous>, transform_indices = @transform_4, window_bounds = array<i64: 128, 2048>}, {pipeline_mode = #tpu.pipeline_mode<synchronous>, transform_indices = @transform_5, window_bounds = array<i64: 128, 2048>}, {pipeline_mode = #tpu.pipeline_mode<synchronous>, transform_indices = @transform_6, window_bounds = array<i64: 256, 2048>}, {pipeline_mode = #tpu.pipeline_mode<synchronous>, transform_indices = @transform_7, window_bounds = array<i64: 512, 2048>}, {transform_indices = @transform_8, window_bounds = array<i64: 256, 2048>}, {pipeline_mode = #tpu.pipeline_mode<synchronous>, transform_indices = @transform_9, window_bounds = array<i64: 8, 2048>}]} {
    %get3A = arith.constant 0 : index
    %get3A_0 = arith.constant 0 : index
    %get3A_1 = vector.load %arg2[%get3A, %get3A_0] : memref<256x128xf32, #tpu.memory_space<vmem>>, vector<256x128xf32>
    %convert_element_type3A = arith.truncf %get3A_1 : vector<256x128xf32> to vector<256x128xbf16>
    %get3A_2 = arith.constant 0 : index
    %get3A_3 = arith.constant 0 : index
    %get3A_4 = vector.load %arg6[%get3A_2, %get3A_3] : memref<128x2048xbf16, #tpu.memory_space<vmem>>, vector<128x2048xbf16>
    %dot_general3A = arith.constant dense<0.000000e+00> : vector<256x2048xf32>
    %dot_general3A_5 = tpu.matmul %convert_element_type3A, %get3A_4, %dot_general3A {dimension_numbers = #tpu.dot_dimension_numbers<[1], [0], [0], [1], [0, 0, 1, 1], [], []>, transpose_lhs_hint = false} : vector<256x128xbf16>, vector<128x2048xbf16>, vector<256x2048xf32> -> vector<256x2048xf32>
    %get3A_6 = arith.constant 0 : index
    %get3A_7 = arith.constant 0 : index
    %get3A_8 = vector.load %arg3[%get3A_6, %get3A_7] : memref<256x128xf32, #tpu.memory_space<vmem>>, vector<256x128xf32>
    %convert_element_type3A_9 = arith.truncf %get3A_8 : vector<256x128xf32> to vector<256x128xbf16>
    %get3A_10 = arith.constant 0 : index
    %get3A_11 = arith.constant 0 : index
    %get3A_12 = vector.load %arg7[%get3A_10, %get3A_11] : memref<128x2048xbf16, #tpu.memory_space<vmem>>, vector<128x2048xbf16>
    %dot_general3A_13 = arith.constant dense<0.000000e+00> : vector<256x2048xf32>
    %dot_general3A_14 = tpu.matmul %convert_element_type3A_9, %get3A_12, %dot_general3A_13 {dimension_numbers = #tpu.dot_dimension_numbers<[1], [0], [0], [1], [0, 0, 1, 1], [], []>, transpose_lhs_hint = false} : vector<256x128xbf16>, vector<128x2048xbf16>, vector<256x2048xf32> -> vector<256x2048xf32>
    %add3A = arith.addf %dot_general3A_5, %dot_general3A_14 : vector<256x2048xf32>
    %get3A_15 = arith.constant 0 : index
    %get3A_16 = arith.constant 0 : index
    %get3A_17 = vector.load %arg4[%get3A_15, %get3A_16] : memref<256x256xf32, #tpu.memory_space<vmem>>, vector<256x256xf32>
    %convert_element_type3A_18 = arith.truncf %get3A_17 : vector<256x256xf32> to vector<256x256xbf16>
    %get3A_19 = arith.constant 0 : index
    %get3A_20 = arith.constant 0 : index
    %get3A_21 = vector.load %arg8[%get3A_19, %get3A_20] : memref<256x2048xbf16, #tpu.memory_space<vmem>>, vector<256x2048xbf16>
    %dot_general3A_22 = arith.constant dense<0.000000e+00> : vector<256x2048xf32>
    %dot_general3A_23 = tpu.matmul %convert_element_type3A_18, %get3A_21, %dot_general3A_22 {dimension_numbers = #tpu.dot_dimension_numbers<[1], [0], [0], [1], [0, 0, 1, 1], [], []>, transpose_lhs_hint = false} : vector<256x256xbf16>, vector<256x2048xbf16>, vector<256x2048xf32> -> vector<256x2048xf32>
    %add3A_24 = arith.addf %add3A, %dot_general3A_23 : vector<256x2048xf32>
    %get3A_25 = arith.constant 0 : index
    %get3A_26 = arith.constant 0 : index
    %get3A_27 = vector.load %arg5[%get3A_25, %get3A_26] : memref<256x512xf32, #tpu.memory_space<vmem>>, vector<256x512xf32>
    %convert_element_type3A_28 = arith.truncf %get3A_27 : vector<256x512xf32> to vector<256x512xbf16>
    %get3A_29 = arith.constant 0 : index
    %get3A_30 = arith.constant 0 : index
    %get3A_31 = vector.load %arg9[%get3A_29, %get3A_30] : memref<512x2048xbf16, #tpu.memory_space<vmem>>, vector<512x2048xbf16>
    %dot_general3A_32 = arith.constant dense<0.000000e+00> : vector<256x2048xf32>
    %dot_general3A_33 = tpu.matmul %convert_element_type3A_28, %get3A_31, %dot_general3A_32 {dimension_numbers = #tpu.dot_dimension_numbers<[1], [0], [0], [1], [0, 0, 1, 1], [], []>, transpose_lhs_hint = false} : vector<256x512xbf16>, vector<512x2048xbf16>, vector<256x2048xf32> -> vector<256x2048xf32>
    %add3A_34 = arith.addf %add3A_24, %dot_general3A_33 : vector<256x2048xf32>
    %swap3A = arith.constant 0 : index
    %swap3A_35 = arith.constant 0 : index
    %swap3A_36 = vector.load %arg10[%swap3A, %swap3A_35] : memref<256x2048xf32, #tpu.memory_space<vmem>>, vector<256x2048xf32>
    tpu.vector_store %arg10[%swap3A, %swap3A_35], %add3A_34 {strides = array<i32>} : memref<256x2048xf32, #tpu.memory_space<vmem>>, vector<256x2048xf32>,
    %reduce_sum3A = arith.constant dense<0.000000e+00> : vector<2048xf32>
    %reduce_sum3A_37 = vector.multi_reduction <add>, %add3A_34, %reduce_sum3A [0] : vector<256x2048xf32> to vector<2048xf32>
    %broadcast_in_dim3A = vector.shape_cast %reduce_sum3A_37 : vector<2048xf32> to vector<1x2048xf32>
    %mul3A = arith.mulf %add3A_34, %add3A_34 : vector<256x2048xf32>
    %reduce_sum3A_38 = arith.constant dense<0.000000e+00> : vector<2048xf32>
    %reduce_sum3A_39 = vector.multi_reduction <add>, %mul3A, %reduce_sum3A_38 [0] : vector<256x2048xf32> to vector<2048xf32>
    %broadcast_in_dim3A_40 = vector.shape_cast %reduce_sum3A_39 : vector<2048xf32> to vector<1x2048xf32>
    %broadcast_in_dim3A_41 = arith.constant 0.000000e+00 : f32
    %broadcast_in_dim3A_42 = vector.broadcast %broadcast_in_dim3A_41 : f32 to vector<6x2048xf32>
    %concatenate3A = tpu.concatenate %broadcast_in_dim3A, %broadcast_in_dim3A_40, %broadcast_in_dim3A_42 in 0 : vector<1x2048xf32>, vector<1x2048xf32>, vector<6x2048xf32> -> vector<8x2048xf32>
    %eq3A = arith.constant 0 : i32
    %eq3A_43 = arith.cmpi eq, %arg0, %eq3A : i32
    %eq3A_44 = arith.constant 0 : i32
    %eq3A_45 = arith.cmpi eq, %arg1, %eq3A_44 : i32
    %and3A = arith.andi %eq3A_43, %eq3A_45 : i1
    %convert_element_type3A_46 = arith.extui %and3A : i1 to i32
    %cond3A = arith.constant 0 : i32
    %cond3A_47 = arith.cmpi ne, %convert_element_type3A_46, %cond3A : i32
    scf.if %cond3A_47 {
      %swap3A_52 = arith.constant 0 : index
      %swap3A_53 = arith.constant 0 : index
      %swap3A_54 = vector.load %arg11[%swap3A_52, %swap3A_53] : memref<8x2048xf32, #tpu.memory_space<vmem>>, vector<8x2048xf32>
      tpu.vector_store %arg11[%swap3A_52, %swap3A_53], %concatenate3A {strides = array<i32>} : memref<8x2048xf32, #tpu.memory_space<vmem>>, vector<8x2048xf32>,
    } else {
    }
    %not3A = arith.constant true
    %not3A_48 = arith.xori %and3A, %not3A : i1
    %convert_element_type3A_49 = arith.extui %not3A_48 : i1 to i32
    %cond3A_50 = arith.constant 0 : i32
    %cond3A_51 = arith.cmpi ne, %convert_element_type3A_49, %cond3A_50 : i32
    scf.if %cond3A_51 {
      %get3A_52 = arith.constant 0 : index
      %get3A_53 = arith.constant 0 : index
      %get3A_54 = vector.load %arg11[%get3A_52, %get3A_53] : memref<8x2048xf32, #tpu.memory_space<vmem>>, vector<8x2048xf32>
      %add3A_55 = arith.addf %get3A_54, %concatenate3A : vector<8x2048xf32>
      %swap3A_56 = arith.constant 0 : index
      %swap3A_57 = arith.constant 0 : index
      %swap3A_58 = vector.load %arg11[%swap3A_56, %swap3A_57] : memref<8x2048xf32, #tpu.memory_space<vmem>>, vector<8x2048xf32>
      tpu.vector_store %arg11[%swap3A_56, %swap3A_57], %add3A_55 {strides = array<i32>} : memref<8x2048xf32, #tpu.memory_space<vmem>>, vector<8x2048xf32>,
    } else {
    }
    return
  }
  func.func @transform_0(%arg0: i32, %arg1: i32) -> (i32, i32) {
    %mul3A = arith.constant 8 : i32
    %mul3A_0 = arith.muli %arg0, %mul3A : i32
    %add3A = arith.addi %mul3A_0, %arg1 : i32
    %c0_i32 = arith.constant 0 : i32
    %c0_i32_1 = arith.constant 0 : i32
    return %add3A, %c0_i32 : i32, i32
  }
  func.func @transform_1(%arg0: i32, %arg1: i32) -> (i32, i32) {
    %mul3A = arith.constant 8 : i32
    %mul3A_0 = arith.muli %arg0, %mul3A : i32
    %add3A = arith.addi %mul3A_0, %arg1 : i32
    %c0_i32 = arith.constant 0 : i32
    %c0_i32_1 = arith.constant 0 : i32
    return %add3A, %c0_i32 : i32, i32
  }
  func.func @transform_2(%arg0: i32, %arg1: i32) -> (i32, i32) {
    %mul3A = arith.constant 8 : i32
    %mul3A_0 = arith.muli %arg0, %mul3A : i32
    %add3A = arith.addi %mul3A_0, %arg1 : i32
    %c0_i32 = arith.constant 0 : i32
    %c0_i32_1 = arith.constant 0 : i32
    return %add3A, %c0_i32 : i32, i32
  }
  func.func @transform_3(%arg0: i32, %arg1: i32) -> (i32, i32) {
    %mul3A = arith.constant 8 : i32
    %mul3A_0 = arith.muli %arg0, %mul3A : i32
    %add3A = arith.addi %mul3A_0, %arg1 : i32
    %c0_i32 = arith.constant 0 : i32
    %c0_i32_1 = arith.constant 0 : i32
    return %add3A, %c0_i32 : i32, i32
  }
  func.func @transform_4(%arg0: i32, %arg1: i32) -> (i32, i32) {
    %c0_i32 = arith.constant 0 : i32
    %c0_i32_0 = arith.constant 0 : i32
    %c0_i32_1 = arith.constant 0 : i32
    return %c0_i32, %c0_i32_0 : i32, i32
  }
  func.func @transform_5(%arg0: i32, %arg1: i32) -> (i32, i32) {
    %c0_i32 = arith.constant 0 : i32
    %c0_i32_0 = arith.constant 0 : i32
    %c0_i32_1 = arith.constant 0 : i32
    return %c0_i32, %c0_i32_0 : i32, i32
  }
  func.func @transform_6(%arg0: i32, %arg1: i32) -> (i32, i32) {
    %c0_i32 = arith.constant 0 : i32
    %c0_i32_0 = arith.constant 0 : i32
    %c0_i32_1 = arith.constant 0 : i32
    return %c0_i32, %c0_i32_0 : i32, i32
  }
  func.func @transform_7(%arg0: i32, %arg1: i32) -> (i32, i32) {
    %c0_i32 = arith.constant 0 : i32
    %c0_i32_0 = arith.constant 0 : i32
    %c0_i32_1 = arith.constant 0 : i32
    return %c0_i32, %c0_i32_0 : i32, i32
  }
  func.func @transform_8(%arg0: i32, %arg1: i32) -> (i32, i32) {
    %mul3A = arith.constant 8 : i32
    %mul3A_0 = arith.muli %arg0, %mul3A : i32
    %add3A = arith.addi %mul3A_0, %arg1 : i32
    %c0_i32 = arith.constant 0 : i32
    %c0_i32_1 = arith.constant 0 : i32
    return %add3A, %c0_i32 : i32, i32
  }
  func.func @transform_9(%arg0: i32, %arg1: i32) -> (i32, i32) {
    %c0_i32 = arith.constant 0 : i32
    %c0_i32_0 = arith.constant 0 : i32
    %c0_i32_1 = arith.constant 0 : i32
    return %c0_i32, %c0_i32_0 : i32, i32
  }
}

module attributes {stable_mosaic.version = 14 : i64} {
  func.func @body(%arg0: i32, %arg1: i32, %arg2: memref<256x2048xf32, #tpu.memory_space<vmem>>, %arg3: memref<8x2048xf32, #tpu.memory_space<vmem>>, %arg4: memref<1x8x2048xf32, #tpu.memory_space<vmem>>) attributes {dimension_semantics = [#tpu.dimension_semantics<arbitrary>, #tpu.dimension_semantics<arbitrary>], iteration_bounds = array<i64: 8, 8>, scalar_prefetch = 0 : i64, scratch_operands = 0 : i64, tpu.core_type = #tpu.core_type<tc>, window_params = [{transform_indices = @transform_0, window_bounds = array<i64: 256, 2048>}, {pipeline_mode = #tpu.pipeline_mode<synchronous>, transform_indices = @transform_1, window_bounds = array<i64: 8, 2048>}, {transform_indices = @transform_2, window_bounds = array<i64: 1, 8, 2048>}]} {
    %get3A = arith.constant 0 : index
    %get3A_0 = arith.constant 0 : index
    %get3A_1 = vector.load %arg3[%get3A, %get3A_0] : memref<8x2048xf32, #tpu.memory_space<vmem>>, vector<8x2048xf32>
    %slice3A = vector.extract_strided_slice %get3A_1 {offsets = [0, 0], sizes = [1, 2048], strides = [1, 1]} : vector<8x2048xf32> to vector<1x2048xf32>
    %div3A = arith.constant 1.638400e+04 : f32
    %div3A_2 = vector.broadcast %div3A : f32 to vector<1x2048xf32>
    %div3A_3 = arith.divf %slice3A, %div3A_2 : vector<1x2048xf32>
    %slice3A_4 = vector.extract_strided_slice %get3A_1 {offsets = [1, 0], sizes = [1, 2048], strides = [1, 1]} : vector<8x2048xf32> to vector<1x2048xf32>
    %div3A_5 = arith.constant 1.638400e+04 : f32
    %div3A_6 = vector.broadcast %div3A_5 : f32 to vector<1x2048xf32>
    %div3A_7 = arith.divf %slice3A_4, %div3A_6 : vector<1x2048xf32>
    %mul3A = arith.mulf %div3A_3, %div3A_3 : vector<1x2048xf32>
    %sub3A = arith.subf %div3A_7, %mul3A : vector<1x2048xf32>
    %add3A = arith.constant 9.99999974E-6 : f32
    %add3A_8 = vector.broadcast %add3A : f32 to vector<1x2048xf32>
    %add3A_9 = arith.addf %sub3A, %add3A_8 : vector<1x2048xf32>
    %rsqrt3A = math.rsqrt %add3A_9 : vector<1x2048xf32>
    %get3A_10 = arith.constant 0 : index
    %get3A_11 = arith.constant 0 : index
    %get3A_12 = vector.load %arg2[%get3A_10, %get3A_11] : memref<256x2048xf32, #tpu.memory_space<vmem>>, vector<256x2048xf32>
    %sub3A_13 = vector.broadcast %div3A_3 : vector<1x2048xf32> to vector<256x2048xf32>
    %sub3A_14 = arith.subf %get3A_12, %sub3A_13 : vector<256x2048xf32>
    %mul3A_15 = vector.broadcast %rsqrt3A : vector<1x2048xf32> to vector<256x2048xf32>
    %mul3A_16 = arith.mulf %sub3A_14, %mul3A_15 : vector<256x2048xf32>
    %ge3A = arith.constant 0.000000e+00 : f32
    %ge3A_17 = vector.broadcast %ge3A : f32 to vector<256x2048xf32>
    %ge3A_18 = arith.cmpf oge, %mul3A_16, %ge3A_17 : vector<256x2048xf32>
    %mul3A_19 = arith.constant 2.000000e-01 : f32
    %mul3A_20 = vector.broadcast %mul3A_19 : f32 to vector<256x2048xf32>
    %mul3A_21 = arith.mulf %mul3A_20, %mul3A_16 : vector<256x2048xf32>
    %select_n3A = arith.select %ge3A_18, %mul3A_16, %mul3A_21 : vector<256x2048xi1>, vector<256x2048xf32>
    %reduce_max3A = arith.constant dense<0xFF800000> : vector<2048xf32>
    %reduce_max3A_22 = vector.multi_reduction <maximumf>, %select_n3A, %reduce_max3A [0] : vector<256x2048xf32> to vector<2048xf32>
    %broadcast_in_dim3A = vector.shape_cast %reduce_max3A_22 : vector<2048xf32> to vector<1x2048xf32>
    %reduce_sum3A = arith.constant dense<0.000000e+00> : vector<2048xf32>
    %reduce_sum3A_23 = vector.multi_reduction <add>, %select_n3A, %reduce_sum3A [0] : vector<256x2048xf32> to vector<2048xf32>
    %broadcast_in_dim3A_24 = vector.shape_cast %reduce_sum3A_23 : vector<2048xf32> to vector<1x2048xf32>
    %broadcast_in_dim3A_25 = arith.constant 0.000000e+00 : f32
    %broadcast_in_dim3A_26 = vector.broadcast %broadcast_in_dim3A_25 : f32 to vector<6x2048xf32>
    %eq3A = arith.constant 0 : i32
    %eq3A_27 = arith.cmpi eq, %arg1, %eq3A : i32
    %convert_element_type3A = arith.extui %eq3A_27 : i1 to i32
    %cond3A = arith.constant 0 : i32
    %cond3A_28 = arith.cmpi ne, %convert_element_type3A, %cond3A : i32
    scf.if %cond3A_28 {
      %concatenate3A = tpu.concatenate %broadcast_in_dim3A, %broadcast_in_dim3A_24, %broadcast_in_dim3A_26 in 0 : vector<1x2048xf32>, vector<1x2048xf32>, vector<6x2048xf32> -> vector<8x2048xf32>
      %broadcast_in_dim3A_33 = vector.shape_cast %concatenate3A : vector<8x2048xf32> to vector<1x8x2048xf32>
      %swap3A = arith.constant 0 : index
      %swap3A_34 = arith.constant 0 : index
      %swap3A_35 = arith.constant 0 : index
      %swap3A_36 = vector.load %arg4[%swap3A, %swap3A_34, %swap3A_35] : memref<1x8x2048xf32, #tpu.memory_space<vmem>>, vector<1x8x2048xf32>
      tpu.vector_store %arg4[%swap3A, %swap3A_34, %swap3A_35], %broadcast_in_dim3A_33 {strides = array<i32>} : memref<1x8x2048xf32, #tpu.memory_space<vmem>>, vector<1x8x2048xf32>,
    } else {
    }
    %ne3A = arith.constant 0 : i32
    %ne3A_29 = arith.cmpi ne, %arg1, %ne3A : i32
    %convert_element_type3A_30 = arith.extui %ne3A_29 : i1 to i32
    %cond3A_31 = arith.constant 0 : i32
    %cond3A_32 = arith.cmpi ne, %convert_element_type3A_30, %cond3A_31 : i32
    scf.if %cond3A_32 {
      %get3A_33 = arith.constant 0 : index
      %get3A_34 = arith.constant 0 : index
      %get3A_35 = arith.constant 0 : index
      %get3A_36 = vector.load %arg4[%get3A_33, %get3A_34, %get3A_35] : memref<1x8x2048xf32, #tpu.memory_space<vmem>>, vector<1x8x2048xf32>
      %get3A_37 = vector.shape_cast %get3A_36 : vector<1x8x2048xf32> to vector<8x2048xf32>
      %slice3A_38 = vector.extract_strided_slice %get3A_37 {offsets = [0, 0], sizes = [1, 2048], strides = [1, 1]} : vector<8x2048xf32> to vector<1x2048xf32>
      %max3A = arith.maximumf %slice3A_38, %broadcast_in_dim3A : vector<1x2048xf32>
      %slice3A_39 = vector.extract_strided_slice %get3A_37 {offsets = [1, 0], sizes = [1, 2048], strides = [1, 1]} : vector<8x2048xf32> to vector<1x2048xf32>
      %add3A_40 = arith.addf %slice3A_39, %broadcast_in_dim3A_24 : vector<1x2048xf32>
      %concatenate3A = tpu.concatenate %max3A, %add3A_40, %broadcast_in_dim3A_26 in 0 : vector<1x2048xf32>, vector<1x2048xf32>, vector<6x2048xf32> -> vector<8x2048xf32>
      %broadcast_in_dim3A_41 = vector.shape_cast %concatenate3A : vector<8x2048xf32> to vector<1x8x2048xf32>
      %swap3A = arith.constant 0 : index
      %swap3A_42 = arith.constant 0 : index
      %swap3A_43 = arith.constant 0 : index
      %swap3A_44 = vector.load %arg4[%swap3A, %swap3A_42, %swap3A_43] : memref<1x8x2048xf32, #tpu.memory_space<vmem>>, vector<1x8x2048xf32>
      tpu.vector_store %arg4[%swap3A, %swap3A_42, %swap3A_43], %broadcast_in_dim3A_41 {strides = array<i32>} : memref<1x8x2048xf32, #tpu.memory_space<vmem>>, vector<1x8x2048xf32>,
    } else {
    }
    return
  }
  func.func @transform_0(%arg0: i32, %arg1: i32) -> (i32, i32) {
    %mul3A = arith.constant 8 : i32
    %mul3A_0 = arith.muli %arg0, %mul3A : i32
    %add3A = arith.addi %mul3A_0, %arg1 : i32
    %c0_i32 = arith.constant 0 : i32
    %c0_i32_1 = arith.constant 0 : i32
    return %add3A, %c0_i32 : i32, i32
  }
  func.func @transform_1(%arg0: i32, %arg1: i32) -> (i32, i32) {
    %c0_i32 = arith.constant 0 : i32
    %c0_i32_0 = arith.constant 0 : i32
    %c0_i32_1 = arith.constant 0 : i32
    return %c0_i32, %c0_i32_0 : i32, i32
  }
  func.func @transform_2(%arg0: i32, %arg1: i32) -> (i32, i32, i32) {
    %c0_i32 = arith.constant 0 : i32
    %c0_i32_0 = arith.constant 0 : i32
    %c0_i32_1 = arith.constant 0 : i32
    return %arg0, %c0_i32, %c0_i32_0 : i32, i32, i32
  }
}

module attributes {stable_mosaic.version = 14 : i64} {
  func.func @body(%arg0: i32, %arg1: memref<8x8x2048xf32, #tpu.memory_space<vmem>>, %arg2: memref<4096x512xbf16, #tpu.memory_space<vmem>>, %arg3: memref<1x512xf32, #tpu.memory_space<vmem>>, %arg4: memref<8x512xf32, #tpu.memory_space<vmem>>) attributes {dimension_semantics = [#tpu.dimension_semantics<arbitrary>], iteration_bounds = array<i64: 8>, scalar_prefetch = 0 : i64, scratch_operands = 0 : i64, tpu.core_type = #tpu.core_type<tc>, window_params = [{pipeline_mode = #tpu.pipeline_mode<synchronous>, transform_indices = @transform_0, window_bounds = array<i64: 8, 8, 2048>}, {transform_indices = @transform_1, window_bounds = array<i64: 4096, 512>}, {transform_indices = @transform_2, window_bounds = array<i64: 1, 512>}, {transform_indices = @transform_3, window_bounds = array<i64: 8, 512>}]} {
    %get3A = arith.constant 0 : index
    %get3A_0 = arith.constant 0 : index
    %get3A_1 = arith.constant 0 : index
    %get3A_2 = vector.load %arg1[%get3A, %get3A_0, %get3A_1] : memref<8x8x2048xf32, #tpu.memory_space<vmem>>, vector<8x1x2048xf32>
    %get3A_3 = vector.shape_cast %get3A_2 : vector<8x1x2048xf32> to vector<8x2048xf32>
    %convert_element_type3A = arith.truncf %get3A_3 : vector<8x2048xf32> to vector<8x2048xbf16>
    %get3A_4 = arith.constant 0 : index
    %get3A_5 = arith.constant 1 : index
    %get3A_6 = arith.constant 0 : index
    %get3A_7 = vector.load %arg1[%get3A_4, %get3A_5, %get3A_6] : memref<8x8x2048xf32, #tpu.memory_space<vmem>>, vector<8x1x2048xf32>
    %get3A_8 = vector.shape_cast %get3A_7 : vector<8x1x2048xf32> to vector<8x2048xf32>
    %div3A = arith.constant 2.048000e+03 : f32
    %div3A_9 = vector.broadcast %div3A : f32 to vector<8x2048xf32>
    %div3A_10 = arith.divf %get3A_8, %div3A_9 : vector<8x2048xf32>
    %convert_element_type3A_11 = arith.truncf %div3A_10 : vector<8x2048xf32> to vector<8x2048xbf16>
    %get3A_12 = arith.constant 0 : index
    %get3A_13 = arith.constant 0 : index
    %get3A_14 = vector.load %arg2[%get3A_12, %get3A_13] : memref<4096x512xbf16, #tpu.memory_space<vmem>>, vector<4096x512xbf16>
    %slice3A = vector.extract_strided_slice %get3A_14 {offsets = [0, 0], sizes = [2048, 512], strides = [1, 1]} : vector<4096x512xbf16> to vector<2048x512xbf16>
    %dot_general3A = arith.constant dense<0.000000e+00> : vector<8x512xf32>
    %dot_general3A_15 = tpu.matmul %convert_element_type3A, %slice3A, %dot_general3A {dimension_numbers = #tpu.dot_dimension_numbers<[1], [0], [0], [1], [0, 0, 1, 1], [], []>, transpose_lhs_hint = false} : vector<8x2048xbf16>, vector<2048x512xbf16>, vector<8x512xf32> -> vector<8x512xf32>
    %slice3A_16 = vector.extract_strided_slice %get3A_14 {offsets = [2048, 0], sizes = [2048, 512], strides = [1, 1]} : vector<4096x512xbf16> to vector<2048x512xbf16>
    %dot_general3A_17 = arith.constant dense<0.000000e+00> : vector<8x512xf32>
    %dot_general3A_18 = tpu.matmul %convert_element_type3A_11, %slice3A_16, %dot_general3A_17 {dimension_numbers = #tpu.dot_dimension_numbers<[1], [0], [0], [1], [0, 0, 1, 1], [], []>, transpose_lhs_hint = false} : vector<8x2048xbf16>, vector<2048x512xbf16>, vector<8x512xf32> -> vector<8x512xf32>
    %add3A = arith.addf %dot_general3A_15, %dot_general3A_18 : vector<8x512xf32>
    %get3A_19 = arith.constant 0 : index
    %get3A_20 = arith.constant 0 : index
    %get3A_21 = vector.load %arg3[%get3A_19, %get3A_20] : memref<1x512xf32, #tpu.memory_space<vmem>>, vector<1x512xf32>
    %add3A_22 = vector.broadcast %get3A_21 : vector<1x512xf32> to vector<8x512xf32>
    %add3A_23 = arith.addf %add3A, %add3A_22 : vector<8x512xf32>
    %reduce_sum3A = arith.constant dense<0.000000e+00> : vector<512xf32>
    %reduce_sum3A_24 = vector.multi_reduction <add>, %add3A_23, %reduce_sum3A [0] : vector<8x512xf32> to vector<512xf32>
    %broadcast_in_dim3A = vector.shape_cast %reduce_sum3A_24 : vector<512xf32> to vector<1x512xf32>
    %div3A_25 = arith.constant 8.000000e+00 : f32
    %div3A_26 = vector.broadcast %div3A_25 : f32 to vector<1x512xf32>
    %div3A_27 = arith.divf %broadcast_in_dim3A, %div3A_26 : vector<1x512xf32>
    %mul3A = arith.mulf %add3A_23, %add3A_23 : vector<8x512xf32>
    %reduce_sum3A_28 = arith.constant dense<0.000000e+00> : vector<512xf32>
    %reduce_sum3A_29 = vector.multi_reduction <add>, %mul3A, %reduce_sum3A_28 [0] : vector<8x512xf32> to vector<512xf32>
    %broadcast_in_dim3A_30 = vector.shape_cast %reduce_sum3A_29 : vector<512xf32> to vector<1x512xf32>
    %div3A_31 = arith.constant 8.000000e+00 : f32
    %div3A_32 = vector.broadcast %div3A_31 : f32 to vector<1x512xf32>
    %div3A_33 = arith.divf %broadcast_in_dim3A_30, %div3A_32 : vector<1x512xf32>
    %mul3A_34 = arith.mulf %div3A_27, %div3A_27 : vector<1x512xf32>
    %sub3A = arith.subf %div3A_33, %mul3A_34 : vector<1x512xf32>
    %add3A_35 = arith.constant 9.99999974E-6 : f32
    %add3A_36 = vector.broadcast %add3A_35 : f32 to vector<1x512xf32>
    %add3A_37 = arith.addf %sub3A, %add3A_36 : vector<1x512xf32>
    %rsqrt3A = math.rsqrt %add3A_37 : vector<1x512xf32>
    %sub3A_38 = vector.broadcast %div3A_27 : vector<1x512xf32> to vector<8x512xf32>
    %sub3A_39 = arith.subf %add3A_23, %sub3A_38 : vector<8x512xf32>
    %mul3A_40 = vector.broadcast %rsqrt3A : vector<1x512xf32> to vector<8x512xf32>
    %mul3A_41 = arith.mulf %sub3A_39, %mul3A_40 : vector<8x512xf32>
    %max3A = arith.constant 0.000000e+00 : f32
    %max3A_42 = vector.broadcast %max3A : f32 to vector<8x512xf32>
    %max3A_43 = arith.maximumf %mul3A_41, %max3A_42 : vector<8x512xf32>
    %swap3A = arith.constant 0 : index
    %swap3A_44 = arith.constant 0 : index
    %swap3A_45 = vector.load %arg4[%swap3A, %swap3A_44] : memref<8x512xf32, #tpu.memory_space<vmem>>, vector<8x512xf32>
    tpu.vector_store %arg4[%swap3A, %swap3A_44], %max3A_43 {strides = array<i32>} : memref<8x512xf32, #tpu.memory_space<vmem>>, vector<8x512xf32>,
    return
  }
  func.func @transform_0(%arg0: i32) -> (i32, i32, i32) {
    %c0_i32 = arith.constant 0 : i32
    %c0_i32_0 = arith.constant 0 : i32
    %c0_i32_1 = arith.constant 0 : i32
    %c0_i32_2 = arith.constant 0 : i32
    return %c0_i32, %c0_i32_0, %c0_i32_1 : i32, i32, i32
  }
  func.func @transform_1(%arg0: i32) -> (i32, i32) {
    %c0_i32 = arith.constant 0 : i32
    %c0_i32_0 = arith.constant 0 : i32
    return %c0_i32, %arg0 : i32, i32
  }
  func.func @transform_2(%arg0: i32) -> (i32, i32) {
    %c0_i32 = arith.constant 0 : i32
    %c0_i32_0 = arith.constant 0 : i32
    return %c0_i32, %arg0 : i32, i32
  }
  func.func @transform_3(%arg0: i32) -> (i32, i32) {
    %c0_i32 = arith.constant 0 : i32
    %c0_i32_0 = arith.constant 0 : i32
    return %c0_i32, %arg0 : i32, i32
  }
}

</mosaic_0001>

<sc_bundles>
// kernel: kernel.21.cloned.1.call-start
scs
__scs_entry_jumppad:
0x0: {  	(pc) =	sbr.rel $0x88, $3  }
0x1: {  	(tag) =	ssettag $0x0;
	lr =	simm.s32 $0x1  }
0x2: {  	[smem:$0x3F96] =	sst lr;
	_ =	strace $0xD0000000  }
0x3: {  	_ = 	snop  }
0x4: {  	_ = 	snop  }
0x5: {  	_ = 	snop  }
0x6: {  	_ = 	snop  }
0x7: {  	_ = 	snop  }
__scs_overlays_trampoline_lowered:
0x8: {  	[smem:$0x3FA5] =	sst s0  }
0x9: {  	[smem:$0x3FA6] =	sst s1  }
0xa: {  	[smem:$0x3FA7] =	sst s2  }
0xb: {  	[smem:$0x3FA8] =	sst s3  }
0xc: {  	[smem:$0x3FA9] =	sst s4  }
0xd: {  	[smem:$0x3FAA] =	sst s5  }
0xe: {  	[smem:$0x3FAB] =	sst s6  }
0xf: {  	[smem:$0x3FAC] =	sst s7  }
0x10: {  	[smem:$0x3FAD] =	sst s8  }
0x11: {  	[smem:$0x3FAE] =	sst s9;
	s0 =	simm.s32 @!p0 $0x0  }
0x12: {  	s1 =	sld [smem:$0x3F94];
	s0 =	simm.s32 @p0 $0x1  }
0x13: {  	[smem:$0x3FAF] =	sst s0;
	s0 =	simm.s32 @!p1 $0x0  }
0x14: {  	s2 =	sld [smem:$0x3F93];
	s0 =	simm.s32 @p1 $0x1  }
0x15: {  	[smem:$0x3FB0] =	sst s0;
	s0 =	simm.s32 @!p2 $0x0  }
0x16: {  	s3 =	sld [smem:$0x3FDB];
	s0 =	simm.s32 @p2 $0x1  }
0x17: {  	s4 =	simm.s32 $0x1BF5;
	[smem:$0x3FB2] =	sst s0  }
0x18: {  	s0 =	sld [smem:$0x3F95];
	_ =	swait.ge [sflag:s4], $0x0  }
0x19: {  	s7 =	sld [smem:$0x3F96]  }
0x1a: {  	s8 =	sadd.s32 $0xFFFFE003, lr  }
0x1b: {  	s9 =	sadd.s32 $0xFFFFFEF7, lr;
	s5 =	simm.s32 $0xFFFFFFFF;
	p2 =	slt.u32 s8, $0xFFFFF086  }
0x1c: {  	p1 =	slt.u32 s9, $0xF7A;
	s5 =	simm.s32 @!p2 $0x0  }
0x1d: {  	s5 =	simm.s32 @p1 $0x1;
	p0 =	seq.s32 s7, s2  }
0x1e: {  	s7 =	smul.u32 @!p0 $0xF7A, s2;
	p2 =	seq.s32 @!p0 s5, $0x0  }
0x1f: {  	s9 =	smul.u32 $0xF7A, s1;
	s8 =	simm.s32 @!p0 $0x1BF5;
	p2 =	por !p2, p0  }
0x20: {  	[sflag:s8] =	ssyncset.s32 @!p0 $0xFFFFF086;
	s6 =	sadd.s32 @!p0 s3, s7;
	s7 =	simm.s32 @!p0 $0x108  }
0x21: {  	s3 =	sadd.s32 s3, s9;
	s6 =	sadd.s32 @!p0 $0x88, s6;
	s7 =	simm.s32 @p2 $0x1082  }
0x22: {  	[simem:s7], [sflag:s8] =	dma.local @!p0 [hbm:s6], $0xF7A  }
0x23: {  	s9 =	sor.u32 $0xD0000000, s2;
	s6 =	simm.s32 $0x108;
	_ =	swait.ge @!p0 [sflag:s8], $0x0  }
0x24: {  	s3 =	sadd.s32 $0x88, s3;
	s6 =	simm.s32 @!p1 $0x1082;
	[sflag:s4] =	ssyncset.s32 $0xFFFFF086  }
0x25: {  	[simem:s6], [sflag:s4] =	dma.local [hbm:s3], $0xF7A  }
0x26: {  	[smem:$0x3F96] =	sst s1;
	(tag) =	ssettag s2;
	_ =	strace s9  }
0x27: {  	s1 =	sld [smem:$0x3FA6]  }
0x28: {  	s2 =	sld [smem:$0x3FA7]  }
0x29: {  	s4 =	sld [smem:$0x3FA9]  }
0x2a: {  	p0 =	seq.s32 s5, $0x0;
	s5 =	sld [smem:$0x3FAA]  }
0x2b: {  	s6 =	sld [smem:$0x3FAB]  }
0x2c: {  	s7 =	sld [smem:$0x3FAC]  }
0x2d: {  	s3 =	simm.s32 $0x108;
	s8 =	sld [smem:$0x3FAD]  }
0x2e: {  	s3 =	simm.s32 @!p0 $0x1082;
	s9 =	sld [smem:$0x3FAE]  }
0x2f: {  	lr =	sadd.s32 s0, s3;
	s0 =	sld [smem:$0x3FA5]  }
0x30: {  	s3 =	sld [smem:$0x3FA8]  }
0x31: {  	[smem:$0x3FB1] =	sst s10  }
0x32: {  	s10 =	sld [smem:$0x3FAF];
	_ =	sdelay $0x3  }
0x33: {  	p0 =	seq.s32 s10, $0x1;
	s10 =	sld [smem:$0x3FB1];
	_ =	sdelay $0x3  }
0x34: {  	[smem:$0x3FB1] =	sst s10  }
0x35: {  	s10 =	sld [smem:$0x3FB0];
	_ =	sdelay $0x3  }
0x36: {  	p1 =	seq.s32 s10, $0x1;
	s10 =	sld [smem:$0x3FB1];
	_ =	sdelay $0x3  }
0x37: {  	[smem:$0x3FB1] =	sst s10  }
0x38: {  	s10 =	sld [smem:$0x3FB2]  }
0x39: {  	_ = 	snop;
	(pc) =	sbr.ind lr, $3  }
0x3a: {  	_ = 	snop  }
0x3b: {  	_ = 	snop  }
0x3c: {  	p2 =	seq.s32 s10, $0x1;
	s10 =	sld [smem:$0x3FB1]  }
0x3d: {  	_ =	shalt  }
0x3e: {  	_ =	shalt  }
0x3f: {  	_ =	shalt  }
0x40: {  	_ =	shalt  }
0x41: {  	_ =	shalt  }
0x42: {  	_ =	shalt  }
0x43: {  	_ =	shalt  }
0x44: {  	_ =	shalt  }
0x45: {  	_ =	shalt  }
0x46: {  	_ =	shalt  }
0x47: {  	_ =	shalt  }
0x48: {  	_ =	shalt  }
0x49: {  	_ =	shalt  }
0x4a: {  	_ =	shalt  }
0x4b: {  	_ =	shalt  }
0x4c: {  	_ =	shalt  }
0x4d: {  	_ =	shalt  }
0x4e: {  	_ =	shalt  }
0x4f: {  	_ =	shalt  }
0x50: {  	_ =	shalt  }
0x51: {  	_ =	shalt  }
0x52: {  	_ =	shalt  }
0x53: {  	_ =	shalt  }
0x54: {  	_ =	shalt  }
0x55: {  	_ =	shalt  }
0x56: {  	_ =	shalt  }
0x57: {  	_ =	shalt  }
0x58: {  	_ =	shalt  }
0x59: {  	_ =	shalt  }
0x5a: {  	_ =	shalt  }
0x5b: {  	_ =	shalt  }
0x5c: {  	_ =	shalt  }
0x5d: {  	_ =	shalt  }
0x5e: {  	_ =	shalt  }
0x5f: {  	_ =	shalt  }
0x60: {  	_ =	shalt  }
0x61: {  	_ =	shalt  }
0x62: {  	_ =	shalt  }
0x63: {  	_ =	shalt  }
0x64: {  	_ =	shalt  }
0x65: {  	_ =	shalt  }
0x66: {  	_ =	shalt  }
0x67: {  	_ =	shalt  }
0x68: {  	_ =	shalt  }
0x69: {  	_ =	shalt  }
0x6a: {  	_ =	shalt  }
0x6b: {  	_ =	shalt  }
0x6c: {  	_ =	shalt  }
0x6d: {  	_ =	shalt  }
0x6e: {  	_ =	shalt  }
0x6f: {  	_ =	shalt  }
0x70: {  	_ =	shalt  }
0x71: {  	_ =	shalt  }
0x72: {  	_ =	shalt  }
0x73: {  	_ =	shalt  }
0x74: {  	_ =	shalt  }
0x75: {  	_ =	shalt  }
0x76: {  	_ =	shalt  }
0x77: {  	_ =	shalt  }
0x78: {  	_ =	shalt  }
0x79: {  	_ =	shalt  }
0x7a: {  	_ =	shalt  }
0x7b: {  	_ =	shalt  }
0x7c: {  	_ =	shalt  }
0x7d: {  	_ =	shalt  }
0x7e: {  	_ =	shalt  }
0x7f: {  	_ =	shalt  }
0x80: {  	_ =	shalt  }
0x81: {  	_ =	shalt  }
0x82: {  	_ =	shalt  }
0x83: {  	_ =	shalt  }
0x84: {  	_ =	shalt  }
0x85: {  	_ =	shalt  }
0x86: {  	_ =	shalt  }
0x87: {  	_ =	shalt  }
.Lfunc_end0:
.L_simem_size_0:
called_computation_lowered:
.L_overlay_start_0:
0x88: {  	s2 =	sld [smem:$0x3FD9]  }
0x89: {  	s3 =	sld [smem:$0x3FFE];
	_ =	sdelay $0x1  }
0x8a: {  	s1 =	srdreg.scid  }
0x8b: {  	s0 =	sand.u32 $0x1, s1  }
0x8c: {  	s16 =	sshll.u32 s0, $0xA;
	s2 =	sadd.s32 s3, s2  }
0x8d: {  	s2 =	sadd.s32 s2, s16  }
0x8e: {  	[smem:$0x3FBD] =	sst s2  }
0x8f: {  	_ = 	snop  }
0x90: {  	(tm) =	ssettm $0x1  }
0x91: {  	s17 =	sld [smem:$0x3FFB];
	_ =	sdelay $0x3  }
0x92: {  	_ =	strace s17  }
0x93: {  	s2 =	sld [smem:$0x3FFC];
	_ =	sdelay $0x3  }
0x94: {  	_ =	strace s2  }
0x95: {  	s2 =	sld [smem:$0x3FFD];
	_ =	sdelay $0x3  }
0x96: {  	_ =	strace s2  }
0x97: {  	_ =	strace $0x8FFFFFFF  }
0x98: {  	s18 =	sld [smem:$0x3FDB];
	_ =	sdelay $0x1  }
0x99: {  	s19 =	simm.s32 $_scs_section_size  }
0x9a: {  	s4 =	simm.s32 $_size__tile_overlayer_lowered;
	s5 =	simm.s32 $_tile_overlayer_lowered  }
0x9b: {  	s22 =	simm.s32 $0x1BFF;
	s21 =	sshll.u32 s5, $0x1;
	s2 =	sadd.s32 s19, s18  }
0x9c: {  	s6 =	simm.s32 $0x0;
	s20 =	sshll.u32 s4, $0x1;
	s4 =	sadd.s32 s21, s2  }
0x9d: {  	[timem:s6], [sflag:s22] =	dma.local [hbm:s4], s20  }
0x9e: {  	_ =	swait.ge [sflag:s22], s20  }
0x9f: {  	s3 =	ssub.s32 $0x0, s20;
	[sflag:s22] =	ssyncset.done $0x0  }
0xa0: {  	[sflag:s22] =	ssyncadd.s32 s3;
	_ =	sdelay $0x1  }
0xa1: {  	s23 =	simm.s32 $0x1B8B  }
0xa2: {  	_ =	swait.ge [sflag:s23], $0x1  }
0xa3: {  	[sflag:s23] =	ssyncset.done $0x0  }
0xa4: {  	s25 =	simm.s32 $0x1B8E;
	s24 =	sld [smem:$0x3FFE];
	[sflag:s23] =	ssyncadd.s32 $0xFFFFFFFF  }
0xa5: {  	s26 =	simm.s32 $execute0_lowered;
	[smem:$0x3FD2] =	sst s25  }
0xa6: {  	s4 =	sshll.u32 s26, $0x1;
	_ =	strace $0x80000046;
	[dreg:$0x1] =	wrdreg $0xFFFFFFFF  }
0xa7: {  	s28 =	simm.s32 $_size_execute0_lowered;
	s2 =	sadd.s32 s2, s4;
	[dreg:$0x0] =	wrdreg $0x0  }
0xa8: {  	s4 =	sshll.u32 s28, $0x1;
	[dreg:$0x2] =	wrdreg s2  }
0xa9: {  	[dreg:$0x3] =	wrdreg s4  }
0xaa: {  	[dreg:$0x4] =	wrdreg $0xC0  }
0xab: {  	_ =	task [dreg:s6], $0x5FFFF  }
0xac: {  	[dreg:$0x1] =	wrdreg $0xFFFFFFFF  }
0xad: {  	[dreg:$0x0] =	wrdreg $0x60  }
0xae: {  	[dreg:$0x2] =	wrdreg s24  }
0xaf: {  	[dreg:$0x3] =	wrdreg $0x9  }
0xb0: {  	_ =	task.clear_ibuf [dreg:s6], $0x4FFFF;
	_ =	strace $0x90000046  }
0xb1: {  	s29 =	simm.s32 $0x9;
	_ =	strace $0x80000048  }
0xb2: {  	_ =	swait.ge [sflag:s29], $0x1  }
0xb3: {  	[sflag:s29] =	ssyncadd.s32 $0xFFFFFFFF  }
0xb4: {  	_ =	strace $0x90000048  }
0xb5: {  	_ =	sfence  }
0xb6: {  	s30 =	sld [smem:$0x0];
	_ =	sdelay $0x2  }
0xb7: {  	s31 =	sshll.u32 s1, $0xD;
	s1 =	sshrl.u32 s1, $0x2  }
0xb8: {  	s3 =	sand.u32 $0x4000, s31;
	s1 =	sadd.s32 s1, s30  }
0xb9: {  	s0 =	sor.u32 s3, s0;
	s1 =	sshll.u32 s1, $0x11  }
0xba: {  	s0 =	sor.u32 s1, s0  }
0xbb: {  	s0 =	sadd.s32 $0x8F2B, s0  }
0xbc: {  	[sflag:s0] =	ssyncadd.remote.s32 $0x1  }
0xbd: {  	_ =	sfence.sel $0xFFFF  }
0xbe: {  	[dreg:$0x0] =	wrdreg $0xFFFFFFFF;
	(pc) =	sbr.abs _section_cstart, $3  }
0xbf: {  	[dreg:$0x1] =	wrdreg $0xFFFFFFFF  }
0xc0: {  	_ =	task.clear_ibuf [dreg:s6], $0x2FFFF;
	_ =	strace $0x9FFFFFFF  }
0xc1: {  	(tm) =	ssettm $0x7FFFFFFF  }
tec
execute0_lowered:
.L_overlay_start_1:
0x0: {  	(tag) =	ssettag $0x1  }
0x1: {  	s4 =	rddreg [dreg:$0x0]  }
0x2: {  	s0 =	rddreg [dreg:$0x1];
	s2 =	simm.s32 $0x0  }
0x3: {  	s3 =	srdreg.scid;
	s1 =	stileid.u32;
	s11 =	simm.s32 $0x3  }
0x4: {  	s12 =	simm.s32 $0x80;
	s13 =	simm.s32 $0x5000;
	s14 =	simm.s32 $0x4  }
0x5: {  	s15 =	simm.s32 $0x1;
	s16 =	simm.s32 $0x0;
	[smem:$0x7FF] =	sst s2  }
0x6: {  	s5 =	sand.u32 $0x1, s3;
	s29 =	sshll.u32 s1, $0x1;
	s3 =	sadd.s32 $0x7600, s4  }
0x7: {  	s10 =	sadd.s32 $0x4B600, s4;
	s30 =	sshll.u32 s1, $0x11;
	_ =	strace $0x80000047  }
0x8: {  	s6 =	sor.u32 s5, s29;
	s7 =	ssub.s32 $0x2, s5;
	s31 =	sshll.u32 s5, $0x10  }
.Ltmp0:
0x9: {  	s8 =	sshll.u32 s6, $0x9;
	s9 =	sshrl.u32 s7, $0x1;
	(pc) =	sbr.rel .LBB2_1-.Ltmp0, $4  }
0xa: {  	s6 =	sshll.u32 s6, $0x10;
	s8 =	sadd.s32 s8, s4;
	s7 =	ssub.s32 s7, s9  }
0xb: {  	s6 =	sadd.s32 s6, s10;
	s9 =	simm.s32 $0x1000;
	s4 =	sadd.s32 $0x47600, s8  }
0xc: {  	s8 =	sadd.s32 s30, s10;
	s5 =	smax.u32 s7, $0x1;
	s6 =	sadd.s32 $0xF800, s6  }
0xd: {  	s10 =	simm.s32 $0x2;
	s7 =	sadd.s32 s31, s8;
	s8 =	simm.s32 $0x5  }
.LBB2_10:
0xe: {  	_ =	swait.ge [sflag:s10], $0x4000  }
0xf: {  	[sflag:s10] =	ssyncset.done $0x0  }
0x10: {  	s16 =	sadd.s32 $0x1, s16;
	[sflag:s10] =	ssyncadd.s32 $0xFFFFC000  }
0x11: {  	[hbm4b:s6+s2] =	stream.linear.scatter [tilespmem:s13], [sflag:$0x4], $0x4000, $0x38;
	[tilespmem:$0x9000] =	vst v63  }
0x12: {  	p0 =	sne.s32 s16, s5;
	_ =	swait.ge [sflag:s11], $0x4000  }
.Ltmp1:
0x13: {  	[sflag:s11] =	ssyncset.done $0x0;
	(pc) =	sbr.rel @!p0 .LBB2_11-.Ltmp1, $4  }
0x14: {  	[sflag:s11] =	ssyncadd.s32 $0xFFFFC000  }
0x15: {  	_ =	swait.ge [sflag:s14], $0x4000  }
0x16: {  	[sflag:s14] =	ssyncset.done $0x0  }
0x17: {  	[sflag:s14] =	ssyncadd.s32 $0xFFFFC000  }
.LBB2_1:
0x18: {  	[tilespmem:s2], [sflag:$0x5] =	stream.linear.gather [hbm4b:s4+s2], $0x1000, $0x38;
	[tilespmem:$0x9000] =	vst v63  }
.Ltmp2:
0x19: {  	_ = 	snop;
	(pc) =	sbr.rel .LBB2_2-.Ltmp2, $4  }
0x1a: {  	_ =	swait.ge [sflag:s8], $0x1000  }
0x1b: {  	s17 =	simm.s32 $0x80;
	[sflag:s8] =	ssyncset.done $0x0  }
0x1c: {  	s18 =	smov.u32 s7;
	s19 =	simm.s32 $0x0;
	[sflag:s8] =	ssyncadd.s32 $0xFFFFF000  }
0x1d: {  	[tilespmem:s9], [sflag:$0x1] =	stream.indirect.gather [hbm4b:s3+s12], $0x80, s2, s12, $0xb8;
	[tilespmem:$0x9000] =	vst v63  }
.LBB2_8:
0x1e: {  	_ =	swait.ge [sflag:s10], $0x4000  }
0x1f: {  	[sflag:s10] =	ssyncset.done $0x0  }
0x20: {  	[sflag:s10] =	ssyncadd.s32 $0xFFFFC000  }
0x21: {  	_ =	swait.ge [sflag:s11], $0x4000  }
0x22: {  	[sflag:s11] =	ssyncset.done $0x0  }
0x23: {  	[sflag:s11] =	ssyncadd.s32 $0xFFFFC000  }
0x24: {  	[tilespmem:s9], [sflag:$0x1] =	stream.indirect.gather [hbm4b:s3+s12], $0x80, s17, s12, $0xb8;
	[tilespmem:$0x9000] =	vst v63  }
0x25: {  	_ = 	snop  }
0x26: {  	[hbm4b:s18+s2] =	stream.linear.scatter [tilespmem:s13], [sflag:$0x4], $0x4000, $0x38;
	[tilespmem:$0x9000] =	vst v63  }
.LBB2_9:
0x27: {  	s19 =	sadd.s32 $0x1, s19  }
0x28: {  	p0 =	sne.s32 s19, $0x1F  }
.Ltmp3:
0x29: {  	_ = 	snop;
	(pc) =	sbr.rel @!p0 .LBB2_10-.Ltmp3, $2  }
0x2a: {  	_ =	sdelay $0x2  }
0x2b: {  	s18 =	sadd.s32 $0x800, s18;
	s17 =	sadd.s32 $0x80, s17  }
.LBB2_2:
0x2c: {  	s20 =	sand.u32 $0x1, s19  }
0x2d: {  	p0 =	seq.s32 s20, $0x1  }
.Ltmp4:
0x2e: {  	_ = 	snop;
	(pc) =	sbr.rel @p0 .LBB2_8-.Ltmp4, $1  }
0x2f: {  	_ =	sdelay $0x3  }
0x30: {  	p0 =	seq.s32 s19, $0x0  }
.Ltmp5:
0x31: {  	_ = 	snop;
	(pc) =	sbr.rel @p0 .LBB2_6-.Ltmp5, $4  }
0x32: {  	_ = 	snop  }
0x33: {  	_ =	swait.ge [sflag:s15], $0x4000  }
0x34: {  	[sflag:s15] =	ssyncset.done $0x0  }
0x35: {  	[sflag:s15] =	ssyncadd.s32 $0xFFFFC000  }
0x36: {  	p0 =	seq.s32 s19, $0x1F  }
.Ltmp6:
0x37: {  	_ = 	snop;
	(pc) =	sbr.rel @p0 .LBB2_7-.Ltmp6, $1  }
0x38: {  	_ =	sdelay $0x3  }
0x39: {  	_ =	swait.ge [sflag:s14], $0x4000  }
0x3a: {  	[sflag:s14] =	ssyncset.done $0x0  }
0x3b: {  	[sflag:s14] =	ssyncadd.s32 $0xFFFFC000  }
.LBB2_6:
0x3c: {  	[tilespmem:s13], [sflag:$0x2] =	stream.indirect.gather [hbm4b:s3+s12], $0x80, s17, s12, $0xb8;
	[tilespmem:$0x9000] =	vst v63  }
.LBB2_7:
.Ltmp7:
0x3d: {  	(pc) =	sbr.rel .LBB2_9-.Ltmp7, $2  }
0x3e: {  	_ =	sdelay $0x2  }
0x3f: {  	[hbm4b:s18+s2] =	stream.linear.scatter [tilespmem:s9], [sflag:$0x3], $0x4000, $0x38;
	[tilespmem:$0x9000] =	vst v63  }
.LBB2_11:
0x40: {  	_ =	sfence.sel $0x180000  }
0x41: {  	[bflag:$0x0] =	sbarrier.arrive $0xFFFF  }
0x42: {  	p0 =	sne.s32 s1, $0x0;
	_ =	strace $0x90000047  }
0x43: {  	s0 =	sadd.s32 @!p0 $0x100000, s0;
	[bflag:$0x2] =	sbarrier.arrive $0xFFFF  }
0x44: {  	[sflag:s0] =	ssyncadd.tile.s32 @!p0 $0x1;
	_ =	shalt  }
.Lfunc_end2:
_tile_overlayer_lowered:
.L_overlay_start_2:
0x45: {  	(tag) =	ssettag $0x2  }
0x46: {  	s0 =	rddreg [dreg:$0x0];
	s2 =	stileid.u32  }
0x47: {  	s1 =	rddreg [dreg:$0x1];
	p0 =	sne.s32 s2, $0x0  }
0x48: {  	s3 =	rddreg [dreg:$0x2];
	[bflag:$0x3] =	sbarrier.arrive $0xFFFF;
	s2 =	simm.s32 @!p0 $0x1C05  }
0x49: {  	[timem:s3], [sflag:s2] =	dma.local @!p0 [hbm:s0], s1  }
0x4a: {  	s0 =	simm.s32 @!p0 $0x5  }
0x4b: {  	_ =	swait.ge @!p0 [sflag:s0], s1  }
0x4c: {  	s1 =	ssub.s32 @!p0 $0x0, s1;
	[sflag:s0] =	ssyncset.done @!p0 $0x0  }
0x4d: {  	[sflag:s0] =	ssyncadd.s32 @!p0 s1  }
0x4e: {  	[bflag:$0x3] =	sbarrier.arrive $0xFFFF  }
0x4f: {  	_ =	shalt  }

// kernel: kernel.24.cloned.1.call-start
scs
__scs_entry_jumppad:
0x0: {  	(pc) =	sbr.rel $0x88, $3  }
0x1: {  	(tag) =	ssettag $0x0;
	lr =	simm.s32 $0x1  }
0x2: {  	[smem:$0x3F96] =	sst lr;
	_ =	strace $0xD0000000  }
0x3: {  	_ = 	snop  }
0x4: {  	_ = 	snop  }
0x5: {  	_ = 	snop  }
0x6: {  	_ = 	snop  }
0x7: {  	_ = 	snop  }
__scs_overlays_trampoline_lowered:
0x8: {  	[smem:$0x3FA5] =	sst s0  }
0x9: {  	[smem:$0x3FA6] =	sst s1  }
0xa: {  	[smem:$0x3FA7] =	sst s2  }
0xb: {  	[smem:$0x3FA8] =	sst s3  }
0xc: {  	[smem:$0x3FA9] =	sst s4  }
0xd: {  	[smem:$0x3FAA] =	sst s5  }
0xe: {  	[smem:$0x3FAB] =	sst s6  }
0xf: {  	[smem:$0x3FAC] =	sst s7  }
0x10: {  	[smem:$0x3FAD] =	sst s8  }
0x11: {  	[smem:$0x3FAE] =	sst s9;
	s0 =	simm.s32 @!p0 $0x0  }
0x12: {  	s1 =	sld [smem:$0x3F94];
	s0 =	simm.s32 @p0 $0x1  }
0x13: {  	[smem:$0x3FAF] =	sst s0;
	s0 =	simm.s32 @!p1 $0x0  }
0x14: {  	s2 =	sld [smem:$0x3F93];
	s0 =	simm.s32 @p1 $0x1  }
0x15: {  	[smem:$0x3FB0] =	sst s0;
	s0 =	simm.s32 @!p2 $0x0  }
0x16: {  	s3 =	sld [smem:$0x3FDB];
	s0 =	simm.s32 @p2 $0x1  }
0x17: {  	s4 =	simm.s32 $0x1BF5;
	[smem:$0x3FB2] =	sst s0  }
0x18: {  	s0 =	sld [smem:$0x3F95];
	_ =	swait.ge [sflag:s4], $0x0  }
0x19: {  	s7 =	sld [smem:$0x3F96]  }
0x1a: {  	s8 =	sadd.s32 $0xFFFFE003, lr  }
0x1b: {  	s9 =	sadd.s32 $0xFFFFFEF7, lr;
	s5 =	simm.s32 $0xFFFFFFFF;
	p2 =	slt.u32 s8, $0xFFFFF086  }
0x1c: {  	p1 =	slt.u32 s9, $0xF7A;
	s5 =	simm.s32 @!p2 $0x0  }
0x1d: {  	s5 =	simm.s32 @p1 $0x1;
	p0 =	seq.s32 s7, s2  }
0x1e: {  	s7 =	smul.u32 @!p0 $0xF7A, s2;
	p2 =	seq.s32 @!p0 s5, $0x0  }
0x1f: {  	s9 =	smul.u32 $0xF7A, s1;
	s8 =	simm.s32 @!p0 $0x1BF5;
	p2 =	por !p2, p0  }
0x20: {  	[sflag:s8] =	ssyncset.s32 @!p0 $0xFFFFF086;
	s6 =	sadd.s32 @!p0 s3, s7;
	s7 =	simm.s32 @!p0 $0x108  }
0x21: {  	s3 =	sadd.s32 s3, s9;
	s6 =	sadd.s32 @!p0 $0x88, s6;
	s7 =	simm.s32 @p2 $0x1082  }
0x22: {  	[simem:s7], [sflag:s8] =	dma.local @!p0 [hbm:s6], $0xF7A  }
0x23: {  	s9 =	sor.u32 $0xD0000000, s2;
	s6 =	simm.s32 $0x108;
	_ =	swait.ge @!p0 [sflag:s8], $0x0  }
0x24: {  	s3 =	sadd.s32 $0x88, s3;
	s6 =	simm.s32 @!p1 $0x1082;
	[sflag:s4] =	ssyncset.s32 $0xFFFFF086  }
0x25: {  	[simem:s6], [sflag:s4] =	dma.local [hbm:s3], $0xF7A  }
0x26: {  	[smem:$0x3F96] =	sst s1;
	(tag) =	ssettag s2;
	_ =	strace s9  }
0x27: {  	s1 =	sld [smem:$0x3FA6]  }
0x28: {  	s2 =	sld [smem:$0x3FA7]  }
0x29: {  	s4 =	sld [smem:$0x3FA9]  }
0x2a: {  	p0 =	seq.s32 s5, $0x0;
	s5 =	sld [smem:$0x3FAA]  }
0x2b: {  	s6 =	sld [smem:$0x3FAB]  }
0x2c: {  	s7 =	sld [smem:$0x3FAC]  }
0x2d: {  	s3 =	simm.s32 $0x108;
	s8 =	sld [smem:$0x3FAD]  }
0x2e: {  	s3 =	simm.s32 @!p0 $0x1082;
	s9 =	sld [smem:$0x3FAE]  }
0x2f: {  	lr =	sadd.s32 s0, s3;
	s0 =	sld [smem:$0x3FA5]  }
0x30: {  	s3 =	sld [smem:$0x3FA8]  }
0x31: {  	[smem:$0x3FB1] =	sst s10  }
0x32: {  	s10 =	sld [smem:$0x3FAF];
	_ =	sdelay $0x3  }
0x33: {  	p0 =	seq.s32 s10, $0x1;
	s10 =	sld [smem:$0x3FB1];
	_ =	sdelay $0x3  }
0x34: {  	[smem:$0x3FB1] =	sst s10  }
0x35: {  	s10 =	sld [smem:$0x3FB0];
	_ =	sdelay $0x3  }
0x36: {  	p1 =	seq.s32 s10, $0x1;
	s10 =	sld [smem:$0x3FB1];
	_ =	sdelay $0x3  }
0x37: {  	[smem:$0x3FB1] =	sst s10  }
0x38: {  	s10 =	sld [smem:$0x3FB2]  }
0x39: {  	_ = 	snop;
	(pc) =	sbr.ind lr, $3  }
0x3a: {  	_ = 	snop  }
0x3b: {  	_ = 	snop  }
0x3c: {  	p2 =	seq.s32 s10, $0x1;
	s10 =	sld [smem:$0x3FB1]  }
0x3d: {  	_ =	shalt  }
0x3e: {  	_ =	shalt  }
0x3f: {  	_ =	shalt  }
0x40: {  	_ =	shalt  }
0x41: {  	_ =	shalt  }
0x42: {  	_ =	shalt  }
0x43: {  	_ =	shalt  }
0x44: {  	_ =	shalt  }
0x45: {  	_ =	shalt  }
0x46: {  	_ =	shalt  }
0x47: {  	_ =	shalt  }
0x48: {  	_ =	shalt  }
0x49: {  	_ =	shalt  }
0x4a: {  	_ =	shalt  }
0x4b: {  	_ =	shalt  }
0x4c: {  	_ =	shalt  }
0x4d: {  	_ =	shalt  }
0x4e: {  	_ =	shalt  }
0x4f: {  	_ =	shalt  }
0x50: {  	_ =	shalt  }
0x51: {  	_ =	shalt  }
0x52: {  	_ =	shalt  }
0x53: {  	_ =	shalt  }
0x54: {  	_ =	shalt  }
0x55: {  	_ =	shalt  }
0x56: {  	_ =	shalt  }
0x57: {  	_ =	shalt  }
0x58: {  	_ =	shalt  }
0x59: {  	_ =	shalt  }
0x5a: {  	_ =	shalt  }
0x5b: {  	_ =	shalt  }
0x5c: {  	_ =	shalt  }
0x5d: {  	_ =	shalt  }
0x5e: {  	_ =	shalt  }
0x5f: {  	_ =	shalt  }
0x60: {  	_ =	shalt  }
0x61: {  	_ =	shalt  }
0x62: {  	_ =	shalt  }
0x63: {  	_ =	shalt  }
0x64: {  	_ =	shalt  }
0x65: {  	_ =	shalt  }
0x66: {  	_ =	shalt  }
0x67: {  	_ =	shalt  }
0x68: {  	_ =	shalt  }
0x69: {  	_ =	shalt  }
0x6a: {  	_ =	shalt  }
0x6b: {  	_ =	shalt  }
0x6c: {  	_ =	shalt  }
0x6d: {  	_ =	shalt  }
0x6e: {  	_ =	shalt  }
0x6f: {  	_ =	shalt  }
0x70: {  	_ =	shalt  }
0x71: {  	_ =	shalt  }
0x72: {  	_ =	shalt  }
0x73: {  	_ =	shalt  }
0x74: {  	_ =	shalt  }
0x75: {  	_ =	shalt  }
0x76: {  	_ =	shalt  }
0x77: {  	_ =	shalt  }
0x78: {  	_ =	shalt  }
0x79: {  	_ =	shalt  }
0x7a: {  	_ =	shalt  }
0x7b: {  	_ =	shalt  }
0x7c: {  	_ =	shalt  }
0x7d: {  	_ =	shalt  }
0x7e: {  	_ =	shalt  }
0x7f: {  	_ =	shalt  }
0x80: {  	_ =	shalt  }
0x81: {  	_ =	shalt  }
0x82: {  	_ =	shalt  }
0x83: {  	_ =	shalt  }
0x84: {  	_ =	shalt  }
0x85: {  	_ =	shalt  }
0x86: {  	_ =	shalt  }
0x87: {  	_ =	shalt  }
.Lfunc_end0:
.L_simem_size_0:
called_computation.1_lowered:
.L_overlay_start_0:
0x88: {  	s2 =	sld [smem:$0x3FD9]  }
0x89: {  	s3 =	sld [smem:$0x3FFE];
	_ =	sdelay $0x1  }
0x8a: {  	s1 =	srdreg.scid  }
0x8b: {  	s0 =	sand.u32 $0x1, s1  }
0x8c: {  	s16 =	sshll.u32 s0, $0xA;
	s2 =	sadd.s32 s3, s2  }
0x8d: {  	s2 =	sadd.s32 s2, s16  }
0x8e: {  	[smem:$0x3FBD] =	sst s2  }
0x8f: {  	_ = 	snop  }
0x90: {  	(tm) =	ssettm $0x1  }
0x91: {  	s17 =	sld [smem:$0x3FFB];
	_ =	sdelay $0x3  }
0x92: {  	_ =	strace s17  }
0x93: {  	s2 =	sld [smem:$0x3FFC];
	_ =	sdelay $0x3  }
0x94: {  	_ =	strace s2  }
0x95: {  	s2 =	sld [smem:$0x3FFD];
	_ =	sdelay $0x3  }
0x96: {  	_ =	strace s2  }
0x97: {  	_ =	strace $0x8FFFFFFF  }
0x98: {  	s18 =	sld [smem:$0x3FDB];
	_ =	sdelay $0x1  }
0x99: {  	s19 =	simm.s32 $_scs_section_size  }
0x9a: {  	s4 =	simm.s32 $_size__tile_overlayer_lowered;
	s5 =	simm.s32 $_tile_overlayer_lowered  }
0x9b: {  	s22 =	simm.s32 $0x1BFF;
	s21 =	sshll.u32 s5, $0x1;
	s2 =	sadd.s32 s19, s18  }
0x9c: {  	s6 =	simm.s32 $0x0;
	s20 =	sshll.u32 s4, $0x1;
	s4 =	sadd.s32 s21, s2  }
0x9d: {  	[timem:s6], [sflag:s22] =	dma.local [hbm:s4], s20  }
0x9e: {  	_ =	swait.ge [sflag:s22], s20  }
0x9f: {  	s3 =	ssub.s32 $0x0, s20;
	[sflag:s22] =	ssyncset.done $0x0  }
0xa0: {  	[sflag:s22] =	ssyncadd.s32 s3;
	_ =	sdelay $0x1  }
0xa1: {  	s23 =	simm.s32 $0x1B8B  }
0xa2: {  	_ =	swait.ge [sflag:s23], $0x1  }
0xa3: {  	[sflag:s23] =	ssyncset.done $0x0  }
0xa4: {  	s25 =	simm.s32 $0x1B8E;
	s24 =	sld [smem:$0x3FFE];
	[sflag:s23] =	ssyncadd.s32 $0xFFFFFFFF  }
0xa5: {  	s26 =	simm.s32 $execute0_lowered;
	[smem:$0x3FD2] =	sst s25  }
0xa6: {  	s4 =	sshll.u32 s26, $0x1;
	_ =	strace $0x80000049;
	[dreg:$0x1] =	wrdreg $0xFFFFFFFF  }
0xa7: {  	s28 =	simm.s32 $_size_execute0_lowered;
	s2 =	sadd.s32 s2, s4;
	[dreg:$0x0] =	wrdreg $0x0  }
0xa8: {  	s4 =	sshll.u32 s28, $0x1;
	[dreg:$0x2] =	wrdreg s2  }
0xa9: {  	[dreg:$0x3] =	wrdreg s4  }
0xaa: {  	[dreg:$0x4] =	wrdreg $0xC0  }
0xab: {  	_ =	task [dreg:s6], $0x5FFFF  }
0xac: {  	[dreg:$0x1] =	wrdreg $0xFFFFFFFF  }
0xad: {  	[dreg:$0x0] =	wrdreg $0x60  }
0xae: {  	[dreg:$0x2] =	wrdreg s24  }
0xaf: {  	[dreg:$0x3] =	wrdreg $0x9  }
0xb0: {  	_ =	task.clear_ibuf [dreg:s6], $0x4FFFF;
	_ =	strace $0x90000049  }
0xb1: {  	s29 =	simm.s32 $0x9;
	_ =	strace $0x8000004B  }
0xb2: {  	_ =	swait.ge [sflag:s29], $0x1  }
0xb3: {  	[sflag:s29] =	ssyncadd.s32 $0xFFFFFFFF  }
0xb4: {  	_ =	strace $0x9000004B  }
0xb5: {  	_ =	sfence  }
0xb6: {  	s30 =	sld [smem:$0x0];
	_ =	sdelay $0x2  }
0xb7: {  	s31 =	sshll.u32 s1, $0xD;
	s1 =	sshrl.u32 s1, $0x2  }
0xb8: {  	s3 =	sand.u32 $0x4000, s31;
	s1 =	sadd.s32 s1, s30  }
0xb9: {  	s0 =	sor.u32 s3, s0;
	s1 =	sshll.u32 s1, $0x11  }
0xba: {  	s0 =	sor.u32 s1, s0  }
0xbb: {  	s0 =	sadd.s32 $0x8F2B, s0  }
0xbc: {  	[sflag:s0] =	ssyncadd.remote.s32 $0x1  }
0xbd: {  	_ =	sfence.sel $0xFFFF  }
0xbe: {  	[dreg:$0x0] =	wrdreg $0xFFFFFFFF;
	(pc) =	sbr.abs _section_cstart, $3  }
0xbf: {  	[dreg:$0x1] =	wrdreg $0xFFFFFFFF  }
0xc0: {  	_ =	task.clear_ibuf [dreg:s6], $0x2FFFF;
	_ =	strace $0x9FFFFFFF  }
0xc1: {  	(tm) =	ssettm $0x7FFFFFFF  }
tec
execute0_lowered:
.L_overlay_start_1:
0x0: {  	(tag) =	ssettag $0x1  }
0x1: {  	s4 =	rddreg [dreg:$0x0]  }
0x2: {  	s0 =	rddreg [dreg:$0x1];
	s2 =	simm.s32 $0x0  }
0x3: {  	s3 =	srdreg.scid;
	s1 =	stileid.u32;
	s11 =	simm.s32 $0x3  }
0x4: {  	s12 =	simm.s32 $0x80;
	s13 =	simm.s32 $0x5000;
	s14 =	simm.s32 $0x4  }
0x5: {  	s15 =	simm.s32 $0x1;
	s16 =	simm.s32 $0x0;
	[smem:$0x7FF] =	sst s2  }
0x6: {  	s5 =	sand.u32 $0x1, s3;
	s29 =	sshll.u32 s1, $0x1;
	s3 =	sadd.s32 $0x7600, s4  }
0x7: {  	s10 =	sadd.s32 $0x8B600, s4;
	s30 =	sshll.u32 s1, $0x11;
	_ =	strace $0x8000004A  }
0x8: {  	s6 =	sor.u32 s5, s29;
	s7 =	ssub.s32 $0x2, s5;
	s31 =	sshll.u32 s5, $0x10  }
.Ltmp0:
0x9: {  	s8 =	sshll.u32 s6, $0x9;
	s9 =	sshrl.u32 s7, $0x1;
	(pc) =	sbr.rel .LBB2_1-.Ltmp0, $4  }
0xa: {  	s6 =	sshll.u32 s6, $0x10;
	s8 =	sadd.s32 s8, s4;
	s7 =	ssub.s32 s7, s9  }
0xb: {  	s6 =	sadd.s32 s6, s10;
	s9 =	simm.s32 $0x1000;
	s4 =	sadd.s32 $0x87600, s8  }
0xc: {  	s8 =	sadd.s32 s30, s10;
	s5 =	smax.u32 s7, $0x1;
	s6 =	sadd.s32 $0xF800, s6  }
0xd: {  	s10 =	simm.s32 $0x2;
	s7 =	sadd.s32 s31, s8;
	s8 =	simm.s32 $0x5  }
.LBB2_10:
0xe: {  	_ =	swait.ge [sflag:s10], $0x4000  }
0xf: {  	[sflag:s10] =	ssyncset.done $0x0  }
0x10: {  	s16 =	sadd.s32 $0x1, s16;
	[sflag:s10] =	ssyncadd.s32 $0xFFFFC000  }
0x11: {  	[hbm4b:s6+s2] =	stream.linear.scatter [tilespmem:s13], [sflag:$0x4], $0x4000, $0x38;
	[tilespmem:$0x9000] =	vst v63  }
0x12: {  	p0 =	sne.s32 s16, s5;
	_ =	swait.ge [sflag:s11], $0x4000  }
.Ltmp1:
0x13: {  	[sflag:s11] =	ssyncset.done $0x0;
	(pc) =	sbr.rel @!p0 .LBB2_11-.Ltmp1, $4  }
0x14: {  	[sflag:s11] =	ssyncadd.s32 $0xFFFFC000  }
0x15: {  	_ =	swait.ge [sflag:s14], $0x4000  }
0x16: {  	[sflag:s14] =	ssyncset.done $0x0  }
0x17: {  	[sflag:s14] =	ssyncadd.s32 $0xFFFFC000  }
.LBB2_1:
0x18: {  	[tilespmem:s2], [sflag:$0x5] =	stream.linear.gather [hbm4b:s4+s2], $0x1000, $0x38;
	[tilespmem:$0x9000] =	vst v63  }
.Ltmp2:
0x19: {  	_ = 	snop;
	(pc) =	sbr.rel .LBB2_2-.Ltmp2, $4  }
0x1a: {  	_ =	swait.ge [sflag:s8], $0x1000  }
0x1b: {  	s17 =	simm.s32 $0x80;
	[sflag:s8] =	ssyncset.done $0x0  }
0x1c: {  	s18 =	smov.u32 s7;
	s19 =	simm.s32 $0x0;
	[sflag:s8] =	ssyncadd.s32 $0xFFFFF000  }
0x1d: {  	[tilespmem:s9], [sflag:$0x1] =	stream.indirect.gather [hbm4b:s3+s12], $0x80, s2, s12, $0xb8;
	[tilespmem:$0x9000] =	vst v63  }
.LBB2_8:
0x1e: {  	_ =	swait.ge [sflag:s10], $0x4000  }
0x1f: {  	[sflag:s10] =	ssyncset.done $0x0  }
0x20: {  	[sflag:s10] =	ssyncadd.s32 $0xFFFFC000  }
0x21: {  	_ =	swait.ge [sflag:s11], $0x4000  }
0x22: {  	[sflag:s11] =	ssyncset.done $0x0  }
0x23: {  	[sflag:s11] =	ssyncadd.s32 $0xFFFFC000  }
0x24: {  	[tilespmem:s9], [sflag:$0x1] =	stream.indirect.gather [hbm4b:s3+s12], $0x80, s17, s12, $0xb8;
	[tilespmem:$0x9000] =	vst v63  }
0x25: {  	_ = 	snop  }
0x26: {  	[hbm4b:s18+s2] =	stream.linear.scatter [tilespmem:s13], [sflag:$0x4], $0x4000, $0x38;
	[tilespmem:$0x9000] =	vst v63  }
.LBB2_9:
0x27: {  	s19 =	sadd.s32 $0x1, s19  }
0x28: {  	p0 =	sne.s32 s19, $0x1F  }
.Ltmp3:
0x29: {  	_ = 	snop;
	(pc) =	sbr.rel @!p0 .LBB2_10-.Ltmp3, $2  }
0x2a: {  	_ =	sdelay $0x2  }
0x2b: {  	s18 =	sadd.s32 $0x800, s18;
	s17 =	sadd.s32 $0x80, s17  }
.LBB2_2:
0x2c: {  	s20 =	sand.u32 $0x1, s19  }
0x2d: {  	p0 =	seq.s32 s20, $0x1  }
.Ltmp4:
0x2e: {  	_ = 	snop;
	(pc) =	sbr.rel @p0 .LBB2_8-.Ltmp4, $1  }
0x2f: {  	_ =	sdelay $0x3  }
0x30: {  	p0 =	seq.s32 s19, $0x0  }
.Ltmp5:
0x31: {  	_ = 	snop;
	(pc) =	sbr.rel @p0 .LBB2_6-.Ltmp5, $4  }
0x32: {  	_ = 	snop  }
0x33: {  	_ =	swait.ge [sflag:s15], $0x4000  }
0x34: {  	[sflag:s15] =	ssyncset.done $0x0  }
0x35: {  	[sflag:s15] =	ssyncadd.s32 $0xFFFFC000  }
0x36: {  	p0 =	seq.s32 s19, $0x1F  }
.Ltmp6:
0x37: {  	_ = 	snop;
	(pc) =	sbr.rel @p0 .LBB2_7-.Ltmp6, $1  }
0x38: {  	_ =	sdelay $0x3  }
0x39: {  	_ =	swait.ge [sflag:s14], $0x4000  }
0x3a: {  	[sflag:s14] =	ssyncset.done $0x0  }
0x3b: {  	[sflag:s14] =	ssyncadd.s32 $0xFFFFC000  }
.LBB2_6:
0x3c: {  	[tilespmem:s13], [sflag:$0x2] =	stream.indirect.gather [hbm4b:s3+s12], $0x80, s17, s12, $0xb8;
	[tilespmem:$0x9000] =	vst v63  }
.LBB2_7:
.Ltmp7:
0x3d: {  	(pc) =	sbr.rel .LBB2_9-.Ltmp7, $2  }
0x3e: {  	_ =	sdelay $0x2  }
0x3f: {  	[hbm4b:s18+s2] =	stream.linear.scatter [tilespmem:s9], [sflag:$0x3], $0x4000, $0x38;
	[tilespmem:$0x9000] =	vst v63  }
.LBB2_11:
0x40: {  	_ =	sfence.sel $0x180000  }
0x41: {  	[bflag:$0x0] =	sbarrier.arrive $0xFFFF  }
0x42: {  	p0 =	sne.s32 s1, $0x0;
	_ =	strace $0x9000004A  }
0x43: {  	s0 =	sadd.s32 @!p0 $0x100000, s0;
	[bflag:$0x2] =	sbarrier.arrive $0xFFFF  }
0x44: {  	[sflag:s0] =	ssyncadd.tile.s32 @!p0 $0x1;
	_ =	shalt  }
.Lfunc_end2:
_tile_overlayer_lowered:
.L_overlay_start_2:
0x45: {  	(tag) =	ssettag $0x2  }
0x46: {  	s0 =	rddreg [dreg:$0x0];
	s2 =	stileid.u32  }
0x47: {  	s1 =	rddreg [dreg:$0x1];
	p0 =	sne.s32 s2, $0x0  }
0x48: {  	s3 =	rddreg [dreg:$0x2];
	[bflag:$0x3] =	sbarrier.arrive $0xFFFF;
	s2 =	simm.s32 @!p0 $0x1C05  }
0x49: {  	[timem:s3], [sflag:s2] =	dma.local @!p0 [hbm:s0], s1  }
0x4a: {  	s0 =	simm.s32 @!p0 $0x5  }
0x4b: {  	_ =	swait.ge @!p0 [sflag:s0], s1  }
0x4c: {  	s1 =	ssub.s32 @!p0 $0x0, s1;
	[sflag:s0] =	ssyncset.done @!p0 $0x0  }
0x4d: {  	[sflag:s0] =	ssyncadd.s32 @!p0 s1  }
0x4e: {  	[bflag:$0x3] =	sbarrier.arrive $0xFFFF  }
0x4f: {  	_ =	shalt  }

// kernel: kernel.27.cloned.1.call-start
scs
__scs_entry_jumppad:
0x0: {  	(pc) =	sbr.rel $0x88, $3  }
0x1: {  	(tag) =	ssettag $0x0;
	lr =	simm.s32 $0x1  }
0x2: {  	[smem:$0x3F96] =	sst lr;
	_ =	strace $0xD0000000  }
0x3: {  	_ = 	snop  }
0x4: {  	_ = 	snop  }
0x5: {  	_ = 	snop  }
0x6: {  	_ = 	snop  }
0x7: {  	_ = 	snop  }
__scs_overlays_trampoline_lowered:
0x8: {  	[smem:$0x3FA5] =	sst s0  }
0x9: {  	[smem:$0x3FA6] =	sst s1  }
0xa: {  	[smem:$0x3FA7] =	sst s2  }
0xb: {  	[smem:$0x3FA8] =	sst s3  }
0xc: {  	[smem:$0x3FA9] =	sst s4  }
0xd: {  	[smem:$0x3FAA] =	sst s5  }
0xe: {  	[smem:$0x3FAB] =	sst s6  }
0xf: {  	[smem:$0x3FAC] =	sst s7  }
0x10: {  	[smem:$0x3FAD] =	sst s8  }
0x11: {  	[smem:$0x3FAE] =	sst s9;
	s0 =	simm.s32 @!p0 $0x0  }
0x12: {  	s1 =	sld [smem:$0x3F94];
	s0 =	simm.s32 @p0 $0x1  }
0x13: {  	[smem:$0x3FAF] =	sst s0;
	s0 =	simm.s32 @!p1 $0x0  }
0x14: {  	s2 =	sld [smem:$0x3F93];
	s0 =	simm.s32 @p1 $0x1  }
0x15: {  	[smem:$0x3FB0] =	sst s0;
	s0 =	simm.s32 @!p2 $0x0  }
0x16: {  	s3 =	sld [smem:$0x3FDB];
	s0 =	simm.s32 @p2 $0x1  }
0x17: {  	s4 =	simm.s32 $0x1BF5;
	[smem:$0x3FB2] =	sst s0  }
0x18: {  	s0 =	sld [smem:$0x3F95];
	_ =	swait.ge [sflag:s4], $0x0  }
0x19: {  	s7 =	sld [smem:$0x3F96]  }
0x1a: {  	s8 =	sadd.s32 $0xFFFFE003, lr  }
0x1b: {  	s9 =	sadd.s32 $0xFFFFFEF7, lr;
	s5 =	simm.s32 $0xFFFFFFFF;
	p2 =	slt.u32 s8, $0xFFFFF086  }
0x1c: {  	p1 =	slt.u32 s9, $0xF7A;
	s5 =	simm.s32 @!p2 $0x0  }
0x1d: {  	s5 =	simm.s32 @p1 $0x1;
	p0 =	seq.s32 s7, s2  }
0x1e: {  	s7 =	smul.u32 @!p0 $0xF7A, s2;
	p2 =	seq.s32 @!p0 s5, $0x0  }
0x1f: {  	s9 =	smul.u32 $0xF7A, s1;
	s8 =	simm.s32 @!p0 $0x1BF5;
	p2 =	por !p2, p0  }
0x20: {  	[sflag:s8] =	ssyncset.s32 @!p0 $0xFFFFF086;
	s6 =	sadd.s32 @!p0 s3, s7;
	s7 =	simm.s32 @!p0 $0x108  }
0x21: {  	s3 =	sadd.s32 s3, s9;
	s6 =	sadd.s32 @!p0 $0x88, s6;
	s7 =	simm.s32 @p2 $0x1082  }
0x22: {  	[simem:s7], [sflag:s8] =	dma.local @!p0 [hbm:s6], $0xF7A  }
0x23: {  	s9 =	sor.u32 $0xD0000000, s2;
	s6 =	simm.s32 $0x108;
	_ =	swait.ge @!p0 [sflag:s8], $0x0  }
0x24: {  	s3 =	sadd.s32 $0x88, s3;
	s6 =	simm.s32 @!p1 $0x1082;
	[sflag:s4] =	ssyncset.s32 $0xFFFFF086  }
0x25: {  	[simem:s6], [sflag:s4] =	dma.local [hbm:s3], $0xF7A  }
0x26: {  	[smem:$0x3F96] =	sst s1;
	(tag) =	ssettag s2;
	_ =	strace s9  }
0x27: {  	s1 =	sld [smem:$0x3FA6]  }
0x28: {  	s2 =	sld [smem:$0x3FA7]  }
0x29: {  	s4 =	sld [smem:$0x3FA9]  }
0x2a: {  	p0 =	seq.s32 s5, $0x0;
	s5 =	sld [smem:$0x3FAA]  }
0x2b: {  	s6 =	sld [smem:$0x3FAB]  }
0x2c: {  	s7 =	sld [smem:$0x3FAC]  }
0x2d: {  	s3 =	simm.s32 $0x108;
	s8 =	sld [smem:$0x3FAD]  }
0x2e: {  	s3 =	simm.s32 @!p0 $0x1082;
	s9 =	sld [smem:$0x3FAE]  }
0x2f: {  	lr =	sadd.s32 s0, s3;
	s0 =	sld [smem:$0x3FA5]  }
0x30: {  	s3 =	sld [smem:$0x3FA8]  }
0x31: {  	[smem:$0x3FB1] =	sst s10  }
0x32: {  	s10 =	sld [smem:$0x3FAF];
	_ =	sdelay $0x3  }
0x33: {  	p0 =	seq.s32 s10, $0x1;
	s10 =	sld [smem:$0x3FB1];
	_ =	sdelay $0x3  }
0x34: {  	[smem:$0x3FB1] =	sst s10  }
0x35: {  	s10 =	sld [smem:$0x3FB0];
	_ =	sdelay $0x3  }
0x36: {  	p1 =	seq.s32 s10, $0x1;
	s10 =	sld [smem:$0x3FB1];
	_ =	sdelay $0x3  }
0x37: {  	[smem:$0x3FB1] =	sst s10  }
0x38: {  	s10 =	sld [smem:$0x3FB2]  }
0x39: {  	_ = 	snop;
	(pc) =	sbr.ind lr, $3  }
0x3a: {  	_ = 	snop  }
0x3b: {  	_ = 	snop  }
0x3c: {  	p2 =	seq.s32 s10, $0x1;
	s10 =	sld [smem:$0x3FB1]  }
0x3d: {  	_ =	shalt  }
0x3e: {  	_ =	shalt  }
0x3f: {  	_ =	shalt  }
0x40: {  	_ =	shalt  }
0x41: {  	_ =	shalt  }
0x42: {  	_ =	shalt  }
0x43: {  	_ =	shalt  }
0x44: {  	_ =	shalt  }
0x45: {  	_ =	shalt  }
0x46: {  	_ =	shalt  }
0x47: {  	_ =	shalt  }
0x48: {  	_ =	shalt  }
0x49: {  	_ =	shalt  }
0x4a: {  	_ =	shalt  }
0x4b: {  	_ =	shalt  }
0x4c: {  	_ =	shalt  }
0x4d: {  	_ =	shalt  }
0x4e: {  	_ =	shalt  }
0x4f: {  	_ =	shalt  }
0x50: {  	_ =	shalt  }
0x51: {  	_ =	shalt  }
0x52: {  	_ =	shalt  }
0x53: {  	_ =	shalt  }
0x54: {  	_ =	shalt  }
0x55: {  	_ =	shalt  }
0x56: {  	_ =	shalt  }
0x57: {  	_ =	shalt  }
0x58: {  	_ =	shalt  }
0x59: {  	_ =	shalt  }
0x5a: {  	_ =	shalt  }
0x5b: {  	_ =	shalt  }
0x5c: {  	_ =	shalt  }
0x5d: {  	_ =	shalt  }
0x5e: {  	_ =	shalt  }
0x5f: {  	_ =	shalt  }
0x60: {  	_ =	shalt  }
0x61: {  	_ =	shalt  }
0x62: {  	_ =	shalt  }
0x63: {  	_ =	shalt  }
0x64: {  	_ =	shalt  }
0x65: {  	_ =	shalt  }
0x66: {  	_ =	shalt  }
0x67: {  	_ =	shalt  }
0x68: {  	_ =	shalt  }
0x69: {  	_ =	shalt  }
0x6a: {  	_ =	shalt  }
0x6b: {  	_ =	shalt  }
0x6c: {  	_ =	shalt  }
0x6d: {  	_ =	shalt  }
0x6e: {  	_ =	shalt  }
0x6f: {  	_ =	shalt  }
0x70: {  	_ =	shalt  }
0x71: {  	_ =	shalt  }
0x72: {  	_ =	shalt  }
0x73: {  	_ =	shalt  }
0x74: {  	_ =	shalt  }
0x75: {  	_ =	shalt  }
0x76: {  	_ =	shalt  }
0x77: {  	_ =	shalt  }
0x78: {  	_ =	shalt  }
0x79: {  	_ =	shalt  }
0x7a: {  	_ =	shalt  }
0x7b: {  	_ =	shalt  }
0x7c: {  	_ =	shalt  }
0x7d: {  	_ =	shalt  }
0x7e: {  	_ =	shalt  }
0x7f: {  	_ =	shalt  }
0x80: {  	_ =	shalt  }
0x81: {  	_ =	shalt  }
0x82: {  	_ =	shalt  }
0x83: {  	_ =	shalt  }
0x84: {  	_ =	shalt  }
0x85: {  	_ =	shalt  }
0x86: {  	_ =	shalt  }
0x87: {  	_ =	shalt  }
.Lfunc_end0:
.L_simem_size_0:
called_computation.2_lowered:
.L_overlay_start_0:
0x88: {  	s2 =	sld [smem:$0x3FD9]  }
0x89: {  	s3 =	sld [smem:$0x3FFE];
	_ =	sdelay $0x1  }
0x8a: {  	s1 =	srdreg.scid  }
0x8b: {  	s0 =	sand.u32 $0x1, s1  }
0x8c: {  	s16 =	sshll.u32 s0, $0xA;
	s2 =	sadd.s32 s3, s2  }
0x8d: {  	s2 =	sadd.s32 s2, s16  }
0x8e: {  	[smem:$0x3FBD] =	sst s2  }
0x8f: {  	_ = 	snop  }
0x90: {  	(tm) =	ssettm $0x1  }
0x91: {  	s17 =	sld [smem:$0x3FFB];
	_ =	sdelay $0x3  }
0x92: {  	_ =	strace s17  }
0x93: {  	s2 =	sld [smem:$0x3FFC];
	_ =	sdelay $0x3  }
0x94: {  	_ =	strace s2  }
0x95: {  	s2 =	sld [smem:$0x3FFD];
	_ =	sdelay $0x3  }
0x96: {  	_ =	strace s2  }
0x97: {  	_ =	strace $0x8FFFFFFF  }
0x98: {  	s18 =	sld [smem:$0x3FDB];
	_ =	sdelay $0x1  }
0x99: {  	s19 =	simm.s32 $_scs_section_size  }
0x9a: {  	s4 =	simm.s32 $_size__tile_overlayer_lowered;
	s5 =	simm.s32 $_tile_overlayer_lowered  }
0x9b: {  	s22 =	simm.s32 $0x1BFF;
	s21 =	sshll.u32 s5, $0x1;
	s2 =	sadd.s32 s19, s18  }
0x9c: {  	s6 =	simm.s32 $0x0;
	s20 =	sshll.u32 s4, $0x1;
	s4 =	sadd.s32 s21, s2  }
0x9d: {  	[timem:s6], [sflag:s22] =	dma.local [hbm:s4], s20  }
0x9e: {  	_ =	swait.ge [sflag:s22], s20  }
0x9f: {  	s3 =	ssub.s32 $0x0, s20;
	[sflag:s22] =	ssyncset.done $0x0  }
0xa0: {  	[sflag:s22] =	ssyncadd.s32 s3;
	_ =	sdelay $0x1  }
0xa1: {  	s23 =	simm.s32 $0x1B8B  }
0xa2: {  	_ =	swait.ge [sflag:s23], $0x1  }
0xa3: {  	[sflag:s23] =	ssyncset.done $0x0  }
0xa4: {  	s25 =	simm.s32 $0x1B8E;
	s24 =	sld [smem:$0x3FFE];
	[sflag:s23] =	ssyncadd.s32 $0xFFFFFFFF  }
0xa5: {  	s26 =	simm.s32 $execute0_lowered;
	[smem:$0x3FD2] =	sst s25  }
0xa6: {  	s4 =	sshll.u32 s26, $0x1;
	_ =	strace $0x8000004C;
	[dreg:$0x1] =	wrdreg $0xFFFFFFFF  }
0xa7: {  	s28 =	simm.s32 $_size_execute0_lowered;
	s2 =	sadd.s32 s2, s4;
	[dreg:$0x0] =	wrdreg $0x0  }
0xa8: {  	s4 =	sshll.u32 s28, $0x1;
	[dreg:$0x2] =	wrdreg s2  }
0xa9: {  	[dreg:$0x3] =	wrdreg s4  }
0xaa: {  	[dreg:$0x4] =	wrdreg $0xC0  }
0xab: {  	_ =	task [dreg:s6], $0x5FFFF  }
0xac: {  	[dreg:$0x1] =	wrdreg $0xFFFFFFFF  }
0xad: {  	[dreg:$0x0] =	wrdreg $0x60  }
0xae: {  	[dreg:$0x2] =	wrdreg s24  }
0xaf: {  	[dreg:$0x3] =	wrdreg $0x9  }
0xb0: {  	_ =	task.clear_ibuf [dreg:s6], $0x4FFFF;
	_ =	strace $0x9000004C  }
0xb1: {  	s29 =	simm.s32 $0x9;
	_ =	strace $0x8000004E  }
0xb2: {  	_ =	swait.ge [sflag:s29], $0x1  }
0xb3: {  	[sflag:s29] =	ssyncadd.s32 $0xFFFFFFFF  }
0xb4: {  	_ =	strace $0x9000004E  }
0xb5: {  	_ =	sfence  }
0xb6: {  	s30 =	sld [smem:$0x0];
	_ =	sdelay $0x2  }
0xb7: {  	s31 =	sshll.u32 s1, $0xD;
	s1 =	sshrl.u32 s1, $0x2  }
0xb8: {  	s3 =	sand.u32 $0x4000, s31;
	s1 =	sadd.s32 s1, s30  }
0xb9: {  	s0 =	sor.u32 s3, s0;
	s1 =	sshll.u32 s1, $0x11  }
0xba: {  	s0 =	sor.u32 s1, s0  }
0xbb: {  	s0 =	sadd.s32 $0x8F2B, s0  }
0xbc: {  	[sflag:s0] =	ssyncadd.remote.s32 $0x1  }
0xbd: {  	_ =	sfence.sel $0xFFFF  }
0xbe: {  	[dreg:$0x0] =	wrdreg $0xFFFFFFFF;
	(pc) =	sbr.abs _section_cstart, $3  }
0xbf: {  	[dreg:$0x1] =	wrdreg $0xFFFFFFFF  }
0xc0: {  	_ =	task.clear_ibuf [dreg:s6], $0x2FFFF;
	_ =	strace $0x9FFFFFFF  }
0xc1: {  	(tm) =	ssettm $0x7FFFFFFF  }
tec
execute0_lowered:
.L_overlay_start_1:
0x0: {  	(tag) =	ssettag $0x1  }
0x1: {  	s4 =	rddreg [dreg:$0x0]  }
0x2: {  	s0 =	rddreg [dreg:$0x1];
	s2 =	simm.s32 $0x0  }
0x3: {  	s3 =	srdreg.scid;
	s1 =	stileid.u32;
	s11 =	simm.s32 $0x3  }
0x4: {  	s12 =	simm.s32 $0x80;
	s13 =	simm.s32 $0x5000;
	s14 =	simm.s32 $0x4  }
0x5: {  	s15 =	simm.s32 $0x1;
	s16 =	simm.s32 $0x0;
	[smem:$0x7FF] =	sst s2  }
0x6: {  	s5 =	sand.u32 $0x1, s3;
	s29 =	sshll.u32 s1, $0x1;
	s10 =	sadd.s32 $0x10B600, s4  }
0x7: {  	s3 =	sadd.s32 $0x47600, s4;
	s30 =	sshll.u32 s1, $0x11;
	_ =	strace $0x8000004D  }
0x8: {  	s6 =	sor.u32 s5, s29;
	s7 =	ssub.s32 $0x2, s5;
	s31 =	sshll.u32 s5, $0x10  }
.Ltmp0:
0x9: {  	s8 =	sshll.u32 s6, $0x9;
	s9 =	sshrl.u32 s7, $0x1;
	(pc) =	sbr.rel .LBB2_1-.Ltmp0, $4  }
0xa: {  	s6 =	sshll.u32 s6, $0x10;
	s8 =	sadd.s32 s8, s4;
	s7 =	ssub.s32 s7, s9  }
0xb: {  	s6 =	sadd.s32 s6, s10;
	s9 =	simm.s32 $0x1000;
	s4 =	sadd.s32 $0x107600, s8  }
0xc: {  	s8 =	sadd.s32 s30, s10;
	s5 =	smax.u32 s7, $0x1;
	s6 =	sadd.s32 $0xF800, s6  }
0xd: {  	s10 =	simm.s32 $0x2;
	s7 =	sadd.s32 s31, s8;
	s8 =	simm.s32 $0x5  }
.LBB2_10:
0xe: {  	_ =	swait.ge [sflag:s10], $0x4000  }
0xf: {  	[sflag:s10] =	ssyncset.done $0x0  }
0x10: {  	s16 =	sadd.s32 $0x1, s16;
	[sflag:s10] =	ssyncadd.s32 $0xFFFFC000  }
0x11: {  	[hbm4b:s6+s2] =	stream.linear.scatter [tilespmem:s13], [sflag:$0x4], $0x4000, $0x38;
	[tilespmem:$0x9000] =	vst v63  }
0x12: {  	p0 =	sne.s32 s16, s5;
	_ =	swait.ge [sflag:s11], $0x4000  }
.Ltmp1:
0x13: {  	[sflag:s11] =	ssyncset.done $0x0;
	(pc) =	sbr.rel @!p0 .LBB2_11-.Ltmp1, $4  }
0x14: {  	[sflag:s11] =	ssyncadd.s32 $0xFFFFC000  }
0x15: {  	_ =	swait.ge [sflag:s14], $0x4000  }
0x16: {  	[sflag:s14] =	ssyncset.done $0x0  }
0x17: {  	[sflag:s14] =	ssyncadd.s32 $0xFFFFC000  }
.LBB2_1:
0x18: {  	[tilespmem:s2], [sflag:$0x5] =	stream.linear.gather [hbm4b:s4+s2], $0x1000, $0x38;
	[tilespmem:$0x9000] =	vst v63  }
.Ltmp2:
0x19: {  	_ = 	snop;
	(pc) =	sbr.rel .LBB2_2-.Ltmp2, $4  }
0x1a: {  	_ =	swait.ge [sflag:s8], $0x1000  }
0x1b: {  	s17 =	simm.s32 $0x80;
	[sflag:s8] =	ssyncset.done $0x0  }
0x1c: {  	s18 =	smov.u32 s7;
	s19 =	simm.s32 $0x0;
	[sflag:s8] =	ssyncadd.s32 $0xFFFFF000  }
0x1d: {  	[tilespmem:s9], [sflag:$0x1] =	stream.indirect.gather [hbm4b:s3+s12], $0x80, s2, s12, $0xb8;
	[tilespmem:$0x9000] =	vst v63  }
.LBB2_8:
0x1e: {  	_ =	swait.ge [sflag:s10], $0x4000  }
0x1f: {  	[sflag:s10] =	ssyncset.done $0x0  }
0x20: {  	[sflag:s10] =	ssyncadd.s32 $0xFFFFC000  }
0x21: {  	_ =	swait.ge [sflag:s11], $0x4000  }
0x22: {  	[sflag:s11] =	ssyncset.done $0x0  }
0x23: {  	[sflag:s11] =	ssyncadd.s32 $0xFFFFC000  }
0x24: {  	[tilespmem:s9], [sflag:$0x1] =	stream.indirect.gather [hbm4b:s3+s12], $0x80, s17, s12, $0xb8;
	[tilespmem:$0x9000] =	vst v63  }
0x25: {  	_ = 	snop  }
0x26: {  	[hbm4b:s18+s2] =	stream.linear.scatter [tilespmem:s13], [sflag:$0x4], $0x4000, $0x38;
	[tilespmem:$0x9000] =	vst v63  }
.LBB2_9:
0x27: {  	s19 =	sadd.s32 $0x1, s19  }
0x28: {  	p0 =	sne.s32 s19, $0x1F  }
.Ltmp3:
0x29: {  	_ = 	snop;
	(pc) =	sbr.rel @!p0 .LBB2_10-.Ltmp3, $2  }
0x2a: {  	_ =	sdelay $0x2  }
0x2b: {  	s18 =	sadd.s32 $0x800, s18;
	s17 =	sadd.s32 $0x80, s17  }
.LBB2_2:
0x2c: {  	s20 =	sand.u32 $0x1, s19  }
0x2d: {  	p0 =	seq.s32 s20, $0x1  }
.Ltmp4:
0x2e: {  	_ = 	snop;
	(pc) =	sbr.rel @p0 .LBB2_8-.Ltmp4, $1  }
0x2f: {  	_ =	sdelay $0x3  }
0x30: {  	p0 =	seq.s32 s19, $0x0  }
.Ltmp5:
0x31: {  	_ = 	snop;
	(pc) =	sbr.rel @p0 .LBB2_6-.Ltmp5, $4  }
0x32: {  	_ = 	snop  }
0x33: {  	_ =	swait.ge [sflag:s15], $0x4000  }
0x34: {  	[sflag:s15] =	ssyncset.done $0x0  }
0x35: {  	[sflag:s15] =	ssyncadd.s32 $0xFFFFC000  }
0x36: {  	p0 =	seq.s32 s19, $0x1F  }
.Ltmp6:
0x37: {  	_ = 	snop;
	(pc) =	sbr.rel @p0 .LBB2_7-.Ltmp6, $1  }
0x38: {  	_ =	sdelay $0x3  }
0x39: {  	_ =	swait.ge [sflag:s14], $0x4000  }
0x3a: {  	[sflag:s14] =	ssyncset.done $0x0  }
0x3b: {  	[sflag:s14] =	ssyncadd.s32 $0xFFFFC000  }
.LBB2_6:
0x3c: {  	[tilespmem:s13], [sflag:$0x2] =	stream.indirect.gather [hbm4b:s3+s12], $0x80, s17, s12, $0xb8;
	[tilespmem:$0x9000] =	vst v63  }
.LBB2_7:
.Ltmp7:
0x3d: {  	(pc) =	sbr.rel .LBB2_9-.Ltmp7, $2  }
0x3e: {  	_ =	sdelay $0x2  }
0x3f: {  	[hbm4b:s18+s2] =	stream.linear.scatter [tilespmem:s9], [sflag:$0x3], $0x4000, $0x38;
	[tilespmem:$0x9000] =	vst v63  }
.LBB2_11:
0x40: {  	_ =	sfence.sel $0x180000  }
0x41: {  	[bflag:$0x0] =	sbarrier.arrive $0xFFFF  }
0x42: {  	p0 =	sne.s32 s1, $0x0;
	_ =	strace $0x9000004D  }
0x43: {  	s0 =	sadd.s32 @!p0 $0x100000, s0;
	[bflag:$0x2] =	sbarrier.arrive $0xFFFF  }
0x44: {  	[sflag:s0] =	ssyncadd.tile.s32 @!p0 $0x1;
	_ =	shalt  }
.Lfunc_end2:
_tile_overlayer_lowered:
.L_overlay_start_2:
0x45: {  	(tag) =	ssettag $0x2  }
0x46: {  	s0 =	rddreg [dreg:$0x0];
	s2 =	stileid.u32  }
0x47: {  	s1 =	rddreg [dreg:$0x1];
	p0 =	sne.s32 s2, $0x0  }
0x48: {  	s3 =	rddreg [dreg:$0x2];
	[bflag:$0x3] =	sbarrier.arrive $0xFFFF;
	s2 =	simm.s32 @!p0 $0x1C05  }
0x49: {  	[timem:s3], [sflag:s2] =	dma.local @!p0 [hbm:s0], s1  }
0x4a: {  	s0 =	simm.s32 @!p0 $0x5  }
0x4b: {  	_ =	swait.ge @!p0 [sflag:s0], s1  }
0x4c: {  	s1 =	ssub.s32 @!p0 $0x0, s1;
	[sflag:s0] =	ssyncset.done @!p0 $0x0  }
0x4d: {  	[sflag:s0] =	ssyncadd.s32 @!p0 s1  }
0x4e: {  	[bflag:$0x3] =	sbarrier.arrive $0xFFFF  }
0x4f: {  	_ =	shalt  }

// kernel: kernel.30.cloned.1.call-start
scs
__scs_entry_jumppad:
0x0: {  	(pc) =	sbr.rel $0x88, $3  }
0x1: {  	(tag) =	ssettag $0x0;
	lr =	simm.s32 $0x1  }
0x2: {  	[smem:$0x3F96] =	sst lr;
	_ =	strace $0xD0000000  }
0x3: {  	_ = 	snop  }
0x4: {  	_ = 	snop  }
0x5: {  	_ = 	snop  }
0x6: {  	_ = 	snop  }
0x7: {  	_ = 	snop  }
__scs_overlays_trampoline_lowered:
0x8: {  	[smem:$0x3FA5] =	sst s0  }
0x9: {  	[smem:$0x3FA6] =	sst s1  }
0xa: {  	[smem:$0x3FA7] =	sst s2  }
0xb: {  	[smem:$0x3FA8] =	sst s3  }
0xc: {  	[smem:$0x3FA9] =	sst s4  }
0xd: {  	[smem:$0x3FAA] =	sst s5  }
0xe: {  	[smem:$0x3FAB] =	sst s6  }
0xf: {  	[smem:$0x3FAC] =	sst s7  }
0x10: {  	[smem:$0x3FAD] =	sst s8  }
0x11: {  	[smem:$0x3FAE] =	sst s9;
	s0 =	simm.s32 @!p0 $0x0  }
0x12: {  	s1 =	sld [smem:$0x3F94];
	s0 =	simm.s32 @p0 $0x1  }
0x13: {  	[smem:$0x3FAF] =	sst s0;
	s0 =	simm.s32 @!p1 $0x0  }
0x14: {  	s2 =	sld [smem:$0x3F93];
	s0 =	simm.s32 @p1 $0x1  }
0x15: {  	[smem:$0x3FB0] =	sst s0;
	s0 =	simm.s32 @!p2 $0x0  }
0x16: {  	s3 =	sld [smem:$0x3FDB];
	s0 =	simm.s32 @p2 $0x1  }
0x17: {  	s4 =	simm.s32 $0x1BF5;
	[smem:$0x3FB2] =	sst s0  }
0x18: {  	s0 =	sld [smem:$0x3F95];
	_ =	swait.ge [sflag:s4], $0x0  }
0x19: {  	s7 =	sld [smem:$0x3F96]  }
0x1a: {  	s8 =	sadd.s32 $0xFFFFE003, lr  }
0x1b: {  	s9 =	sadd.s32 $0xFFFFFEF7, lr;
	s5 =	simm.s32 $0xFFFFFFFF;
	p2 =	slt.u32 s8, $0xFFFFF086  }
0x1c: {  	p1 =	slt.u32 s9, $0xF7A;
	s5 =	simm.s32 @!p2 $0x0  }
0x1d: {  	s5 =	simm.s32 @p1 $0x1;
	p0 =	seq.s32 s7, s2  }
0x1e: {  	s7 =	smul.u32 @!p0 $0xF7A, s2;
	p2 =	seq.s32 @!p0 s5, $0x0  }
0x1f: {  	s9 =	smul.u32 $0xF7A, s1;
	s8 =	simm.s32 @!p0 $0x1BF5;
	p2 =	por !p2, p0  }
0x20: {  	[sflag:s8] =	ssyncset.s32 @!p0 $0xFFFFF086;
	s6 =	sadd.s32 @!p0 s3, s7;
	s7 =	simm.s32 @!p0 $0x108  }
0x21: {  	s3 =	sadd.s32 s3, s9;
	s6 =	sadd.s32 @!p0 $0x88, s6;
	s7 =	simm.s32 @p2 $0x1082  }
0x22: {  	[simem:s7], [sflag:s8] =	dma.local @!p0 [hbm:s6], $0xF7A  }
0x23: {  	s9 =	sor.u32 $0xD0000000, s2;
	s6 =	simm.s32 $0x108;
	_ =	swait.ge @!p0 [sflag:s8], $0x0  }
0x24: {  	s3 =	sadd.s32 $0x88, s3;
	s6 =	simm.s32 @!p1 $0x1082;
	[sflag:s4] =	ssyncset.s32 $0xFFFFF086  }
0x25: {  	[simem:s6], [sflag:s4] =	dma.local [hbm:s3], $0xF7A  }
0x26: {  	[smem:$0x3F96] =	sst s1;
	(tag) =	ssettag s2;
	_ =	strace s9  }
0x27: {  	s1 =	sld [smem:$0x3FA6]  }
0x28: {  	s2 =	sld [smem:$0x3FA7]  }
0x29: {  	s4 =	sld [smem:$0x3FA9]  }
0x2a: {  	p0 =	seq.s32 s5, $0x0;
	s5 =	sld [smem:$0x3FAA]  }
0x2b: {  	s6 =	sld [smem:$0x3FAB]  }
0x2c: {  	s7 =	sld [smem:$0x3FAC]  }
0x2d: {  	s3 =	simm.s32 $0x108;
	s8 =	sld [smem:$0x3FAD]  }
0x2e: {  	s3 =	simm.s32 @!p0 $0x1082;
	s9 =	sld [smem:$0x3FAE]  }
0x2f: {  	lr =	sadd.s32 s0, s3;
	s0 =	sld [smem:$0x3FA5]  }
0x30: {  	s3 =	sld [smem:$0x3FA8]  }
0x31: {  	[smem:$0x3FB1] =	sst s10  }
0x32: {  	s10 =	sld [smem:$0x3FAF];
	_ =	sdelay $0x3  }
0x33: {  	p0 =	seq.s32 s10, $0x1;
	s10 =	sld [smem:$0x3FB1];
	_ =	sdelay $0x3  }
0x34: {  	[smem:$0x3FB1] =	sst s10  }
0x35: {  	s10 =	sld [smem:$0x3FB0];
	_ =	sdelay $0x3  }
0x36: {  	p1 =	seq.s32 s10, $0x1;
	s10 =	sld [smem:$0x3FB1];
	_ =	sdelay $0x3  }
0x37: {  	[smem:$0x3FB1] =	sst s10  }
0x38: {  	s10 =	sld [smem:$0x3FB2]  }
0x39: {  	_ = 	snop;
	(pc) =	sbr.ind lr, $3  }
0x3a: {  	_ = 	snop  }
0x3b: {  	_ = 	snop  }
0x3c: {  	p2 =	seq.s32 s10, $0x1;
	s10 =	sld [smem:$0x3FB1]  }
0x3d: {  	_ =	shalt  }
0x3e: {  	_ =	shalt  }
0x3f: {  	_ =	shalt  }
0x40: {  	_ =	shalt  }
0x41: {  	_ =	shalt  }
0x42: {  	_ =	shalt  }
0x43: {  	_ =	shalt  }
0x44: {  	_ =	shalt  }
0x45: {  	_ =	shalt  }
0x46: {  	_ =	shalt  }
0x47: {  	_ =	shalt  }
0x48: {  	_ =	shalt  }
0x49: {  	_ =	shalt  }
0x4a: {  	_ =	shalt  }
0x4b: {  	_ =	shalt  }
0x4c: {  	_ =	shalt  }
0x4d: {  	_ =	shalt  }
0x4e: {  	_ =	shalt  }
0x4f: {  	_ =	shalt  }
0x50: {  	_ =	shalt  }
0x51: {  	_ =	shalt  }
0x52: {  	_ =	shalt  }
0x53: {  	_ =	shalt  }
0x54: {  	_ =	shalt  }
0x55: {  	_ =	shalt  }
0x56: {  	_ =	shalt  }
0x57: {  	_ =	shalt  }
0x58: {  	_ =	shalt  }
0x59: {  	_ =	shalt  }
0x5a: {  	_ =	shalt  }
0x5b: {  	_ =	shalt  }
0x5c: {  	_ =	shalt  }
0x5d: {  	_ =	shalt  }
0x5e: {  	_ =	shalt  }
0x5f: {  	_ =	shalt  }
0x60: {  	_ =	shalt  }
0x61: {  	_ =	shalt  }
0x62: {  	_ =	shalt  }
0x63: {  	_ =	shalt  }
0x64: {  	_ =	shalt  }
0x65: {  	_ =	shalt  }
0x66: {  	_ =	shalt  }
0x67: {  	_ =	shalt  }
0x68: {  	_ =	shalt  }
0x69: {  	_ =	shalt  }
0x6a: {  	_ =	shalt  }
0x6b: {  	_ =	shalt  }
0x6c: {  	_ =	shalt  }
0x6d: {  	_ =	shalt  }
0x6e: {  	_ =	shalt  }
0x6f: {  	_ =	shalt  }
0x70: {  	_ =	shalt  }
0x71: {  	_ =	shalt  }
0x72: {  	_ =	shalt  }
0x73: {  	_ =	shalt  }
0x74: {  	_ =	shalt  }
0x75: {  	_ =	shalt  }
0x76: {  	_ =	shalt  }
0x77: {  	_ =	shalt  }
0x78: {  	_ =	shalt  }
0x79: {  	_ =	shalt  }
0x7a: {  	_ =	shalt  }
0x7b: {  	_ =	shalt  }
0x7c: {  	_ =	shalt  }
0x7d: {  	_ =	shalt  }
0x7e: {  	_ =	shalt  }
0x7f: {  	_ =	shalt  }
0x80: {  	_ =	shalt  }
0x81: {  	_ =	shalt  }
0x82: {  	_ =	shalt  }
0x83: {  	_ =	shalt  }
0x84: {  	_ =	shalt  }
0x85: {  	_ =	shalt  }
0x86: {  	_ =	shalt  }
0x87: {  	_ =	shalt  }
.Lfunc_end0:
.L_simem_size_0:
called_computation.3_lowered:
.L_overlay_start_0:
0x88: {  	s2 =	sld [smem:$0x3FD9]  }
0x89: {  	s3 =	sld [smem:$0x3FFE];
	_ =	sdelay $0x1  }
0x8a: {  	s1 =	srdreg.scid  }
0x8b: {  	s0 =	sand.u32 $0x1, s1  }
0x8c: {  	s16 =	sshll.u32 s0, $0xA;
	s2 =	sadd.s32 s3, s2  }
0x8d: {  	s2 =	sadd.s32 s2, s16  }
0x8e: {  	[smem:$0x3FBD] =	sst s2  }
0x8f: {  	_ = 	snop  }
0x90: {  	(tm) =	ssettm $0x1  }
0x91: {  	s17 =	sld [smem:$0x3FFB];
	_ =	sdelay $0x3  }
0x92: {  	_ =	strace s17  }
0x93: {  	s2 =	sld [smem:$0x3FFC];
	_ =	sdelay $0x3  }
0x94: {  	_ =	strace s2  }
0x95: {  	s2 =	sld [smem:$0x3FFD];
	_ =	sdelay $0x3  }
0x96: {  	_ =	strace s2  }
0x97: {  	_ =	strace $0x8FFFFFFF  }
0x98: {  	s18 =	sld [smem:$0x3FDB];
	_ =	sdelay $0x1  }
0x99: {  	s19 =	simm.s32 $_scs_section_size  }
0x9a: {  	s4 =	simm.s32 $_size__tile_overlayer_lowered;
	s5 =	simm.s32 $_tile_overlayer_lowered  }
0x9b: {  	s22 =	simm.s32 $0x1BFF;
	s21 =	sshll.u32 s5, $0x1;
	s2 =	sadd.s32 s19, s18  }
0x9c: {  	s6 =	simm.s32 $0x0;
	s20 =	sshll.u32 s4, $0x1;
	s4 =	sadd.s32 s21, s2  }
0x9d: {  	[timem:s6], [sflag:s22] =	dma.local [hbm:s4], s20  }
0x9e: {  	_ =	swait.ge [sflag:s22], s20  }
0x9f: {  	s3 =	ssub.s32 $0x0, s20;
	[sflag:s22] =	ssyncset.done $0x0  }
0xa0: {  	[sflag:s22] =	ssyncadd.s32 s3;
	_ =	sdelay $0x1  }
0xa1: {  	s23 =	simm.s32 $0x1B8B  }
0xa2: {  	_ =	swait.ge [sflag:s23], $0x1  }
0xa3: {  	[sflag:s23] =	ssyncset.done $0x0  }
0xa4: {  	s25 =	simm.s32 $0x1B8E;
	s24 =	sld [smem:$0x3FFE];
	[sflag:s23] =	ssyncadd.s32 $0xFFFFFFFF  }
0xa5: {  	s26 =	simm.s32 $execute0_lowered;
	[smem:$0x3FD2] =	sst s25  }
0xa6: {  	s4 =	sshll.u32 s26, $0x1;
	_ =	strace $0x8000004F;
	[dreg:$0x1] =	wrdreg $0xFFFFFFFF  }
0xa7: {  	s28 =	simm.s32 $_size_execute0_lowered;
	s2 =	sadd.s32 s2, s4;
	[dreg:$0x0] =	wrdreg $0x0  }
0xa8: {  	s4 =	sshll.u32 s28, $0x1;
	[dreg:$0x2] =	wrdreg s2  }
0xa9: {  	[dreg:$0x3] =	wrdreg s4  }
0xaa: {  	[dreg:$0x4] =	wrdreg $0xC0  }
0xab: {  	_ =	task [dreg:s6], $0x5FFFF  }
0xac: {  	[dreg:$0x1] =	wrdreg $0xFFFFFFFF  }
0xad: {  	[dreg:$0x0] =	wrdreg $0x60  }
0xae: {  	[dreg:$0x2] =	wrdreg s24  }
0xaf: {  	[dreg:$0x3] =	wrdreg $0x9  }
0xb0: {  	_ =	task.clear_ibuf [dreg:s6], $0x4FFFF;
	_ =	strace $0x9000004F  }
0xb1: {  	s29 =	simm.s32 $0x9;
	_ =	strace $0x80000051  }
0xb2: {  	_ =	swait.ge [sflag:s29], $0x1  }
0xb3: {  	[sflag:s29] =	ssyncadd.s32 $0xFFFFFFFF  }
0xb4: {  	_ =	strace $0x90000051  }
0xb5: {  	_ =	sfence  }
0xb6: {  	s30 =	sld [smem:$0x0];
	_ =	sdelay $0x2  }
0xb7: {  	s31 =	sshll.u32 s1, $0xD;
	s1 =	sshrl.u32 s1, $0x2  }
0xb8: {  	s3 =	sand.u32 $0x4000, s31;
	s1 =	sadd.s32 s1, s30  }
0xb9: {  	s0 =	sor.u32 s3, s0;
	s1 =	sshll.u32 s1, $0x11  }
0xba: {  	s0 =	sor.u32 s1, s0  }
0xbb: {  	s0 =	sadd.s32 $0x8F2B, s0  }
0xbc: {  	[sflag:s0] =	ssyncadd.remote.s32 $0x1  }
0xbd: {  	_ =	sfence.sel $0xFFFF  }
0xbe: {  	[dreg:$0x0] =	wrdreg $0xFFFFFFFF;
	(pc) =	sbr.abs _section_cstart, $3  }
0xbf: {  	[dreg:$0x1] =	wrdreg $0xFFFFFFFF  }
0xc0: {  	_ =	task.clear_ibuf [dreg:s6], $0x2FFFF;
	_ =	strace $0x9FFFFFFF  }
0xc1: {  	(tm) =	ssettm $0x7FFFFFFF  }
tec
execute0_lowered:
.L_overlay_start_1:
0x0: {  	(tag) =	ssettag $0x1  }
0x1: {  	s0 =	rddreg [dreg:$0x0];
	s2 =	simm.s32 $0x0;
	s1 =	srdreg.scid  }
0x2: {  	s6 =	stileid.u32;
	s8 =	simm.s32 $0x1000;
	s21 =	simm.s32 $0x7800  }
0x3: {  	s22 =	simm.s32 $0x8000;
	s23 =	simm.s32 $0x8800;
	s24 =	simm.s32 $0x2  }
0x4: {  	s28 =	simm.s32 $0x4;
	s29 =	simm.s32 $0x1;
	s30 =	simm.s32 $0x9800  }
0x5: {  	s31 =	simm.s32 $0xA000;
	s9 =	simm.s32 $0xD800;
	s10 =	simm.s32 $0xE000  }
0x6: {  	s11 =	simm.s32 $0xE800;
	s12 =	simm.s32 $0xF000;
	s13 =	simm.s32 $0xF800  }
0x7: {  	s14 =	simm.s32 $0x10000;
	s15 =	simm.s32 $0x10800;
	s16 =	simm.s32 $0x0  }
0x8: {  	[smem:$0x7FF] =	sst s2;
	s1 =	sand.u32 $0x1, s1;
	s4 =	sshll.u32 s6, $0xA  }
0x9: {  	s3 =	sadd.s32 $0x87600, s0;
	s6 =	sshll.u32 s6, $0x12;
	s5 =	sshll.u32 s1, $0x9  }
0xa: {  	_ =	strace $0x80000050;
	s25 =	ssub.s32 $0x2, s1;
	s4 =	sor.u32 s5, s4  }
0xb: {  	s1 =	sshll.u32 s1, $0x11;
	s7 =	sshrl.u32 s25, $0x1;
	s4 =	sadd.s32 s4, s0  }
0xc: {  	s0 =	sadd.s32 s6, s0;
	s5 =	ssub.s32 s25, s7;
	s25 =	simm.s32 $0x9000  }
.Ltmp0:
0xd: {  	s6 =	simm.s32 $0xC800;
	s7 =	simm.s32 $0xD000;
	(pc) =	sbr.rel .LBB2_1-.Ltmp0, $4  }
0xe: {  	s4 =	sadd.s32 $0x207600, s4;
	s26 =	smax.u32 s5, $0x1;
	s0 =	sadd.s32 s1, s0  }
0xf: {  	v2 =	vlaneseq.u32;
	s1 =	simm.s32 $0xB000;
	s5 =	simm.s32 $0xC000;
	[dreg:$0x2] =	wrdreg s4  }
0x10: {  	vm0 =	vmmov $0xffff;
	v1 =	vshrl.u32 v2, $0x3;
	[dreg:$0x3] =	wrdreg s26;
	s0 =	sadd.s32 $0x20B600, s0;
	s26 =	simm.s32 $0x3  }
0x11: {  	v0 =	vand.u32 $0x7, v2;
	v2 =	vor.u32 $0x8, v2;
	v1 =	vmul.u32 $0x8, v1;
	s4 =	simm.s32 $0xB800;
	[dreg:$0x4] =	wrdreg s0;
	s0 =	simm.s32 $0xA800  }
.LBB2_12:
0x12: {  	_ =	swait.ge [sflag:s26], $0x8000  }
0x13: {  	[sflag:s26] =	ssyncset.done $0x0  }
0x14: {  	[sflag:s26] =	ssyncadd.s32 $0xFFFF8000  }
0x15: {  	_ =	swait.ge [sflag:s28], $0x8000  }
0x16: {  	s16 =	sadd.s32 $0x1, s16;
	s17 =	rddreg [dreg:$0x3]  }
0x17: {  	p0 =	sne.s32 s16, s17  }
.Ltmp1:
0x18: {  	_ = 	snop;
	(pc) =	sbr.rel @!p0 .LBB2_13-.Ltmp1, $3  }
0x19: {  	_ =	sdelay $0x1  }
0x1a: {  	[sflag:s28] =	ssyncset.done $0x0  }
0x1b: {  	[sflag:s28] =	ssyncadd.s32 $0xFFFF8000  }
.LBB2_1:
0x1c: {  	s17 =	rddreg [dreg:$0x2];
	s20 =	simm.s32 $0x5  }
0x1d: {  	[tilespmem:s2], [sflag:$0x5] =	stream.linear.gather [hbm4b:s17+s2], $0x1000, $0x38;
	[tilespmem:$0x11000] =	vst v63  }
0x1e: {  	_ =	swait.ge [sflag:s20], $0x1000  }
0x1f: {  	[sflag:s20] =	ssyncset.done $0x0  }
0x20: {  	[sflag:s20] =	ssyncadd.s32 $0xFFFFF000  }
0x21: {  	v3 =	vld [tilespmem:$0x0];
	_ =	sdelay $0x4  }
0x22: {  	v4 =	vshll.u32 v3, $0x1  }
0x23: {  	v3 =	vand.u32 $0x7, v3;
	v4 =	vand.u32 $0xFFFFFFF0, v4  }
0x24: {  	v3 =	vor.u32 v3, v4  }
0x25: {  	v4 =	vperm.xlane v3, v0;
	_ =	sdelay $0x1  }
0x26: {  	v3 =	vperm.xlane v3, v2;
	v4 =	vadd.s32 v1, v4;
	_ =	sdelay $0x1  }
0x27: {  	v3 =	vadd.s32 v1, v3;
	_ =	sdelay $0x2  }
0x28: {  	[tilespmem:s8], [sflag:$0x1] =	stream.indirect_vreg.gather [hbm4b:s3+s2], $0x80, v4, vm0, $0xb8;
	[tilespmem:$0x11000] =	vst v63  }
0x29: {  	s18 =	simm.s32 $0x1800  }
0x2a: {  	[tilespmem:s18], [sflag:$0x1] =	stream.indirect_vreg.gather [hbm4b:s3+s2], $0x80, v3, vm0, $0xb8;
	[tilespmem:$0x11000] =	vst v63  }
0x2b: {  	v3 =	vld [tilespmem:$0x10];
	_ =	sdelay $0x4  }
0x2c: {  	v57 =	vshll.u32 v3, $0x1  }
0x2d: {  	v3 =	vand.u32 $0x7, v3;
	v4 =	vand.u32 $0xFFFFFFF0, v57  }
0x2e: {  	v3 =	vor.u32 v3, v4  }
0x2f: {  	v4 =	vperm.xlane v3, v0;
	_ =	sdelay $0x1  }
0x30: {  	v3 =	vperm.xlane v3, v2;
	v4 =	vadd.s32 v1, v4;
	_ =	sdelay $0x1  }
0x31: {  	v3 =	vadd.s32 v1, v3;
	_ =	sdelay $0x1  }
0x32: {  	s19 =	simm.s32 $0x2000  }
0x33: {  	[tilespmem:s19], [sflag:$0x1] =	stream.indirect_vreg.gather [hbm4b:s3+s2], $0x80, v4, vm0, $0xb8;
	[tilespmem:$0x11000] =	vst v63  }
0x34: {  	s20 =	simm.s32 $0x2800  }
0x35: {  	[tilespmem:s20], [sflag:$0x1] =	stream.indirect_vreg.gather [hbm4b:s3+s2], $0x80, v3, vm0, $0xb8;
	[tilespmem:$0x11000] =	vst v63  }
0x36: {  	v3 =	vld [tilespmem:$0x20];
	_ =	sdelay $0x4  }
0x37: {  	v58 =	vshll.u32 v3, $0x1  }
0x38: {  	v3 =	vand.u32 $0x7, v3;
	v4 =	vand.u32 $0xFFFFFFF0, v58  }
0x39: {  	v3 =	vor.u32 v3, v4  }
0x3a: {  	v4 =	vperm.xlane v3, v0;
	_ =	sdelay $0x1  }
0x3b: {  	v3 =	vperm.xlane v3, v2;
	v4 =	vadd.s32 v1, v4;
	_ =	sdelay $0x1  }
0x3c: {  	v3 =	vadd.s32 v1, v3;
	_ =	sdelay $0x1  }
0x3d: {  	s18 =	simm.s32 $0x3000  }
0x3e: {  	[tilespmem:s18], [sflag:$0x1] =	stream.indirect_vreg.gather [hbm4b:s3+s2], $0x80, v4, vm0, $0xb8;
	[tilespmem:$0x11000] =	vst v63  }
0x3f: {  	s19 =	simm.s32 $0x3800  }
0x40: {  	[tilespmem:s19], [sflag:$0x1] =	stream.indirect_vreg.gather [hbm4b:s3+s2], $0x80, v3, vm0, $0xb8;
	[tilespmem:$0x11000] =	vst v63  }
0x41: {  	v3 =	vld [tilespmem:$0x30];
	_ =	sdelay $0x4  }
0x42: {  	v59 =	vshll.u32 v3, $0x1  }
0x43: {  	v3 =	vand.u32 $0x7, v3;
	v4 =	vand.u32 $0xFFFFFFF0, v59  }
0x44: {  	v3 =	vor.u32 v3, v4  }
0x45: {  	v4 =	vperm.xlane v3, v0;
	_ =	sdelay $0x1  }
0x46: {  	v3 =	vperm.xlane v3, v2;
	v4 =	vadd.s32 v1, v4;
	_ =	sdelay $0x1  }
0x47: {  	v3 =	vadd.s32 v1, v3;
	_ =	sdelay $0x1  }
0x48: {  	s20 =	simm.s32 $0x4000  }
0x49: {  	[tilespmem:s20], [sflag:$0x1] =	stream.indirect_vreg.gather [hbm4b:s3+s2], $0x80, v4, vm0, $0xb8;
	[tilespmem:$0x11000] =	vst v63  }
0x4a: {  	s18 =	simm.s32 $0x4800  }
0x4b: {  	[tilespmem:s18], [sflag:$0x1] =	stream.indirect_vreg.gather [hbm4b:s3+s2], $0x80, v3, vm0, $0xb8;
	[tilespmem:$0x11000] =	vst v63  }
0x4c: {  	v3 =	vld [tilespmem:$0x40];
	_ =	sdelay $0x4  }
0x4d: {  	v60 =	vshll.u32 v3, $0x1  }
0x4e: {  	v3 =	vand.u32 $0x7, v3;
	v4 =	vand.u32 $0xFFFFFFF0, v60  }
0x4f: {  	v3 =	vor.u32 v3, v4  }
0x50: {  	v4 =	vperm.xlane v3, v0;
	_ =	sdelay $0x1  }
0x51: {  	v3 =	vperm.xlane v3, v2;
	v4 =	vadd.s32 v1, v4;
	_ =	sdelay $0x1  }
0x52: {  	v3 =	vadd.s32 v1, v3;
	_ =	sdelay $0x1  }
0x53: {  	s19 =	simm.s32 $0x5000  }
0x54: {  	[tilespmem:s19], [sflag:$0x1] =	stream.indirect_vreg.gather [hbm4b:s3+s2], $0x80, v4, vm0, $0xb8;
	[tilespmem:$0x11000] =	vst v63  }
0x55: {  	s20 =	simm.s32 $0x5800  }
0x56: {  	[tilespmem:s20], [sflag:$0x1] =	stream.indirect_vreg.gather [hbm4b:s3+s2], $0x80, v3, vm0, $0xb8;
	[tilespmem:$0x11000] =	vst v63  }
0x57: {  	v3 =	vld [tilespmem:$0x50];
	_ =	sdelay $0x4  }
0x58: {  	v61 =	vshll.u32 v3, $0x1  }
0x59: {  	v3 =	vand.u32 $0x7, v3;
	v4 =	vand.u32 $0xFFFFFFF0, v61  }
0x5a: {  	v3 =	vor.u32 v3, v4  }
0x5b: {  	v4 =	vperm.xlane v3, v0;
	_ =	sdelay $0x1  }
0x5c: {  	v3 =	vperm.xlane v3, v2;
	v4 =	vadd.s32 v1, v4;
	_ =	sdelay $0x1  }
0x5d: {  	v3 =	vadd.s32 v1, v3;
	_ =	sdelay $0x1  }
0x5e: {  	s18 =	simm.s32 $0x6000  }
0x5f: {  	[tilespmem:s18], [sflag:$0x1] =	stream.indirect_vreg.gather [hbm4b:s3+s2], $0x80, v4, vm0, $0xb8;
	[tilespmem:$0x11000] =	vst v63  }
0x60: {  	s19 =	simm.s32 $0x6800  }
0x61: {  	[tilespmem:s19], [sflag:$0x1] =	stream.indirect_vreg.gather [hbm4b:s3+s2], $0x80, v3, vm0, $0xb8;
	[tilespmem:$0x11000] =	vst v63  }
0x62: {  	v3 =	vld [tilespmem:$0x60];
	_ =	sdelay $0x4  }
0x63: {  	v62 =	vshll.u32 v3, $0x1  }
0x64: {  	v3 =	vand.u32 $0x7, v3;
	v4 =	vand.u32 $0xFFFFFFF0, v62  }
0x65: {  	v3 =	vor.u32 v3, v4  }
0x66: {  	v4 =	vperm.xlane v3, v0;
	_ =	sdelay $0x1  }
0x67: {  	v3 =	vperm.xlane v3, v2;
	v4 =	vadd.s32 v1, v4;
	_ =	sdelay $0x1  }
0x68: {  	v3 =	vadd.s32 v1, v3;
	_ =	sdelay $0x1  }
0x69: {  	s20 =	simm.s32 $0x7000  }
0x6a: {  	[tilespmem:s20], [sflag:$0x1] =	stream.indirect_vreg.gather [hbm4b:s3+s2], $0x80, v4, vm0, $0xb8;
	[tilespmem:$0x11000] =	vst v63  }
0x6b: {  	_ = 	snop  }
0x6c: {  	[tilespmem:s21], [sflag:$0x1] =	stream.indirect_vreg.gather [hbm4b:s3+s2], $0x80, v3, vm0, $0xb8;
	[tilespmem:$0x11000] =	vst v63  }
0x6d: {  	v3 =	vld [tilespmem:$0x70];
	_ =	sdelay $0x4  }
0x6e: {  	v63 =	vshll.u32 v3, $0x1  }
0x6f: {  	v3 =	vand.u32 $0x7, v3;
	v4 =	vand.u32 $0xFFFFFFF0, v63  }
0x70: {  	v3 =	vor.u32 v3, v4  }
0x71: {  	v4 =	vperm.xlane v3, v0;
	_ =	sdelay $0x1  }
0x72: {  	v3 =	vperm.xlane v3, v2;
	v4 =	vadd.s32 v1, v4;
	_ =	sdelay $0x1  }
0x73: {  	v3 =	vadd.s32 v1, v3  }
.Ltmp2:
0x74: {  	_ = 	snop;
	(pc) =	sbr.rel .LBB2_2-.Ltmp2, $4  }
0x75: {  	_ = 	snop  }
0x76: {  	[tilespmem:s22], [sflag:$0x1] =	stream.indirect_vreg.gather [hbm4b:s3+s2], $0x80, v4, vm0, $0xb8;
	[tilespmem:$0x11000] =	vst v63  }
0x77: {  	s17 =	simm.s32 $0xF0;
	s18 =	rddreg [dreg:$0x4];
	s19 =	simm.s32 $0x0  }
0x78: {  	[tilespmem:s23], [sflag:$0x1] =	stream.indirect_vreg.gather [hbm4b:s3+s2], $0x80, v3, vm0, $0xb8;
	[tilespmem:$0x11000] =	vst v63  }
.LBB2_10:
0x79: {  	[hbm4b:s18+s2] =	stream.linear.scatter [tilespmem:s25], [sflag:$0x4], $0x8000, $0x38;
	[tilespmem:$0x11000] =	vst v63  }
.LBB2_11:
0x7a: {  	s19 =	sadd.s32 $0x1, s19  }
0x7b: {  	p0 =	sne.s32 s19, $0x20  }
.Ltmp3:
0x7c: {  	_ = 	snop;
	(pc) =	sbr.rel @!p0 .LBB2_12-.Ltmp3, $2  }
0x7d: {  	_ =	sdelay $0x2  }
0x7e: {  	s18 =	sadd.s32 $0x1000, s18;
	s17 =	sadd.s32 $0x80, s17  }
.LBB2_2:
0x7f: {  	s20 =	sand.u32 $0x1, s19  }
0x80: {  	p0 =	seq.s32 s20, $0x1  }
.Ltmp4:
0x81: {  	_ = 	snop;
	(pc) =	sbr.rel @!p0 .LBB2_3-.Ltmp4, $1  }
0x82: {  	_ =	sdelay $0x3  }
0x83: {  	p0 =	seq.s32 s19, $0x1F  }
.Ltmp5:
0x84: {  	_ = 	snop;
	(pc) =	sbr.rel @p0 .LBB2_10-.Ltmp5, $4  }
0x85: {  	_ = 	snop  }
0x86: {  	_ =	swait.ge [sflag:s24], $0x8000  }
0x87: {  	[sflag:s24] =	ssyncset.done $0x0  }
0x88: {  	[sflag:s24] =	ssyncadd.s32 $0xFFFF8000  }
0x89: {  	_ =	swait.ge [sflag:s26], $0x8000  }
0x8a: {  	[sflag:s26] =	ssyncset.done $0x0  }
0x8b: {  	[sflag:s26] =	ssyncadd.s32 $0xFFFF8000  }
0x8c: {  	v3 =	vld [tilespmem:s17+$0xFFFFFF90];
	_ =	sdelay $0x4  }
0x8d: {  	v4 =	vshll.u32 v3, $0x1  }
0x8e: {  	v3 =	vand.u32 $0x7, v3;
	v4 =	vand.u32 $0xFFFFFFF0, v4  }
0x8f: {  	v3 =	vor.u32 v3, v4  }
0x90: {  	v4 =	vperm.xlane v3, v0;
	_ =	sdelay $0x1  }
0x91: {  	v3 =	vperm.xlane v3, v2;
	v4 =	vadd.s32 v1, v4;
	_ =	sdelay $0x1  }
0x92: {  	v3 =	vadd.s32 v1, v3;
	_ =	sdelay $0x2  }
0x93: {  	[tilespmem:s8], [sflag:$0x1] =	stream.indirect_vreg.gather [hbm4b:s3+s2], $0x80, v4, vm0, $0xb8;
	[tilespmem:$0x11000] =	vst v63  }
0x94: {  	s20 =	simm.s32 $0x1800  }
0x95: {  	[tilespmem:s20], [sflag:$0x1] =	stream.indirect_vreg.gather [hbm4b:s3+s2], $0x80, v3, vm0, $0xb8;
	[tilespmem:$0x11000] =	vst v63  }
0x96: {  	v3 =	vld [tilespmem:s17+$0xFFFFFFA0];
	_ =	sdelay $0x4  }
0x97: {  	v57 =	vshll.u32 v3, $0x1  }
0x98: {  	v3 =	vand.u32 $0x7, v3;
	v4 =	vand.u32 $0xFFFFFFF0, v57  }
0x99: {  	v3 =	vor.u32 v3, v4  }
0x9a: {  	v4 =	vperm.xlane v3, v0;
	_ =	sdelay $0x1  }
0x9b: {  	v3 =	vperm.xlane v3, v2;
	v4 =	vadd.s32 v1, v4;
	_ =	sdelay $0x1  }
0x9c: {  	v3 =	vadd.s32 v1, v3;
	_ =	sdelay $0x1  }
0x9d: {  	s20 =	simm.s32 $0x2000  }
0x9e: {  	[tilespmem:s20], [sflag:$0x1] =	stream.indirect_vreg.gather [hbm4b:s3+s2], $0x80, v4, vm0, $0xb8;
	[tilespmem:$0x11000] =	vst v63  }
0x9f: {  	s20 =	simm.s32 $0x2800  }
0xa0: {  	[tilespmem:s20], [sflag:$0x1] =	stream.indirect_vreg.gather [hbm4b:s3+s2], $0x80, v3, vm0, $0xb8;
	[tilespmem:$0x11000] =	vst v63  }
0xa1: {  	v3 =	vld [tilespmem:s17+$0xFFFFFFB0];
	_ =	sdelay $0x4  }
0xa2: {  	v58 =	vshll.u32 v3, $0x1  }
0xa3: {  	v3 =	vand.u32 $0x7, v3;
	v4 =	vand.u32 $0xFFFFFFF0, v58  }
0xa4: {  	v3 =	vor.u32 v3, v4  }
0xa5: {  	v4 =	vperm.xlane v3, v0;
	_ =	sdelay $0x1  }
0xa6: {  	v3 =	vperm.xlane v3, v2;
	v4 =	vadd.s32 v1, v4;
	_ =	sdelay $0x1  }
0xa7: {  	v3 =	vadd.s32 v1, v3;
	_ =	sdelay $0x1  }
0xa8: {  	s20 =	simm.s32 $0x3000  }
0xa9: {  	[tilespmem:s20], [sflag:$0x1] =	stream.indirect_vreg.gather [hbm4b:s3+s2], $0x80, v4, vm0, $0xb8;
	[tilespmem:$0x11000] =	vst v63  }
0xaa: {  	s20 =	simm.s32 $0x3800  }
0xab: {  	[tilespmem:s20], [sflag:$0x1] =	stream.indirect_vreg.gather [hbm4b:s3+s2], $0x80, v3, vm0, $0xb8;
	[tilespmem:$0x11000] =	vst v63  }
0xac: {  	v3 =	vld [tilespmem:s17+$0xFFFFFFC0];
	_ =	sdelay $0x4  }
0xad: {  	v59 =	vshll.u32 v3, $0x1  }
0xae: {  	v3 =	vand.u32 $0x7, v3;
	v4 =	vand.u32 $0xFFFFFFF0, v59  }
0xaf: {  	v3 =	vor.u32 v3, v4  }
0xb0: {  	v4 =	vperm.xlane v3, v0;
	_ =	sdelay $0x1  }
0xb1: {  	v3 =	vperm.xlane v3, v2;
	v4 =	vadd.s32 v1, v4;
	_ =	sdelay $0x1  }
0xb2: {  	v3 =	vadd.s32 v1, v3;
	_ =	sdelay $0x1  }
0xb3: {  	s20 =	simm.s32 $0x4000  }
0xb4: {  	[tilespmem:s20], [sflag:$0x1] =	stream.indirect_vreg.gather [hbm4b:s3+s2], $0x80, v4, vm0, $0xb8;
	[tilespmem:$0x11000] =	vst v63  }
0xb5: {  	s20 =	simm.s32 $0x4800  }
0xb6: {  	[tilespmem:s20], [sflag:$0x1] =	stream.indirect_vreg.gather [hbm4b:s3+s2], $0x80, v3, vm0, $0xb8;
	[tilespmem:$0x11000] =	vst v63  }
0xb7: {  	v3 =	vld [tilespmem:s17+$0xFFFFFFD0];
	_ =	sdelay $0x4  }
0xb8: {  	v60 =	vshll.u32 v3, $0x1  }
0xb9: {  	v3 =	vand.u32 $0x7, v3;
	v4 =	vand.u32 $0xFFFFFFF0, v60  }
0xba: {  	v3 =	vor.u32 v3, v4  }
0xbb: {  	v4 =	vperm.xlane v3, v0;
	_ =	sdelay $0x1  }
0xbc: {  	v3 =	vperm.xlane v3, v2;
	v4 =	vadd.s32 v1, v4;
	_ =	sdelay $0x1  }
0xbd: {  	v3 =	vadd.s32 v1, v3;
	_ =	sdelay $0x1  }
0xbe: {  	s20 =	simm.s32 $0x5000  }
0xbf: {  	[tilespmem:s20], [sflag:$0x1] =	stream.indirect_vreg.gather [hbm4b:s3+s2], $0x80, v4, vm0, $0xb8;
	[tilespmem:$0x11000] =	vst v63  }
0xc0: {  	s20 =	simm.s32 $0x5800  }
0xc1: {  	[tilespmem:s20], [sflag:$0x1] =	stream.indirect_vreg.gather [hbm4b:s3+s2], $0x80, v3, vm0, $0xb8;
	[tilespmem:$0x11000] =	vst v63  }
0xc2: {  	v3 =	vld [tilespmem:s17+$0xFFFFFFE0];
	_ =	sdelay $0x4  }
0xc3: {  	v61 =	vshll.u32 v3, $0x1  }
0xc4: {  	v3 =	vand.u32 $0x7, v3;
	v4 =	vand.u32 $0xFFFFFFF0, v61  }
0xc5: {  	v3 =	vor.u32 v3, v4  }
0xc6: {  	v4 =	vperm.xlane v3, v0;
	_ =	sdelay $0x1  }
0xc7: {  	v3 =	vperm.xlane v3, v2;
	v4 =	vadd.s32 v1, v4;
	_ =	sdelay $0x1  }
0xc8: {  	v3 =	vadd.s32 v1, v3;
	_ =	sdelay $0x1  }
0xc9: {  	s20 =	simm.s32 $0x6000  }
0xca: {  	[tilespmem:s20], [sflag:$0x1] =	stream.indirect_vreg.gather [hbm4b:s3+s2], $0x80, v4, vm0, $0xb8;
	[tilespmem:$0x11000] =	vst v63  }
0xcb: {  	s20 =	simm.s32 $0x6800  }
0xcc: {  	[tilespmem:s20], [sflag:$0x1] =	stream.indirect_vreg.gather [hbm4b:s3+s2], $0x80, v3, vm0, $0xb8;
	[tilespmem:$0x11000] =	vst v63  }
0xcd: {  	v3 =	vld [tilespmem:s17+$0xFFFFFFF0];
	_ =	sdelay $0x4  }
0xce: {  	v62 =	vshll.u32 v3, $0x1  }
0xcf: {  	v3 =	vand.u32 $0x7, v3;
	v4 =	vand.u32 $0xFFFFFFF0, v62  }
0xd0: {  	v3 =	vor.u32 v3, v4  }
0xd1: {  	v4 =	vperm.xlane v3, v0;
	_ =	sdelay $0x1  }
0xd2: {  	v3 =	vperm.xlane v3, v2;
	v4 =	vadd.s32 v1, v4;
	_ =	sdelay $0x1  }
0xd3: {  	v3 =	vadd.s32 v1, v3;
	_ =	sdelay $0x1  }
0xd4: {  	s20 =	simm.s32 $0x7000  }
0xd5: {  	[tilespmem:s20], [sflag:$0x1] =	stream.indirect_vreg.gather [hbm4b:s3+s2], $0x80, v4, vm0, $0xb8;
	[tilespmem:$0x11000] =	vst v63  }
0xd6: {  	_ = 	snop  }
0xd7: {  	[tilespmem:s21], [sflag:$0x1] =	stream.indirect_vreg.gather [hbm4b:s3+s2], $0x80, v3, vm0, $0xb8;
	[tilespmem:$0x11000] =	vst v63  }
0xd8: {  	v3 =	vld [tilespmem:s17+$0x0];
	_ =	sdelay $0x4  }
0xd9: {  	v63 =	vshll.u32 v3, $0x1  }
0xda: {  	v3 =	vand.u32 $0x7, v3;
	v4 =	vand.u32 $0xFFFFFFF0, v63  }
0xdb: {  	v3 =	vor.u32 v3, v4  }
0xdc: {  	v4 =	vperm.xlane v3, v0;
	_ =	sdelay $0x1  }
0xdd: {  	v3 =	vperm.xlane v3, v2;
	v4 =	vadd.s32 v1, v4;
	_ =	sdelay $0x1  }
0xde: {  	v3 =	vadd.s32 v1, v3  }
.Ltmp6:
0xdf: {  	_ = 	snop;
	(pc) =	sbr.rel .LBB2_10-.Ltmp6, $4  }
0xe0: {  	_ = 	snop  }
0xe1: {  	[tilespmem:s22], [sflag:$0x1] =	stream.indirect_vreg.gather [hbm4b:s3+s2], $0x80, v4, vm0, $0xb8;
	[tilespmem:$0x11000] =	vst v63  }
0xe2: {  	_ = 	snop  }
0xe3: {  	[tilespmem:s23], [sflag:$0x1] =	stream.indirect_vreg.gather [hbm4b:s3+s2], $0x80, v3, vm0, $0xb8;
	[tilespmem:$0x11000] =	vst v63  }
.LBB2_3:
0xe4: {  	p0 =	seq.s32 s19, $0x0  }
.Ltmp7:
0xe5: {  	_ = 	snop;
	(pc) =	sbr.rel @p0 .LBB2_6-.Ltmp7, $4  }
0xe6: {  	_ = 	snop  }
0xe7: {  	_ =	swait.ge [sflag:s29], $0x8000  }
0xe8: {  	[sflag:s29] =	ssyncset.done $0x0  }
0xe9: {  	[sflag:s29] =	ssyncadd.s32 $0xFFFF8000  }
0xea: {  	p0 =	seq.s32 s19, $0x1F  }
.Ltmp8:
0xeb: {  	_ = 	snop;
	(pc) =	sbr.rel @p0 .LBB2_7-.Ltmp8, $1  }
0xec: {  	_ =	sdelay $0x3  }
0xed: {  	_ =	swait.ge [sflag:s28], $0x8000  }
0xee: {  	[sflag:s28] =	ssyncset.done $0x0  }
0xef: {  	[sflag:s28] =	ssyncadd.s32 $0xFFFF8000  }
.LBB2_6:
0xf0: {  	v3 =	vld [tilespmem:s17+$0xFFFFFF90];
	_ =	sdelay $0x4  }
0xf1: {  	v4 =	vshll.u32 v3, $0x1  }
0xf2: {  	v3 =	vand.u32 $0x7, v3;
	v4 =	vand.u32 $0xFFFFFFF0, v4  }
0xf3: {  	v3 =	vor.u32 v3, v4  }
0xf4: {  	v4 =	vperm.xlane v3, v0;
	_ =	sdelay $0x1  }
0xf5: {  	v3 =	vperm.xlane v3, v2;
	v4 =	vadd.s32 v1, v4;
	_ =	sdelay $0x1  }
0xf6: {  	v3 =	vadd.s32 v1, v3;
	_ =	sdelay $0x2  }
0xf7: {  	[tilespmem:s25], [sflag:$0x2] =	stream.indirect_vreg.gather [hbm4b:s3+s2], $0x80, v4, vm0, $0xb8;
	[tilespmem:$0x11000] =	vst v63  }
0xf8: {  	_ = 	snop  }
0xf9: {  	[tilespmem:s30], [sflag:$0x2] =	stream.indirect_vreg.gather [hbm4b:s3+s2], $0x80, v3, vm0, $0xb8;
	[tilespmem:$0x11000] =	vst v63  }
0xfa: {  	v3 =	vld [tilespmem:s17+$0xFFFFFFA0];
	_ =	sdelay $0x4  }
0xfb: {  	v57 =	vshll.u32 v3, $0x1  }
0xfc: {  	v3 =	vand.u32 $0x7, v3;
	v4 =	vand.u32 $0xFFFFFFF0, v57  }
0xfd: {  	v3 =	vor.u32 v3, v4  }
0xfe: {  	v4 =	vperm.xlane v3, v0;
	_ =	sdelay $0x1  }
0xff: {  	v3 =	vperm.xlane v3, v2;
	v4 =	vadd.s32 v1, v4;
	_ =	sdelay $0x1  }
0x100: {  	v3 =	vadd.s32 v1, v3;
	_ =	sdelay $0x2  }
0x101: {  	[tilespmem:s31], [sflag:$0x2] =	stream.indirect_vreg.gather [hbm4b:s3+s2], $0x80, v4, vm0, $0xb8;
	[tilespmem:$0x11000] =	vst v63  }
0x102: {  	_ = 	snop  }
0x103: {  	[tilespmem:s0], [sflag:$0x2] =	stream.indirect_vreg.gather [hbm4b:s3+s2], $0x80, v3, vm0, $0xb8;
	[tilespmem:$0x11000] =	vst v63  }
0x104: {  	v3 =	vld [tilespmem:s17+$0xFFFFFFB0];
	_ =	sdelay $0x4  }
0x105: {  	v58 =	vshll.u32 v3, $0x1  }
0x106: {  	v3 =	vand.u32 $0x7, v3;
	v4 =	vand.u32 $0xFFFFFFF0, v58  }
0x107: {  	v3 =	vor.u32 v3, v4  }
0x108: {  	v4 =	vperm.xlane v3, v0;
	_ =	sdelay $0x1  }
0x109: {  	v3 =	vperm.xlane v3, v2;
	v4 =	vadd.s32 v1, v4;
	_ =	sdelay $0x1  }
0x10a: {  	v3 =	vadd.s32 v1, v3;
	_ =	sdelay $0x2  }
0x10b: {  	[tilespmem:s1], [sflag:$0x2] =	stream.indirect_vreg.gather [hbm4b:s3+s2], $0x80, v4, vm0, $0xb8;
	[tilespmem:$0x11000] =	vst v63  }
0x10c: {  	_ = 	snop  }
0x10d: {  	[tilespmem:s4], [sflag:$0x2] =	stream.indirect_vreg.gather [hbm4b:s3+s2], $0x80, v3, vm0, $0xb8;
	[tilespmem:$0x11000] =	vst v63  }
0x10e: {  	v3 =	vld [tilespmem:s17+$0xFFFFFFC0];
	_ =	sdelay $0x4  }
0x10f: {  	v59 =	vshll.u32 v3, $0x1  }
0x110: {  	v3 =	vand.u32 $0x7, v3;
	v4 =	vand.u32 $0xFFFFFFF0, v59  }
0x111: {  	v3 =	vor.u32 v3, v4  }
0x112: {  	v4 =	vperm.xlane v3, v0;
	_ =	sdelay $0x1  }
0x113: {  	v3 =	vperm.xlane v3, v2;
	v4 =	vadd.s32 v1, v4;
	_ =	sdelay $0x1  }
0x114: {  	v3 =	vadd.s32 v1, v3;
	_ =	sdelay $0x2  }
0x115: {  	[tilespmem:s5], [sflag:$0x2] =	stream.indirect_vreg.gather [hbm4b:s3+s2], $0x80, v4, vm0, $0xb8;
	[tilespmem:$0x11000] =	vst v63  }
0x116: {  	_ = 	snop  }
0x117: {  	[tilespmem:s6], [sflag:$0x2] =	stream.indirect_vreg.gather [hbm4b:s3+s2], $0x80, v3, vm0, $0xb8;
	[tilespmem:$0x11000] =	vst v63  }
0x118: {  	v3 =	vld [tilespmem:s17+$0xFFFFFFD0];
	_ =	sdelay $0x4  }
0x119: {  	v60 =	vshll.u32 v3, $0x1  }
0x11a: {  	v3 =	vand.u32 $0x7, v3;
	v4 =	vand.u32 $0xFFFFFFF0, v60  }
0x11b: {  	v3 =	vor.u32 v3, v4  }
0x11c: {  	v4 =	vperm.xlane v3, v0;
	_ =	sdelay $0x1  }
0x11d: {  	v3 =	vperm.xlane v3, v2;
	v4 =	vadd.s32 v1, v4;
	_ =	sdelay $0x1  }
0x11e: {  	v3 =	vadd.s32 v1, v3;
	_ =	sdelay $0x2  }
0x11f: {  	[tilespmem:s7], [sflag:$0x2] =	stream.indirect_vreg.gather [hbm4b:s3+s2], $0x80, v4, vm0, $0xb8;
	[tilespmem:$0x11000] =	vst v63  }
0x120: {  	_ = 	snop  }
0x121: {  	[tilespmem:s9], [sflag:$0x2] =	stream.indirect_vreg.gather [hbm4b:s3+s2], $0x80, v3, vm0, $0xb8;
	[tilespmem:$0x11000] =	vst v63  }
0x122: {  	v3 =	vld [tilespmem:s17+$0xFFFFFFE0];
	_ =	sdelay $0x4  }
0x123: {  	v61 =	vshll.u32 v3, $0x1  }
0x124: {  	v3 =	vand.u32 $0x7, v3;
	v4 =	vand.u32 $0xFFFFFFF0, v61  }
0x125: {  	v3 =	vor.u32 v3, v4  }
0x126: {  	v4 =	vperm.xlane v3, v0;
	_ =	sdelay $0x1  }
0x127: {  	v3 =	vperm.xlane v3, v2;
	v4 =	vadd.s32 v1, v4;
	_ =	sdelay $0x1  }
0x128: {  	v3 =	vadd.s32 v1, v3;
	_ =	sdelay $0x2  }
0x129: {  	[tilespmem:s10], [sflag:$0x2] =	stream.indirect_vreg.gather [hbm4b:s3+s2], $0x80, v4, vm0, $0xb8;
	[tilespmem:$0x11000] =	vst v63  }
0x12a: {  	_ = 	snop  }
0x12b: {  	[tilespmem:s11], [sflag:$0x2] =	stream.indirect_vreg.gather [hbm4b:s3+s2], $0x80, v3, vm0, $0xb8;
	[tilespmem:$0x11000] =	vst v63  }
0x12c: {  	v3 =	vld [tilespmem:s17+$0xFFFFFFF0];
	_ =	sdelay $0x4  }
0x12d: {  	v62 =	vshll.u32 v3, $0x1  }
0x12e: {  	v3 =	vand.u32 $0x7, v3;
	v4 =	vand.u32 $0xFFFFFFF0, v62  }
0x12f: {  	v3 =	vor.u32 v3, v4  }
0x130: {  	v4 =	vperm.xlane v3, v0;
	_ =	sdelay $0x1  }
0x131: {  	v3 =	vperm.xlane v3, v2;
	v4 =	vadd.s32 v1, v4;
	_ =	sdelay $0x1  }
0x132: {  	v3 =	vadd.s32 v1, v3;
	_ =	sdelay $0x2  }
0x133: {  	[tilespmem:s12], [sflag:$0x2] =	stream.indirect_vreg.gather [hbm4b:s3+s2], $0x80, v4, vm0, $0xb8;
	[tilespmem:$0x11000] =	vst v63  }
0x134: {  	_ = 	snop  }
0x135: {  	[tilespmem:s13], [sflag:$0x2] =	stream.indirect_vreg.gather [hbm4b:s3+s2], $0x80, v3, vm0, $0xb8;
	[tilespmem:$0x11000] =	vst v63  }
0x136: {  	v3 =	vld [tilespmem:s17+$0x0];
	_ =	sdelay $0x4  }
0x137: {  	v63 =	vshll.u32 v3, $0x1  }
0x138: {  	v3 =	vand.u32 $0x7, v3;
	v4 =	vand.u32 $0xFFFFFFF0, v63  }
0x139: {  	v3 =	vor.u32 v3, v4  }
0x13a: {  	v4 =	vperm.xlane v3, v0;
	_ =	sdelay $0x1  }
0x13b: {  	v3 =	vperm.xlane v3, v2;
	v4 =	vadd.s32 v1, v4;
	_ =	sdelay $0x1  }
0x13c: {  	v3 =	vadd.s32 v1, v3;
	_ =	sdelay $0x2  }
0x13d: {  	[tilespmem:s14], [sflag:$0x2] =	stream.indirect_vreg.gather [hbm4b:s3+s2], $0x80, v4, vm0, $0xb8;
	[tilespmem:$0x11000] =	vst v63  }
0x13e: {  	_ = 	snop  }
0x13f: {  	[tilespmem:s15], [sflag:$0x2] =	stream.indirect_vreg.gather [hbm4b:s3+s2], $0x80, v3, vm0, $0xb8;
	[tilespmem:$0x11000] =	vst v63  }
.LBB2_7:
.Ltmp9:
0x140: {  	(pc) =	sbr.rel .LBB2_11-.Ltmp9, $2  }
0x141: {  	_ =	sdelay $0x2  }
0x142: {  	[hbm4b:s18+s2] =	stream.linear.scatter [tilespmem:s8], [sflag:$0x3], $0x8000, $0x38;
	[tilespmem:$0x11000] =	vst v63  }
.LBB2_13:
0x143: {  	_ =	sfence.sel $0x180000  }
0x144: {  	[bflag:$0x0] =	sbarrier.arrive $0xFFFF  }
0x145: {  	_ =	strace $0x90000050  }
0x146: {  	s0 =	stileid.u32;
	[bflag:$0x2] =	sbarrier.arrive $0xFFFF  }
0x147: {  	p0 =	sne.s32 s0, $0x0;
	s0 =	rddreg [dreg:$0x1]  }
0x148: {  	s0 =	sadd.s32 @!p0 $0x100000, s0  }
0x149: {  	[sflag:s0] =	ssyncadd.tile.s32 @!p0 $0x1;
	_ =	shalt  }
.Lfunc_end2:
_tile_overlayer_lowered:
.L_overlay_start_2:
0x14a: {  	(tag) =	ssettag $0x2  }
0x14b: {  	s0 =	rddreg [dreg:$0x0];
	s2 =	stileid.u32  }
0x14c: {  	s1 =	rddreg [dreg:$0x1];
	p0 =	sne.s32 s2, $0x0  }
0x14d: {  	s3 =	rddreg [dreg:$0x2];
	[bflag:$0x3] =	sbarrier.arrive $0xFFFF;
	s2 =	simm.s32 @!p0 $0x1C05  }
0x14e: {  	[timem:s3], [sflag:s2] =	dma.local @!p0 [hbm:s0], s1  }
0x14f: {  	s0 =	simm.s32 @!p0 $0x5  }
0x150: {  	_ =	swait.ge @!p0 [sflag:s0], s1  }
0x151: {  	s1 =	ssub.s32 @!p0 $0x0, s1;
	[sflag:s0] =	ssyncset.done @!p0 $0x0  }
0x152: {  	[sflag:s0] =	ssyncadd.s32 @!p0 s1  }
0x153: {  	[bflag:$0x3] =	sbarrier.arrive $0xFFFF  }
0x154: {  	_ =	shalt  }

</sc_bundles>
